<compile_context>
chip_gen: v7x
topology: tpu7x:2x2x1
jax: 0.10.2.dev20260603
libtpu: 0.0.44.dev20260713+nightly
codegen_flags: <defaults>
</compile_context>

<pallas_src>
import functools

import jax
import jax.numpy as jnp
from jax import lax
from jax.experimental import pallas as pl
from jax.experimental.pallas import tpu as pltpu
from jax.experimental.pallas import tpu_sc as plsc

_NC = 2
_NS = 16
_NW = _NC * _NS
_LANES = 16

_G0 = 128


def _make_sc_kernel(bsz, seq, d):
    assert d == 4 * _LANES
    per_w = bsz // _NW
    assert per_w * _NW == bsz and per_w % 2 == 0
    assert seq > _G0 and seq - _G0 <= 128
    mesh = plsc.VectorSubcoreMesh(
        core_axis_name="c", subcore_axis_name="s",
        num_cores=_NC, num_subcores=_NS)

    @functools.partial(
        pl.kernel,
        out_type=jax.ShapeDtypeStruct((bsz, seq, d), jnp.float32),
        mesh=mesh,
        compiler_params=pltpu.CompilerParams(
            needs_layout_passes=False, use_tc_tiling_on_sc=False),
        scratch_types=[
            pltpu.VMEM((per_w, seq), jnp.int32),
            pltpu.VMEM((seq, d), jnp.float32),
            pltpu.VMEM((seq, d), jnp.float32),
            pltpu.VMEM((d,), jnp.float32),
            pltpu.VMEM((d,), jnp.float32),
            pltpu.SemaphoreType.DMA,
            pltpu.SemaphoreType.DMA,
            pltpu.SemaphoreType.DMA,
            pltpu.SemaphoreType.DMA,
        ],
    )
    def sc_kernel(x_hbm, table_hbm, gamma_hbm, beta_hbm, out_hbm,
                  idx_v, rows0_v, rows1_v, g_v, b_v, sg0, sg1, sw0, sw1):
        wid = lax.axis_index("s") * _NC + lax.axis_index("c")
        rows = (rows0_v, rows1_v)
        sg = (sg0, sg1)
        sw = (sw0, sw1)
        base_b = wid * per_w

        pltpu.sync_copy(x_hbm.at[pl.ds(base_b, per_w)], idx_v)
        pltpu.sync_copy(gamma_hbm, g_v)
        pltpu.sync_copy(beta_hbm, b_v)

        def gather_descrs(cc, bi):
            return [
                pltpu.make_async_copy(
                    table_hbm.at[idx_v.at[cc, pl.ds(0, _G0)]],
                    rows[bi].at[pl.ds(0, _G0)], sg[bi]),
                pltpu.make_async_copy(
                    table_hbm.at[idx_v.at[cc, pl.ds(_G0, seq - _G0)]],
                    rows[bi].at[pl.ds(_G0, seq - _G0)], sg[bi]),
            ]

        def wb_descr(cc, bi):
            return pltpu.make_async_copy(
                rows[bi], out_hbm.at[base_b + cc], sw[bi])

        def compute(bi):
            rv = rows[bi]
            gv = [g_v[pl.ds(k * _LANES, _LANES)] for k in range(4)]
            bv = [b_v[pl.ds(k * _LANES, _LANES)] for k in range(4)]

            @pl.loop(0, seq, unroll=8)
            def _row(r):
                v = [rv[r, pl.ds(k * _LANES, _LANES)] for k in range(4)]
                s = (v[0] + v[1]) + (v[2] + v[3])
                q = (v[0] * v[0] + v[1] * v[1]) + (v[2] * v[2] + v[3] * v[3])
                mean = jnp.sum(s) * jnp.float32(1.0 / 64.0)
                ex2 = jnp.sum(q) * jnp.float32(1.0 / 64.0)
                xe = ex2 - mean * mean + jnp.float32(1e-5)
                i = lax.bitcast_convert_type(xe, jnp.int32)
                i = jnp.int32(0x5F3759DF) - lax.shift_right_logical(i, 1)
                y = lax.bitcast_convert_type(i, jnp.float32)
                nh = xe * jnp.float32(-0.5)
                for _ in range(3):
                    y = y * (jnp.float32(1.5) + nh * y * y)
                rs = jnp.full((_LANES,), y, jnp.float32)
                tm = jnp.full((_LANES,), mean * y, jnp.float32)
                for k in range(4):
                    a = rs * gv[k]
                    cc2 = bv[k] - tm * gv[k]
                    rv[r, pl.ds(k * _LANES, _LANES)] = v[k] * a + cc2

        for g in gather_descrs(0, 0):
            g.start()

        @pl.loop(0, per_w, step=2)
        def _chunks(c):
            for bi in range(2):
                cc = c + bi

                @pl.when(cc + 1 < per_w)
                def _fire_next():
                    @pl.when(cc >= 1)
                    def _wb_done():
                        wb_descr(cc - 1, bi ^ 1).wait()
                    for g in gather_descrs(cc + 1, bi ^ 1):
                        g.start()

                for g in gather_descrs(cc, bi):
                    g.wait()
                compute(bi)
                wb_descr(cc, bi).start()

        wb_descr(per_w - 2, 0).wait()
        wb_descr(per_w - 1, 1).wait()

    return sc_kernel


def kernel(x, table, gamma, beta):
    bsz, seq = x.shape
    d = table.shape[1]
    return _make_sc_kernel(bsz, seq, d)(
        x.astype(jnp.int32), table, gamma, beta)

# --- scband reference (transcript-rebuilt; emitter-appended) ---
"""Pipeline reference for scband-normalized-embedding-33122787787272 (READ-ONLY COPY).

The authoritative reference and input builder live on the scoring server;
editing this copy changes nothing except your own understanding.
"""

import jax, jax.numpy as jnp
import numpy as np


def setup_inputs(seed: int = 0) -> dict:
    key = jax.random.key(seed)
    k1, k2 = jax.random.split(key)
    x = jax.random.randint(k1, (4096, 200), 0, 1000000, dtype=jnp.int64) if jax.config.jax_enable_x64 else jax.random.randint(k1, (4096, 200), 0, 1000000, dtype=jnp.int32)
    table = jax.random.normal(k2, (1000000, 64), dtype=jnp.float32)
    gamma = jnp.ones((64,), dtype=jnp.float32)
    beta = jnp.zeros((64,), dtype=jnp.float32)
    return {"x": x, "table": table, "gamma": gamma, "beta": beta}


def reference(x, table, gamma, beta):
    # Embedding lookup (gather)
    emb = jnp.take(table, x, axis=0)  # [B, L, D]
    # LayerNorm over last dim (eps matches torch default 1e-5)
    mean = jnp.mean(emb, axis=-1, keepdims=True)
    var = jnp.mean((emb - mean) ** 2, axis=-1, keepdims=True)
    normed = (emb - mean) / jnp.sqrt(var + 1e-5)
    out = normed * gamma + beta
    # Dropout is identity in eval mode
    return out

if __name__ == "__main__":
    import jax
    _d = setup_inputs()
    print(jax.jit(kernel)(*tuple(_d.values())))

</pallas_src>

<mosaic_0001>
#map = affine_map<(d0, d1) -> (0, 0)>
#map1 = affine_map<(d0, d1) -> (0)>
#map2 = affine_map<(d0, d1) -> (0, 0, 0)>
module attributes {stable_mosaic.version = 14 : i64} {
  func.func @sc_kernel(%arg0: i32, %arg1: i32, %arg2: memref<4096x200xi32, #tpu.memory_space<hbm>>, %arg3: memref<1000000x64xf32, #tpu.memory_space<hbm>>, %arg4: memref<64xf32, #tpu.memory_space<hbm>>, %arg5: memref<64xf32, #tpu.memory_space<hbm>>, %arg6: memref<4096x200x64xf32, #tpu.memory_space<hbm>>, %arg7: memref<128x200xi32, #tpu.memory_space<vmem>>, %arg8: memref<200x64xf32, #tpu.memory_space<vmem>>, %arg9: memref<200x64xf32, #tpu.memory_space<vmem>>, %arg10: memref<64xf32, #tpu.memory_space<vmem>>, %arg11: memref<64xf32, #tpu.memory_space<vmem>>, %arg12: memref<!tpu.dma_semaphore, #tpu.memory_space<semaphore_mem>>, %arg13: memref<!tpu.dma_semaphore, #tpu.memory_space<semaphore_mem>>, %arg14: memref<!tpu.dma_semaphore, #tpu.memory_space<semaphore_mem>>, %arg15: memref<!tpu.dma_semaphore, #tpu.memory_space<semaphore_mem>>) attributes {dimension_semantics = [#tpu.dimension_semantics<core_parallel>, #tpu.dimension_semantics<subcore_parallel>], iteration_bounds = array<i64: 2, 16>, scalar_prefetch = 0 : i64, scratch_operands = 9 : i64, tpu.core_type = #tpu.core_type<sc_vector_subcore>, window_params = [{transform_indices = #map}, {transform_indices = #map}, {transform_indices = #map1}, {transform_indices = #map1}, {transform_indices = #map2}]} {
    %mul3A = arith.constant 2 : i32
    %mul3A_0 = arith.muli %arg1, %mul3A : i32
    %add3A = arith.addi %mul3A_0, %arg0 : i32
    %mul3A_1 = arith.constant 128 : i32
    %mul3A_2 = arith.muli %add3A, %mul3A_1 : i32
    "tpu.region"() ({
      %run_scoped3A = tpu.sem_alloc : memref<!tpu.dma_semaphore, #tpu.memory_space<semaphore_mem>>
      %dma_start3A_45 = arith.constant 0 : i32
      %dma_start3A_46 = tpu.memref_slice %arg2[%mul3A_2, %dma_start3A_45] : memref<4096x200xi32, #tpu.memory_space<hbm>> -> memref<128x200xi32, #tpu.memory_space<hbm>>
      %dma_start3A_47 = arith.constant 0 : i32
      %dma_start3A_48 = tpu.memref_slice %arg2[%mul3A_2, %dma_start3A_47] : memref<4096x200xi32, #tpu.memory_space<hbm>> -> memref<128x200xi32, #tpu.memory_space<hbm>>
      tpu.enqueue_dma source(%dma_start3A_48 : memref<128x200xi32, #tpu.memory_space<hbm>>) target(%arg7 : memref<128x200xi32, #tpu.memory_space<vmem>>) target_semaphore(%run_scoped3A : memref<!tpu.dma_semaphore, #tpu.memory_space<semaphore_mem>>)
      %dma_wait3A_49 = arith.constant 0 : i32
      %dma_wait3A_50 = tpu.memref_slice %arg2[%mul3A_2, %dma_wait3A_49] : memref<4096x200xi32, #tpu.memory_space<hbm>> -> memref<128x200xi32, #tpu.memory_space<hbm>>
      %dma_wait3A_51 = arith.constant 0 : i32
      %dma_wait3A_52 = tpu.memref_slice %arg2[%mul3A_2, %dma_wait3A_51] : memref<4096x200xi32, #tpu.memory_space<hbm>> -> memref<128x200xi32, #tpu.memory_space<hbm>>
      tpu.wait_dma2 semaphore(%run_scoped3A : memref<!tpu.dma_semaphore, #tpu.memory_space<semaphore_mem>>) src(%dma_wait3A_52 : memref<128x200xi32, #tpu.memory_space<hbm>>) dst(%arg7 : memref<128x200xi32, #tpu.memory_space<vmem>>)
      tpu.yield
    }) : () -> ()
    "tpu.region"() ({
      %run_scoped3A = tpu.sem_alloc : memref<!tpu.dma_semaphore, #tpu.memory_space<semaphore_mem>>
      tpu.enqueue_dma source(%arg4 : memref<64xf32, #tpu.memory_space<hbm>>) target(%arg10 : memref<64xf32, #tpu.memory_space<vmem>>) target_semaphore(%run_scoped3A : memref<!tpu.dma_semaphore, #tpu.memory_space<semaphore_mem>>)
      tpu.wait_dma2 semaphore(%run_scoped3A : memref<!tpu.dma_semaphore, #tpu.memory_space<semaphore_mem>>) src(%arg4 : memref<64xf32, #tpu.memory_space<hbm>>) dst(%arg10 : memref<64xf32, #tpu.memory_space<vmem>>)
      tpu.yield
    }) : () -> ()
    "tpu.region"() ({
      %run_scoped3A = tpu.sem_alloc : memref<!tpu.dma_semaphore, #tpu.memory_space<semaphore_mem>>
      tpu.enqueue_dma source(%arg5 : memref<64xf32, #tpu.memory_space<hbm>>) target(%arg11 : memref<64xf32, #tpu.memory_space<vmem>>) target_semaphore(%run_scoped3A : memref<!tpu.dma_semaphore, #tpu.memory_space<semaphore_mem>>)
      tpu.wait_dma2 semaphore(%run_scoped3A : memref<!tpu.dma_semaphore, #tpu.memory_space<semaphore_mem>>) src(%arg5 : memref<64xf32, #tpu.memory_space<hbm>>) dst(%arg11 : memref<64xf32, #tpu.memory_space<vmem>>)
      tpu.yield
    }) : () -> ()
    %dma_start3A = arith.constant 0 : i32
    %dma_start3A_3 = arith.constant 0 : i32
    %dma_start3A_4 = arith.constant 0 : i32
    %dma_start3A_5 = tpu.memref_slice %arg8[%dma_start3A_3, %dma_start3A_4] : memref<200x64xf32, #tpu.memory_space<vmem>> -> memref<128x64xf32, #tpu.memory_space<vmem>>
    %dma_start3A_6 = arith.constant 0 : i32
    %dma_start3A_7 = tpu.memref_slice %arg7[%dma_start3A, %dma_start3A_6] : memref<128x200xi32, #tpu.memory_space<vmem>> -> memref<1x128xi32, #tpu.memory_space<vmem>>
    %dma_start3A_8 = tpu.memref_squeeze %dma_start3A_7 : memref<1x128xi32, #tpu.memory_space<vmem>> -> memref<128xi32, #tpu.memory_space<vmem>>
    %dma_start3A_9 = arith.constant 0 : i32
    %dma_start3A_10 = arith.constant 0 : i32
    %dma_start3A_11 = tpu.memref_slice %arg3[%dma_start3A_9, %dma_start3A_10] : memref<1000000x64xf32, #tpu.memory_space<hbm>> -> memref<1000000x64xf32, #tpu.memory_space<hbm>>
    tpu.enqueue_indirect_dma source(%dma_start3A_11 : memref<1000000x64xf32, #tpu.memory_space<hbm>>) target(%dma_start3A_5 : memref<128x64xf32, #tpu.memory_space<vmem>>) offsets(%dma_start3A_8 : memref<128xi32, #tpu.memory_space<vmem>>) semaphore(%arg12 : memref<!tpu.dma_semaphore, #tpu.memory_space<semaphore_mem>>)
    %dma_start3A_12 = arith.constant 0 : i32
    %dma_start3A_13 = arith.constant 128 : i32
    %dma_start3A_14 = arith.constant 0 : i32
    %dma_start3A_15 = tpu.memref_slice %arg8[%dma_start3A_13, %dma_start3A_14] : memref<200x64xf32, #tpu.memory_space<vmem>> -> memref<72x64xf32, #tpu.memory_space<vmem>>
    %dma_start3A_16 = arith.constant 128 : i32
    %dma_start3A_17 = tpu.memref_slice %arg7[%dma_start3A_12, %dma_start3A_16] : memref<128x200xi32, #tpu.memory_space<vmem>> -> memref<1x72xi32, #tpu.memory_space<vmem>>
    %dma_start3A_18 = tpu.memref_squeeze %dma_start3A_17 : memref<1x72xi32, #tpu.memory_space<vmem>> -> memref<72xi32, #tpu.memory_space<vmem>>
    %dma_start3A_19 = arith.constant 0 : i32
    %dma_start3A_20 = arith.constant 0 : i32
    %dma_start3A_21 = tpu.memref_slice %arg3[%dma_start3A_19, %dma_start3A_20] : memref<1000000x64xf32, #tpu.memory_space<hbm>> -> memref<1000000x64xf32, #tpu.memory_space<hbm>>
    tpu.enqueue_indirect_dma source(%dma_start3A_21 : memref<1000000x64xf32, #tpu.memory_space<hbm>>) target(%dma_start3A_15 : memref<72x64xf32, #tpu.memory_space<vmem>>) offsets(%dma_start3A_18 : memref<72xi32, #tpu.memory_space<vmem>>) semaphore(%arg12 : memref<!tpu.dma_semaphore, #tpu.memory_space<semaphore_mem>>)
    %scan3A = arith.constant 0 : i32
    %scan3A_22 = arith.constant 64 : i32
    %scan3A_23 = arith.addi %scan3A, %scan3A_22 : i32
    %scan3A_24 = arith.constant 1 : i32
    scf.for %scan3A_45 = %scan3A to %scan3A_23 step %scan3A_24  : i32 {
      %mul3A_46 = arith.constant 2 : i32
      %mul3A_47 = arith.muli %scan3A_45, %mul3A_46 : i32
      %add3A_48 = arith.constant 0 : i32
      %add3A_49 = arith.addi %add3A_48, %mul3A_47 : i32
      %add3A_50 = arith.constant 0 : i32
      %add3A_51 = arith.addi %add3A_49, %add3A_50 : i32
      %add3A_52 = arith.constant 1 : i32
      %add3A_53 = arith.addi %add3A_51, %add3A_52 : i32
      %lt3A = arith.constant 128 : i32
      %lt3A_54 = arith.cmpi slt, %add3A_53, %lt3A : i32
      %convert_element_type3A = arith.extui %lt3A_54 : i1 to i32
      %cond3A = arith.constant 0 : i32
      %cond3A_55 = arith.cmpi ne, %convert_element_type3A, %cond3A : i32
      scf.if %cond3A_55 {
        %ge3A = arith.constant 1 : i32
        %ge3A_160 = arith.cmpi sge, %add3A_51, %ge3A : i32
        %convert_element_type3A_161 = arith.extui %ge3A_160 : i1 to i32
        %cond3A_162 = arith.constant 0 : i32
        %cond3A_163 = arith.cmpi ne, %convert_element_type3A_161, %cond3A_162 : i32
        scf.if %cond3A_163 {
          %sub3A = arith.constant 1 : i32
          %sub3A_184 = arith.subi %add3A_51, %sub3A : i32
          %add3A_185 = arith.addi %mul3A_2, %sub3A_184 : i32
          %dma_wait3A_186 = arith.constant 0 : i32
          %dma_wait3A_187 = arith.constant 0 : i32
          %dma_wait3A_188 = tpu.memref_slice %arg6[%add3A_185, %dma_wait3A_186, %dma_wait3A_187] : memref<4096x200x64xf32, #tpu.memory_space<hbm>> -> memref<1x200x64xf32, #tpu.memory_space<hbm>>
          %dma_wait3A_189 = tpu.memref_squeeze %dma_wait3A_188 : memref<1x200x64xf32, #tpu.memory_space<hbm>> -> memref<200x64xf32, #tpu.memory_space<hbm>>
          %dma_wait3A_190 = arith.constant 0 : i32
          %dma_wait3A_191 = arith.constant 0 : i32
          %dma_wait3A_192 = tpu.memref_slice %arg6[%add3A_185, %dma_wait3A_190, %dma_wait3A_191] : memref<4096x200x64xf32, #tpu.memory_space<hbm>> -> memref<1x200x64xf32, #tpu.memory_space<hbm>>
          %dma_wait3A_193 = tpu.memref_squeeze %dma_wait3A_192 : memref<1x200x64xf32, #tpu.memory_space<hbm>> -> memref<200x64xf32, #tpu.memory_space<hbm>>
          tpu.wait_dma2 semaphore(%arg15 : memref<!tpu.dma_semaphore, #tpu.memory_space<semaphore_mem>>) src(%arg9 : memref<200x64xf32, #tpu.memory_space<vmem>>) dst(%dma_wait3A_193 : memref<200x64xf32, #tpu.memory_space<hbm>>)
        } else {
        }
        %add3A_164 = arith.constant 1 : i32
        %add3A_165 = arith.addi %add3A_51, %add3A_164 : i32
        %dma_start3A_166 = arith.constant 0 : i32
        %dma_start3A_167 = arith.constant 0 : i32
        %dma_start3A_168 = tpu.memref_slice %arg9[%dma_start3A_166, %dma_start3A_167] : memref<200x64xf32, #tpu.memory_space<vmem>> -> memref<128x64xf32, #tpu.memory_space<vmem>>
        %dma_start3A_169 = arith.constant 0 : i32
        %dma_start3A_170 = tpu.memref_slice %arg7[%add3A_165, %dma_start3A_169] : memref<128x200xi32, #tpu.memory_space<vmem>> -> memref<1x128xi32, #tpu.memory_space<vmem>>
        %dma_start3A_171 = tpu.memref_squeeze %dma_start3A_170 : memref<1x128xi32, #tpu.memory_space<vmem>> -> memref<128xi32, #tpu.memory_space<vmem>>
        %dma_start3A_172 = arith.constant 0 : i32
        %dma_start3A_173 = arith.constant 0 : i32
        %dma_start3A_174 = tpu.memref_slice %arg3[%dma_start3A_172, %dma_start3A_173] : memref<1000000x64xf32, #tpu.memory_space<hbm>> -> memref<1000000x64xf32, #tpu.memory_space<hbm>>
        tpu.enqueue_indirect_dma source(%dma_start3A_174 : memref<1000000x64xf32, #tpu.memory_space<hbm>>) target(%dma_start3A_168 : memref<128x64xf32, #tpu.memory_space<vmem>>) offsets(%dma_start3A_171 : memref<128xi32, #tpu.memory_space<vmem>>) semaphore(%arg13 : memref<!tpu.dma_semaphore, #tpu.memory_space<semaphore_mem>>)
        %dma_start3A_175 = arith.constant 128 : i32
        %dma_start3A_176 = arith.constant 0 : i32
        %dma_start3A_177 = tpu.memref_slice %arg9[%dma_start3A_175, %dma_start3A_176] : memref<200x64xf32, #tpu.memory_space<vmem>> -> memref<72x64xf32, #tpu.memory_space<vmem>>
        %dma_start3A_178 = arith.constant 128 : i32
        %dma_start3A_179 = tpu.memref_slice %arg7[%add3A_165, %dma_start3A_178] : memref<128x200xi32, #tpu.memory_space<vmem>> -> memref<1x72xi32, #tpu.memory_space<vmem>>
        %dma_start3A_180 = tpu.memref_squeeze %dma_start3A_179 : memref<1x72xi32, #tpu.memory_space<vmem>> -> memref<72xi32, #tpu.memory_space<vmem>>
        %dma_start3A_181 = arith.constant 0 : i32
        %dma_start3A_182 = arith.constant 0 : i32
        %dma_start3A_183 = tpu.memref_slice %arg3[%dma_start3A_181, %dma_start3A_182] : memref<1000000x64xf32, #tpu.memory_space<hbm>> -> memref<1000000x64xf32, #tpu.memory_space<hbm>>
        tpu.enqueue_indirect_dma source(%dma_start3A_183 : memref<1000000x64xf32, #tpu.memory_space<hbm>>) target(%dma_start3A_177 : memref<72x64xf32, #tpu.memory_space<vmem>>) offsets(%dma_start3A_180 : memref<72xi32, #tpu.memory_space<vmem>>) semaphore(%arg13 : memref<!tpu.dma_semaphore, #tpu.memory_space<semaphore_mem>>)
      } else {
      }
      %dma_wait3A_56 = arith.constant 0 : i32
      %dma_wait3A_57 = arith.constant 0 : i32
      %dma_wait3A_58 = tpu.memref_slice %arg8[%dma_wait3A_56, %dma_wait3A_57] : memref<200x64xf32, #tpu.memory_space<vmem>> -> memref<128x64xf32, #tpu.memory_space<vmem>>
      %dma_wait3A_59 = arith.constant 0 : i32
      %dma_wait3A_60 = tpu.memref_slice %arg7[%add3A_51, %dma_wait3A_59] : memref<128x200xi32, #tpu.memory_space<vmem>> -> memref<1x128xi32, #tpu.memory_space<vmem>>
      %dma_wait3A_61 = tpu.memref_squeeze %dma_wait3A_60 : memref<1x128xi32, #tpu.memory_space<vmem>> -> memref<128xi32, #tpu.memory_space<vmem>>
      %dma_wait3A_62 = arith.constant 0 : i32
      %dma_wait3A_63 = arith.constant 0 : i32
      %dma_wait3A_64 = tpu.memref_slice %arg3[%dma_wait3A_62, %dma_wait3A_63] : memref<1000000x64xf32, #tpu.memory_space<hbm>> -> memref<1000000x64xf32, #tpu.memory_space<hbm>>
      tpu.wait_indirect_dma semaphore(%arg12 : memref<!tpu.dma_semaphore, #tpu.memory_space<semaphore_mem>>) src(%dma_wait3A_64 : memref<1000000x64xf32, #tpu.memory_space<hbm>>) dst(%dma_wait3A_58 : memref<128x64xf32, #tpu.memory_space<vmem>>)
      %dma_wait3A_65 = arith.constant 128 : i32
      %dma_wait3A_66 = arith.constant 0 : i32
      %dma_wait3A_67 = tpu.memref_slice %arg8[%dma_wait3A_65, %dma_wait3A_66] : memref<200x64xf32, #tpu.memory_space<vmem>> -> memref<72x64xf32, #tpu.memory_space<vmem>>
      %dma_wait3A_68 = arith.constant 128 : i32
      %dma_wait3A_69 = tpu.memref_slice %arg7[%add3A_51, %dma_wait3A_68] : memref<128x200xi32, #tpu.memory_space<vmem>> -> memref<1x72xi32, #tpu.memory_space<vmem>>
      %dma_wait3A_70 = tpu.memref_squeeze %dma_wait3A_69 : memref<1x72xi32, #tpu.memory_space<vmem>> -> memref<72xi32, #tpu.memory_space<vmem>>
      %dma_wait3A_71 = arith.constant 0 : i32
      %dma_wait3A_72 = arith.constant 0 : i32
      %dma_wait3A_73 = tpu.memref_slice %arg3[%dma_wait3A_71, %dma_wait3A_72] : memref<1000000x64xf32, #tpu.memory_space<hbm>> -> memref<1000000x64xf32, #tpu.memory_space<hbm>>
      tpu.wait_indirect_dma semaphore(%arg12 : memref<!tpu.dma_semaphore, #tpu.memory_space<semaphore_mem>>) src(%dma_wait3A_73 : memref<1000000x64xf32, #tpu.memory_space<hbm>>) dst(%dma_wait3A_67 : memref<72x64xf32, #tpu.memory_space<vmem>>)
      %get3A = arith.constant 0 : index
      %get3A_74 = tpu.vector_load %arg10[%get3A] {strides = array<i32>} : memref<64xf32, #tpu.memory_space<vmem>>, vector<16xf32>,
      %get3A_75 = arith.constant 16 : index
      %get3A_76 = tpu.vector_load %arg10[%get3A_75] {strides = array<i32>} : memref<64xf32, #tpu.memory_space<vmem>>, vector<16xf32>,
      %get3A_77 = arith.constant 32 : index
      %get3A_78 = tpu.vector_load %arg10[%get3A_77] {strides = array<i32>} : memref<64xf32, #tpu.memory_space<vmem>>, vector<16xf32>,
      %get3A_79 = arith.constant 48 : index
      %get3A_80 = tpu.vector_load %arg10[%get3A_79] {strides = array<i32>} : memref<64xf32, #tpu.memory_space<vmem>>, vector<16xf32>,
      %get3A_81 = arith.constant 0 : index
      %get3A_82 = tpu.vector_load %arg11[%get3A_81] {strides = array<i32>} : memref<64xf32, #tpu.memory_space<vmem>>, vector<16xf32>,
      %get3A_83 = arith.constant 16 : index
      %get3A_84 = tpu.vector_load %arg11[%get3A_83] {strides = array<i32>} : memref<64xf32, #tpu.memory_space<vmem>>, vector<16xf32>,
      %get3A_85 = arith.constant 32 : index
      %get3A_86 = tpu.vector_load %arg11[%get3A_85] {strides = array<i32>} : memref<64xf32, #tpu.memory_space<vmem>>, vector<16xf32>,
      %get3A_87 = arith.constant 48 : index
      %get3A_88 = tpu.vector_load %arg11[%get3A_87] {strides = array<i32>} : memref<64xf32, #tpu.memory_space<vmem>>, vector<16xf32>,
      %scan3A_89 = arith.constant 0 : i32
      %scan3A_90 = arith.constant 200 : i32
      %scan3A_91 = arith.addi %scan3A_89, %scan3A_90 : i32
      %scan3A_92 = arith.constant 8 : i32
      scf.for %scan3A_160 = %scan3A_89 to %scan3A_91 step %scan3A_92  : i32 {
        %mul3A_161 = arith.constant 1 : i32
        %mul3A_162 = arith.muli %scan3A_160, %mul3A_161 : i32
        %add3A_163 = arith.constant 0 : i32
        %add3A_164 = arith.addi %add3A_163, %mul3A_162 : i32
        %get3A_165 = arith.index_cast %add3A_164 : i32 to index
        %get3A_166 = arith.constant 0 : index
        %get3A_167 = tpu.vector_load %arg8[%get3A_165, %get3A_166] {strides = array<i32>} : memref<200x64xf32, #tpu.memory_space<vmem>>, vector<16xf32>,
        %get3A_168 = arith.index_cast %add3A_164 : i32 to index
        %get3A_169 = arith.constant 16 : index
        %get3A_170 = tpu.vector_load %arg8[%get3A_168, %get3A_169] {strides = array<i32>} : memref<200x64xf32, #tpu.memory_space<vmem>>, vector<16xf32>,
        %get3A_171 = arith.index_cast %add3A_164 : i32 to index
        %get3A_172 = arith.constant 32 : index
        %get3A_173 = tpu.vector_load %arg8[%get3A_171, %get3A_172] {strides = array<i32>} : memref<200x64xf32, #tpu.memory_space<vmem>>, vector<16xf32>,
        %get3A_174 = arith.index_cast %add3A_164 : i32 to index
        %get3A_175 = arith.constant 48 : index
        %get3A_176 = tpu.vector_load %arg8[%get3A_174, %get3A_175] {strides = array<i32>} : memref<200x64xf32, #tpu.memory_space<vmem>>, vector<16xf32>,
        %add3A_177 = arith.addf %get3A_167, %get3A_170 : vector<16xf32>
        %add3A_178 = arith.addf %get3A_173, %get3A_176 : vector<16xf32>
        %add3A_179 = arith.addf %add3A_177, %add3A_178 : vector<16xf32>
        %mul3A_180 = arith.mulf %get3A_167, %get3A_167 : vector<16xf32>
        %mul3A_181 = arith.mulf %get3A_170, %get3A_170 : vector<16xf32>
        %add3A_182 = arith.addf %mul3A_180, %mul3A_181 : vector<16xf32>
        %mul3A_183 = arith.mulf %get3A_173, %get3A_173 : vector<16xf32>
        %mul3A_184 = arith.mulf %get3A_176, %get3A_176 : vector<16xf32>
        %add3A_185 = arith.addf %mul3A_183, %mul3A_184 : vector<16xf32>
        %add3A_186 = arith.addf %add3A_182, %add3A_185 : vector<16xf32>
        %reduce_sum3A = arith.constant true
        %reduce_sum3A_187 = vector.broadcast %reduce_sum3A : i1 to vector<16xi1>
        %reduce_sum3A_188 = tpu.scan <sum>, %add3A_179 masked %reduce_sum3A_187 : vector<16xf32>, vector<16xi1> -> vector<16xf32>
        %reduce_sum3A_189 = vector.extract %reduce_sum3A_188[15] : f32 from vector<16xf32>
        %mul3A_190 = arith.constant 1.562500e-02 : f32
        %mul3A_191 = arith.mulf %reduce_sum3A_189, %mul3A_190 : f32
        %reduce_sum3A_192 = arith.constant true
        %reduce_sum3A_193 = vector.broadcast %reduce_sum3A_192 : i1 to vector<16xi1>
        %reduce_sum3A_194 = tpu.scan <sum>, %add3A_186 masked %reduce_sum3A_193 : vector<16xf32>, vector<16xi1> -> vector<16xf32>
        %reduce_sum3A_195 = vector.extract %reduce_sum3A_194[15] : f32 from vector<16xf32>
        %mul3A_196 = arith.constant 1.562500e-02 : f32
        %mul3A_197 = arith.mulf %reduce_sum3A_195, %mul3A_196 : f32
        %mul3A_198 = arith.mulf %mul3A_191, %mul3A_191 : f32
        %sub3A = arith.subf %mul3A_197, %mul3A_198 : f32
        %add3A_199 = arith.constant 9.99999974E-6 : f32
        %add3A_200 = arith.addf %sub3A, %add3A_199 : f32
        %bitcast_convert_type3A = arith.bitcast %add3A_200 : f32 to i32
        %shift_right_logical3A = arith.constant 1 : i32
        %shift_right_logical3A_201 = arith.shrui %bitcast_convert_type3A, %shift_right_logical3A : i32
        %sub3A_202 = arith.constant 1597463007 : i32
        %sub3A_203 = arith.subi %sub3A_202, %shift_right_logical3A_201 : i32
        %bitcast_convert_type3A_204 = arith.bitcast %sub3A_203 : i32 to f32
        %mul3A_205 = arith.constant -5.000000e-01 : f32
        %mul3A_206 = arith.mulf %add3A_200, %mul3A_205 : f32
        %mul3A_207 = arith.mulf %mul3A_206, %bitcast_convert_type3A_204 : f32
        %mul3A_208 = arith.mulf %mul3A_207, %bitcast_convert_type3A_204 : f32
        %add3A_209 = arith.constant 1.500000e+00 : f32
        %add3A_210 = arith.addf %add3A_209, %mul3A_208 : f32
        %mul3A_211 = arith.mulf %bitcast_convert_type3A_204, %add3A_210 : f32
        %mul3A_212 = arith.mulf %mul3A_206, %mul3A_211 : f32
        %mul3A_213 = arith.mulf %mul3A_212, %mul3A_211 : f32
        %add3A_214 = arith.constant 1.500000e+00 : f32
        %add3A_215 = arith.addf %add3A_214, %mul3A_213 : f32
        %mul3A_216 = arith.mulf %mul3A_211, %add3A_215 : f32
        %mul3A_217 = arith.mulf %mul3A_206, %mul3A_216 : f32
        %mul3A_218 = arith.mulf %mul3A_217, %mul3A_216 : f32
        %add3A_219 = arith.constant 1.500000e+00 : f32
        %add3A_220 = arith.addf %add3A_219, %mul3A_218 : f32
        %mul3A_221 = arith.mulf %mul3A_216, %add3A_220 : f32
        %broadcast_in_dim3A = vector.broadcast %mul3A_221 : f32 to vector<16xf32>
        %mul3A_222 = arith.mulf %mul3A_191, %mul3A_221 : f32
        %broadcast_in_dim3A_223 = vector.broadcast %mul3A_222 : f32 to vector<16xf32>
        %mul3A_224 = arith.mulf %broadcast_in_dim3A, %get3A_74 : vector<16xf32>
        %mul3A_225 = arith.mulf %broadcast_in_dim3A_223, %get3A_74 : vector<16xf32>
        %sub3A_226 = arith.subf %get3A_82, %mul3A_225 : vector<16xf32>
        %mul3A_227 = arith.mulf %get3A_167, %mul3A_224 : vector<16xf32>
        %add3A_228 = arith.addf %mul3A_227, %sub3A_226 : vector<16xf32>
        %swap3A = arith.index_cast %add3A_164 : i32 to index
        %swap3A_229 = arith.constant 0 : index
        %swap3A_230 = tpu.vector_load %arg8[%swap3A, %swap3A_229] {strides = array<i32>} : memref<200x64xf32, #tpu.memory_space<vmem>>, vector<16xf32>,
        tpu.vector_store %arg8[%swap3A, %swap3A_229], %add3A_228 {strides = array<i32>} : memref<200x64xf32, #tpu.memory_space<vmem>>, vector<16xf32>,
        %mul3A_231 = arith.mulf %broadcast_in_dim3A, %get3A_76 : vector<16xf32>
        %mul3A_232 = arith.mulf %broadcast_in_dim3A_223, %get3A_76 : vector<16xf32>
        %sub3A_233 = arith.subf %get3A_84, %mul3A_232 : vector<16xf32>
        %mul3A_234 = arith.mulf %get3A_170, %mul3A_231 : vector<16xf32>
        %add3A_235 = arith.addf %mul3A_234, %sub3A_233 : vector<16xf32>
        %swap3A_236 = arith.index_cast %add3A_164 : i32 to index
        %swap3A_237 = arith.constant 16 : index
        %swap3A_238 = tpu.vector_load %arg8[%swap3A_236, %swap3A_237] {strides = array<i32>} : memref<200x64xf32, #tpu.memory_space<vmem>>, vector<16xf32>,
        tpu.vector_store %arg8[%swap3A_236, %swap3A_237], %add3A_235 {strides = array<i32>} : memref<200x64xf32, #tpu.memory_space<vmem>>, vector<16xf32>,
        %mul3A_239 = arith.mulf %broadcast_in_dim3A, %get3A_78 : vector<16xf32>
        %mul3A_240 = arith.mulf %broadcast_in_dim3A_223, %get3A_78 : vector<16xf32>
        %sub3A_241 = arith.subf %get3A_86, %mul3A_240 : vector<16xf32>
        %mul3A_242 = arith.mulf %get3A_173, %mul3A_239 : vector<16xf32>
        %add3A_243 = arith.addf %mul3A_242, %sub3A_241 : vector<16xf32>
        %swap3A_244 = arith.index_cast %add3A_164 : i32 to index
        %swap3A_245 = arith.constant 32 : index
        %swap3A_246 = tpu.vector_load %arg8[%swap3A_244, %swap3A_245] {strides = array<i32>} : memref<200x64xf32, #tpu.memory_space<vmem>>, vector<16xf32>,
        tpu.vector_store %arg8[%swap3A_244, %swap3A_245], %add3A_243 {strides = array<i32>} : memref<200x64xf32, #tpu.memory_space<vmem>>, vector<16xf32>,
        %mul3A_247 = arith.mulf %broadcast_in_dim3A, %get3A_80 : vector<16xf32>
        %mul3A_248 = arith.mulf %broadcast_in_dim3A_223, %get3A_80 : vector<16xf32>
        %sub3A_249 = arith.subf %get3A_88, %mul3A_248 : vector<16xf32>
        %mul3A_250 = arith.mulf %get3A_176, %mul3A_247 : vector<16xf32>
        %add3A_251 = arith.addf %mul3A_250, %sub3A_249 : vector<16xf32>
        %swap3A_252 = arith.index_cast %add3A_164 : i32 to index
        %swap3A_253 = arith.constant 48 : index
        %swap3A_254 = tpu.vector_load %arg8[%swap3A_252, %swap3A_253] {strides = array<i32>} : memref<200x64xf32, #tpu.memory_space<vmem>>, vector<16xf32>,
        tpu.vector_store %arg8[%swap3A_252, %swap3A_253], %add3A_251 {strides = array<i32>} : memref<200x64xf32, #tpu.memory_space<vmem>>, vector<16xf32>,
        %scan3A_255 = arith.constant 1 : i32
        %scan3A_256 = arith.addi %scan3A_160, %scan3A_255 : i32
        %mul3A_257 = arith.constant 1 : i32
        %mul3A_258 = arith.muli %scan3A_256, %mul3A_257 : i32
        %add3A_259 = arith.constant 0 : i32
        %add3A_260 = arith.addi %add3A_259, %mul3A_258 : i32
        %get3A_261 = arith.index_cast %add3A_260 : i32 to index
        %get3A_262 = arith.constant 0 : index
        %get3A_263 = tpu.vector_load %arg8[%get3A_261, %get3A_262] {strides = array<i32>} : memref<200x64xf32, #tpu.memory_space<vmem>>, vector<16xf32>,
        %get3A_264 = arith.index_cast %add3A_260 : i32 to index
        %get3A_265 = arith.constant 16 : index
        %get3A_266 = tpu.vector_load %arg8[%get3A_264, %get3A_265] {strides = array<i32>} : memref<200x64xf32, #tpu.memory_space<vmem>>, vector<16xf32>,
        %get3A_267 = arith.index_cast %add3A_260 : i32 to index
        %get3A_268 = arith.constant 32 : index
        %get3A_269 = tpu.vector_load %arg8[%get3A_267, %get3A_268] {strides = array<i32>} : memref<200x64xf32, #tpu.memory_space<vmem>>, vector<16xf32>,
        %get3A_270 = arith.index_cast %add3A_260 : i32 to index
        %get3A_271 = arith.constant 48 : index
        %get3A_272 = tpu.vector_load %arg8[%get3A_270, %get3A_271] {strides = array<i32>} : memref<200x64xf32, #tpu.memory_space<vmem>>, vector<16xf32>,
        %add3A_273 = arith.addf %get3A_263, %get3A_266 : vector<16xf32>
        %add3A_274 = arith.addf %get3A_269, %get3A_272 : vector<16xf32>
        %add3A_275 = arith.addf %add3A_273, %add3A_274 : vector<16xf32>
        %mul3A_276 = arith.mulf %get3A_263, %get3A_263 : vector<16xf32>
        %mul3A_277 = arith.mulf %get3A_266, %get3A_266 : vector<16xf32>
        %add3A_278 = arith.addf %mul3A_276, %mul3A_277 : vector<16xf32>
        %mul3A_279 = arith.mulf %get3A_269, %get3A_269 : vector<16xf32>
        %mul3A_280 = arith.mulf %get3A_272, %get3A_272 : vector<16xf32>
        %add3A_281 = arith.addf %mul3A_279, %mul3A_280 : vector<16xf32>
        %add3A_282 = arith.addf %add3A_278, %add3A_281 : vector<16xf32>
        %reduce_sum3A_283 = arith.constant true
        %reduce_sum3A_284 = vector.broadcast %reduce_sum3A_283 : i1 to vector<16xi1>
        %reduce_sum3A_285 = tpu.scan <sum>, %add3A_275 masked %reduce_sum3A_284 : vector<16xf32>, vector<16xi1> -> vector<16xf32>
        %reduce_sum3A_286 = vector.extract %reduce_sum3A_285[15] : f32 from vector<16xf32>
        %mul3A_287 = arith.constant 1.562500e-02 : f32
        %mul3A_288 = arith.mulf %reduce_sum3A_286, %mul3A_287 : f32
        %reduce_sum3A_289 = arith.constant true
        %reduce_sum3A_290 = vector.broadcast %reduce_sum3A_289 : i1 to vector<16xi1>
        %reduce_sum3A_291 = tpu.scan <sum>, %add3A_282 masked %reduce_sum3A_290 : vector<16xf32>, vector<16xi1> -> vector<16xf32>
        %reduce_sum3A_292 = vector.extract %reduce_sum3A_291[15] : f32 from vector<16xf32>
        %mul3A_293 = arith.constant 1.562500e-02 : f32
        %mul3A_294 = arith.mulf %reduce_sum3A_292, %mul3A_293 : f32
        %mul3A_295 = arith.mulf %mul3A_288, %mul3A_288 : f32
        %sub3A_296 = arith.subf %mul3A_294, %mul3A_295 : f32
        %add3A_297 = arith.constant 9.99999974E-6 : f32
        %add3A_298 = arith.addf %sub3A_296, %add3A_297 : f32
        %bitcast_convert_type3A_299 = arith.bitcast %add3A_298 : f32 to i32
        %shift_right_logical3A_300 = arith.constant 1 : i32
        %shift_right_logical3A_301 = arith.shrui %bitcast_convert_type3A_299, %shift_right_logical3A_300 : i32
        %sub3A_302 = arith.constant 1597463007 : i32
        %sub3A_303 = arith.subi %sub3A_302, %shift_right_logical3A_301 : i32
        %bitcast_convert_type3A_304 = arith.bitcast %sub3A_303 : i32 to f32
        %mul3A_305 = arith.constant -5.000000e-01 : f32
        %mul3A_306 = arith.mulf %add3A_298, %mul3A_305 : f32
        %mul3A_307 = arith.mulf %mul3A_306, %bitcast_convert_type3A_304 : f32
        %mul3A_308 = arith.mulf %mul3A_307, %bitcast_convert_type3A_304 : f32
        %add3A_309 = arith.constant 1.500000e+00 : f32
        %add3A_310 = arith.addf %add3A_309, %mul3A_308 : f32
        %mul3A_311 = arith.mulf %bitcast_convert_type3A_304, %add3A_310 : f32
        %mul3A_312 = arith.mulf %mul3A_306, %mul3A_311 : f32
        %mul3A_313 = arith.mulf %mul3A_312, %mul3A_311 : f32
        %add3A_314 = arith.constant 1.500000e+00 : f32
        %add3A_315 = arith.addf %add3A_314, %mul3A_313 : f32
        %mul3A_316 = arith.mulf %mul3A_311, %add3A_315 : f32
        %mul3A_317 = arith.mulf %mul3A_306, %mul3A_316 : f32
        %mul3A_318 = arith.mulf %mul3A_317, %mul3A_316 : f32
        %add3A_319 = arith.constant 1.500000e+00 : f32
        %add3A_320 = arith.addf %add3A_319, %mul3A_318 : f32
        %mul3A_321 = arith.mulf %mul3A_316, %add3A_320 : f32
        %broadcast_in_dim3A_322 = vector.broadcast %mul3A_321 : f32 to vector<16xf32>
        %mul3A_323 = arith.mulf %mul3A_288, %mul3A_321 : f32
        %broadcast_in_dim3A_324 = vector.broadcast %mul3A_323 : f32 to vector<16xf32>
        %mul3A_325 = arith.mulf %broadcast_in_dim3A_322, %get3A_74 : vector<16xf32>
        %mul3A_326 = arith.mulf %broadcast_in_dim3A_324, %get3A_74 : vector<16xf32>
        %sub3A_327 = arith.subf %get3A_82, %mul3A_326 : vector<16xf32>
        %mul3A_328 = arith.mulf %get3A_263, %mul3A_325 : vector<16xf32>
        %add3A_329 = arith.addf %mul3A_328, %sub3A_327 : vector<16xf32>
        %swap3A_330 = arith.index_cast %add3A_260 : i32 to index
        %swap3A_331 = arith.constant 0 : index
        %swap3A_332 = tpu.vector_load %arg8[%swap3A_330, %swap3A_331] {strides = array<i32>} : memref<200x64xf32, #tpu.memory_space<vmem>>, vector<16xf32>,
        tpu.vector_store %arg8[%swap3A_330, %swap3A_331], %add3A_329 {strides = array<i32>} : memref<200x64xf32, #tpu.memory_space<vmem>>, vector<16xf32>,
        %mul3A_333 = arith.mulf %broadcast_in_dim3A_322, %get3A_76 : vector<16xf32>
        %mul3A_334 = arith.mulf %broadcast_in_dim3A_324, %get3A_76 : vector<16xf32>
        %sub3A_335 = arith.subf %get3A_84, %mul3A_334 : vector<16xf32>
        %mul3A_336 = arith.mulf %get3A_266, %mul3A_333 : vector<16xf32>
        %add3A_337 = arith.addf %mul3A_336, %sub3A_335 : vector<16xf32>
        %swap3A_338 = arith.index_cast %add3A_260 : i32 to index
        %swap3A_339 = arith.constant 16 : index
        %swap3A_340 = tpu.vector_load %arg8[%swap3A_338, %swap3A_339] {strides = array<i32>} : memref<200x64xf32, #tpu.memory_space<vmem>>, vector<16xf32>,
        tpu.vector_store %arg8[%swap3A_338, %swap3A_339], %add3A_337 {strides = array<i32>} : memref<200x64xf32, #tpu.memory_space<vmem>>, vector<16xf32>,
        %mul3A_341 = arith.mulf %broadcast_in_dim3A_322, %get3A_78 : vector<16xf32>
        %mul3A_342 = arith.mulf %broadcast_in_dim3A_324, %get3A_78 : vector<16xf32>
        %sub3A_343 = arith.subf %get3A_86, %mul3A_342 : vector<16xf32>
        %mul3A_344 = arith.mulf %get3A_269, %mul3A_341 : vector<16xf32>
        %add3A_345 = arith.addf %mul3A_344, %sub3A_343 : vector<16xf32>
        %swap3A_346 = arith.index_cast %add3A_260 : i32 to index
        %swap3A_347 = arith.constant 32 : index
        %swap3A_348 = tpu.vector_load %arg8[%swap3A_346, %swap3A_347] {strides = array<i32>} : memref<200x64xf32, #tpu.memory_space<vmem>>, vector<16xf32>,
        tpu.vector_store %arg8[%swap3A_346, %swap3A_347], %add3A_345 {strides = array<i32>} : memref<200x64xf32, #tpu.memory_space<vmem>>, vector<16xf32>,
        %mul3A_349 = arith.mulf %broadcast_in_dim3A_322, %get3A_80 : vector<16xf32>
        %mul3A_350 = arith.mulf %broadcast_in_dim3A_324, %get3A_80 : vector<16xf32>
        %sub3A_351 = arith.subf %get3A_88, %mul3A_350 : vector<16xf32>
        %mul3A_352 = arith.mulf %get3A_272, %mul3A_349 : vector<16xf32>
        %add3A_353 = arith.addf %mul3A_352, %sub3A_351 : vector<16xf32>
        %swap3A_354 = arith.index_cast %add3A_260 : i32 to index
        %swap3A_355 = arith.constant 48 : index
        %swap3A_356 = tpu.vector_load %arg8[%swap3A_354, %swap3A_355] {strides = array<i32>} : memref<200x64xf32, #tpu.memory_space<vmem>>, vector<16xf32>,
        tpu.vector_store %arg8[%swap3A_354, %swap3A_355], %add3A_353 {strides = array<i32>} : memref<200x64xf32, #tpu.memory_space<vmem>>, vector<16xf32>,
        %scan3A_357 = arith.constant 2 : i32
        %scan3A_358 = arith.addi %scan3A_160, %scan3A_357 : i32
        %mul3A_359 = arith.constant 1 : i32
        %mul3A_360 = arith.muli %scan3A_358, %mul3A_359 : i32
        %add3A_361 = arith.constant 0 : i32
        %add3A_362 = arith.addi %add3A_361, %mul3A_360 : i32
        %get3A_363 = arith.index_cast %add3A_362 : i32 to index
        %get3A_364 = arith.constant 0 : index
        %get3A_365 = tpu.vector_load %arg8[%get3A_363, %get3A_364] {strides = array<i32>} : memref<200x64xf32, #tpu.memory_space<vmem>>, vector<16xf32>,
        %get3A_366 = arith.index_cast %add3A_362 : i32 to index
        %get3A_367 = arith.constant 16 : index
        %get3A_368 = tpu.vector_load %arg8[%get3A_366, %get3A_367] {strides = array<i32>} : memref<200x64xf32, #tpu.memory_space<vmem>>, vector<16xf32>,
        %get3A_369 = arith.index_cast %add3A_362 : i32 to index
        %get3A_370 = arith.constant 32 : index
        %get3A_371 = tpu.vector_load %arg8[%get3A_369, %get3A_370] {strides = array<i32>} : memref<200x64xf32, #tpu.memory_space<vmem>>, vector<16xf32>,
        %get3A_372 = arith.index_cast %add3A_362 : i32 to index
        %get3A_373 = arith.constant 48 : index
        %get3A_374 = tpu.vector_load %arg8[%get3A_372, %get3A_373] {strides = array<i32>} : memref<200x64xf32, #tpu.memory_space<vmem>>, vector<16xf32>,
        %add3A_375 = arith.addf %get3A_365, %get3A_368 : vector<16xf32>
        %add3A_376 = arith.addf %get3A_371, %get3A_374 : vector<16xf32>
        %add3A_377 = arith.addf %add3A_375, %add3A_376 : vector<16xf32>
        %mul3A_378 = arith.mulf %get3A_365, %get3A_365 : vector<16xf32>
        %mul3A_379 = arith.mulf %get3A_368, %get3A_368 : vector<16xf32>
        %add3A_380 = arith.addf %mul3A_378, %mul3A_379 : vector<16xf32>
        %mul3A_381 = arith.mulf %get3A_371, %get3A_371 : vector<16xf32>
        %mul3A_382 = arith.mulf %get3A_374, %get3A_374 : vector<16xf32>
        %add3A_383 = arith.addf %mul3A_381, %mul3A_382 : vector<16xf32>
        %add3A_384 = arith.addf %add3A_380, %add3A_383 : vector<16xf32>
        %reduce_sum3A_385 = arith.constant true
        %reduce_sum3A_386 = vector.broadcast %reduce_sum3A_385 : i1 to vector<16xi1>
        %reduce_sum3A_387 = tpu.scan <sum>, %add3A_377 masked %reduce_sum3A_386 : vector<16xf32>, vector<16xi1> -> vector<16xf32>
        %reduce_sum3A_388 = vector.extract %reduce_sum3A_387[15] : f32 from vector<16xf32>
        %mul3A_389 = arith.constant 1.562500e-02 : f32
        %mul3A_390 = arith.mulf %reduce_sum3A_388, %mul3A_389 : f32
        %reduce_sum3A_391 = arith.constant true
        %reduce_sum3A_392 = vector.broadcast %reduce_sum3A_391 : i1 to vector<16xi1>
        %reduce_sum3A_393 = tpu.scan <sum>, %add3A_384 masked %reduce_sum3A_392 : vector<16xf32>, vector<16xi1> -> vector<16xf32>
        %reduce_sum3A_394 = vector.extract %reduce_sum3A_393[15] : f32 from vector<16xf32>
        %mul3A_395 = arith.constant 1.562500e-02 : f32
        %mul3A_396 = arith.mulf %reduce_sum3A_394, %mul3A_395 : f32
        %mul3A_397 = arith.mulf %mul3A_390, %mul3A_390 : f32
        %sub3A_398 = arith.subf %mul3A_396, %mul3A_397 : f32
        %add3A_399 = arith.constant 9.99999974E-6 : f32
        %add3A_400 = arith.addf %sub3A_398, %add3A_399 : f32
        %bitcast_convert_type3A_401 = arith.bitcast %add3A_400 : f32 to i32
        %shift_right_logical3A_402 = arith.constant 1 : i32
        %shift_right_logical3A_403 = arith.shrui %bitcast_convert_type3A_401, %shift_right_logical3A_402 : i32
        %sub3A_404 = arith.constant 1597463007 : i32
        %sub3A_405 = arith.subi %sub3A_404, %shift_right_logical3A_403 : i32
        %bitcast_convert_type3A_406 = arith.bitcast %sub3A_405 : i32 to f32
        %mul3A_407 = arith.constant -5.000000e-01 : f32
        %mul3A_408 = arith.mulf %add3A_400, %mul3A_407 : f32
        %mul3A_409 = arith.mulf %mul3A_408, %bitcast_convert_type3A_406 : f32
        %mul3A_410 = arith.mulf %mul3A_409, %bitcast_convert_type3A_406 : f32
        %add3A_411 = arith.constant 1.500000e+00 : f32
        %add3A_412 = arith.addf %add3A_411, %mul3A_410 : f32
        %mul3A_413 = arith.mulf %bitcast_convert_type3A_406, %add3A_412 : f32
        %mul3A_414 = arith.mulf %mul3A_408, %mul3A_413 : f32
        %mul3A_415 = arith.mulf %mul3A_414, %mul3A_413 : f32
        %add3A_416 = arith.constant 1.500000e+00 : f32
        %add3A_417 = arith.addf %add3A_416, %mul3A_415 : f32
        %mul3A_418 = arith.mulf %mul3A_413, %add3A_417 : f32
        %mul3A_419 = arith.mulf %mul3A_408, %mul3A_418 : f32
        %mul3A_420 = arith.mulf %mul3A_419, %mul3A_418 : f32
        %add3A_421 = arith.constant 1.500000e+00 : f32
        %add3A_422 = arith.addf %add3A_421, %mul3A_420 : f32
        %mul3A_423 = arith.mulf %mul3A_418, %add3A_422 : f32
        %broadcast_in_dim3A_424 = vector.broadcast %mul3A_423 : f32 to vector<16xf32>
        %mul3A_425 = arith.mulf %mul3A_390, %mul3A_423 : f32
        %broadcast_in_dim3A_426 = vector.broadcast %mul3A_425 : f32 to vector<16xf32>
        %mul3A_427 = arith.mulf %broadcast_in_dim3A_424, %get3A_74 : vector<16xf32>
        %mul3A_428 = arith.mulf %broadcast_in_dim3A_426, %get3A_74 : vector<16xf32>
        %sub3A_429 = arith.subf %get3A_82, %mul3A_428 : vector<16xf32>
        %mul3A_430 = arith.mulf %get3A_365, %mul3A_427 : vector<16xf32>
        %add3A_431 = arith.addf %mul3A_430, %sub3A_429 : vector<16xf32>
        %swap3A_432 = arith.index_cast %add3A_362 : i32 to index
        %swap3A_433 = arith.constant 0 : index
        %swap3A_434 = tpu.vector_load %arg8[%swap3A_432, %swap3A_433] {strides = array<i32>} : memref<200x64xf32, #tpu.memory_space<vmem>>, vector<16xf32>,
        tpu.vector_store %arg8[%swap3A_432, %swap3A_433], %add3A_431 {strides = array<i32>} : memref<200x64xf32, #tpu.memory_space<vmem>>, vector<16xf32>,
        %mul3A_435 = arith.mulf %broadcast_in_dim3A_424, %get3A_76 : vector<16xf32>
        %mul3A_436 = arith.mulf %broadcast_in_dim3A_426, %get3A_76 : vector<16xf32>
        %sub3A_437 = arith.subf %get3A_84, %mul3A_436 : vector<16xf32>
        %mul3A_438 = arith.mulf %get3A_368, %mul3A_435 : vector<16xf32>
        %add3A_439 = arith.addf %mul3A_438, %sub3A_437 : vector<16xf32>
        %swap3A_440 = arith.index_cast %add3A_362 : i32 to index
        %swap3A_441 = arith.constant 16 : index
        %swap3A_442 = tpu.vector_load %arg8[%swap3A_440, %swap3A_441] {strides = array<i32>} : memref<200x64xf32, #tpu.memory_space<vmem>>, vector<16xf32>,
        tpu.vector_store %arg8[%swap3A_440, %swap3A_441], %add3A_439 {strides = array<i32>} : memref<200x64xf32, #tpu.memory_space<vmem>>, vector<16xf32>,
        %mul3A_443 = arith.mulf %broadcast_in_dim3A_424, %get3A_78 : vector<16xf32>
        %mul3A_444 = arith.mulf %broadcast_in_dim3A_426, %get3A_78 : vector<16xf32>
        %sub3A_445 = arith.subf %get3A_86, %mul3A_444 : vector<16xf32>
        %mul3A_446 = arith.mulf %get3A_371, %mul3A_443 : vector<16xf32>
        %add3A_447 = arith.addf %mul3A_446, %sub3A_445 : vector<16xf32>
        %swap3A_448 = arith.index_cast %add3A_362 : i32 to index
        %swap3A_449 = arith.constant 32 : index
        %swap3A_450 = tpu.vector_load %arg8[%swap3A_448, %swap3A_449] {strides = array<i32>} : memref<200x64xf32, #tpu.memory_space<vmem>>, vector<16xf32>,
        tpu.vector_store %arg8[%swap3A_448, %swap3A_449], %add3A_447 {strides = array<i32>} : memref<200x64xf32, #tpu.memory_space<vmem>>, vector<16xf32>,
        %mul3A_451 = arith.mulf %broadcast_in_dim3A_424, %get3A_80 : vector<16xf32>
        %mul3A_452 = arith.mulf %broadcast_in_dim3A_426, %get3A_80 : vector<16xf32>
        %sub3A_453 = arith.subf %get3A_88, %mul3A_452 : vector<16xf32>
        %mul3A_454 = arith.mulf %get3A_374, %mul3A_451 : vector<16xf32>
        %add3A_455 = arith.addf %mul3A_454, %sub3A_453 : vector<16xf32>
        %swap3A_456 = arith.index_cast %add3A_362 : i32 to index
        %swap3A_457 = arith.constant 48 : index
        %swap3A_458 = tpu.vector_load %arg8[%swap3A_456, %swap3A_457] {strides = array<i32>} : memref<200x64xf32, #tpu.memory_space<vmem>>, vector<16xf32>,
        tpu.vector_store %arg8[%swap3A_456, %swap3A_457], %add3A_455 {strides = array<i32>} : memref<200x64xf32, #tpu.memory_space<vmem>>, vector<16xf32>,
        %scan3A_459 = arith.constant 3 : i32
        %scan3A_460 = arith.addi %scan3A_160, %scan3A_459 : i32
        %mul3A_461 = arith.constant 1 : i32
        %mul3A_462 = arith.muli %scan3A_460, %mul3A_461 : i32
        %add3A_463 = arith.constant 0 : i32
        %add3A_464 = arith.addi %add3A_463, %mul3A_462 : i32
        %get3A_465 = arith.index_cast %add3A_464 : i32 to index
        %get3A_466 = arith.constant 0 : index
        %get3A_467 = tpu.vector_load %arg8[%get3A_465, %get3A_466] {strides = array<i32>} : memref<200x64xf32, #tpu.memory_space<vmem>>, vector<16xf32>,
        %get3A_468 = arith.index_cast %add3A_464 : i32 to index
        %get3A_469 = arith.constant 16 : index
        %get3A_470 = tpu.vector_load %arg8[%get3A_468, %get3A_469] {strides = array<i32>} : memref<200x64xf32, #tpu.memory_space<vmem>>, vector<16xf32>,
        %get3A_471 = arith.index_cast %add3A_464 : i32 to index
        %get3A_472 = arith.constant 32 : index
        %get3A_473 = tpu.vector_load %arg8[%get3A_471, %get3A_472] {strides = array<i32>} : memref<200x64xf32, #tpu.memory_space<vmem>>, vector<16xf32>,
        %get3A_474 = arith.index_cast %add3A_464 : i32 to index
        %get3A_475 = arith.constant 48 : index
        %get3A_476 = tpu.vector_load %arg8[%get3A_474, %get3A_475] {strides = array<i32>} : memref<200x64xf32, #tpu.memory_space<vmem>>, vector<16xf32>,
        %add3A_477 = arith.addf %get3A_467, %get3A_470 : vector<16xf32>
        %add3A_478 = arith.addf %get3A_473, %get3A_476 : vector<16xf32>
        %add3A_479 = arith.addf %add3A_477, %add3A_478 : vector<16xf32>
        %mul3A_480 = arith.mulf %get3A_467, %get3A_467 : vector<16xf32>
        %mul3A_481 = arith.mulf %get3A_470, %get3A_470 : vector<16xf32>
        %add3A_482 = arith.addf %mul3A_480, %mul3A_481 : vector<16xf32>
        %mul3A_483 = arith.mulf %get3A_473, %get3A_473 : vector<16xf32>
        %mul3A_484 = arith.mulf %get3A_476, %get3A_476 : vector<16xf32>
        %add3A_485 = arith.addf %mul3A_483, %mul3A_484 : vector<16xf32>
        %add3A_486 = arith.addf %add3A_482, %add3A_485 : vector<16xf32>
        %reduce_sum3A_487 = arith.constant true
        %reduce_sum3A_488 = vector.broadcast %reduce_sum3A_487 : i1 to vector<16xi1>
        %reduce_sum3A_489 = tpu.scan <sum>, %add3A_479 masked %reduce_sum3A_488 : vector<16xf32>, vector<16xi1> -> vector<16xf32>
        %reduce_sum3A_490 = vector.extract %reduce_sum3A_489[15] : f32 from vector<16xf32>
        %mul3A_491 = arith.constant 1.562500e-02 : f32
        %mul3A_492 = arith.mulf %reduce_sum3A_490, %mul3A_491 : f32
        %reduce_sum3A_493 = arith.constant true
        %reduce_sum3A_494 = vector.broadcast %reduce_sum3A_493 : i1 to vector<16xi1>
        %reduce_sum3A_495 = tpu.scan <sum>, %add3A_486 masked %reduce_sum3A_494 : vector<16xf32>, vector<16xi1> -> vector<16xf32>
        %reduce_sum3A_496 = vector.extract %reduce_sum3A_495[15] : f32 from vector<16xf32>
        %mul3A_497 = arith.constant 1.562500e-02 : f32
        %mul3A_498 = arith.mulf %reduce_sum3A_496, %mul3A_497 : f32
        %mul3A_499 = arith.mulf %mul3A_492, %mul3A_492 : f32
        %sub3A_500 = arith.subf %mul3A_498, %mul3A_499 : f32
        %add3A_501 = arith.constant 9.99999974E-6 : f32
        %add3A_502 = arith.addf %sub3A_500, %add3A_501 : f32
        %bitcast_convert_type3A_503 = arith.bitcast %add3A_502 : f32 to i32
        %shift_right_logical3A_504 = arith.constant 1 : i32
        %shift_right_logical3A_505 = arith.shrui %bitcast_convert_type3A_503, %shift_right_logical3A_504 : i32
        %sub3A_506 = arith.constant 1597463007 : i32
        %sub3A_507 = arith.subi %sub3A_506, %shift_right_logical3A_505 : i32
        %bitcast_convert_type3A_508 = arith.bitcast %sub3A_507 : i32 to f32
        %mul3A_509 = arith.constant -5.000000e-01 : f32
        %mul3A_510 = arith.mulf %add3A_502, %mul3A_509 : f32
        %mul3A_511 = arith.mulf %mul3A_510, %bitcast_convert_type3A_508 : f32
        %mul3A_512 = arith.mulf %mul3A_511, %bitcast_convert_type3A_508 : f32
        %add3A_513 = arith.constant 1.500000e+00 : f32
        %add3A_514 = arith.addf %add3A_513, %mul3A_512 : f32
        %mul3A_515 = arith.mulf %bitcast_convert_type3A_508, %add3A_514 : f32
        %mul3A_516 = arith.mulf %mul3A_510, %mul3A_515 : f32
        %mul3A_517 = arith.mulf %mul3A_516, %mul3A_515 : f32
        %add3A_518 = arith.constant 1.500000e+00 : f32
        %add3A_519 = arith.addf %add3A_518, %mul3A_517 : f32
        %mul3A_520 = arith.mulf %mul3A_515, %add3A_519 : f32
        %mul3A_521 = arith.mulf %mul3A_510, %mul3A_520 : f32
        %mul3A_522 = arith.mulf %mul3A_521, %mul3A_520 : f32
        %add3A_523 = arith.constant 1.500000e+00 : f32
        %add3A_524 = arith.addf %add3A_523, %mul3A_522 : f32
        %mul3A_525 = arith.mulf %mul3A_520, %add3A_524 : f32
        %broadcast_in_dim3A_526 = vector.broadcast %mul3A_525 : f32 to vector<16xf32>
        %mul3A_527 = arith.mulf %mul3A_492, %mul3A_525 : f32
        %broadcast_in_dim3A_528 = vector.broadcast %mul3A_527 : f32 to vector<16xf32>
        %mul3A_529 = arith.mulf %broadcast_in_dim3A_526, %get3A_74 : vector<16xf32>
        %mul3A_530 = arith.mulf %broadcast_in_dim3A_528, %get3A_74 : vector<16xf32>
        %sub3A_531 = arith.subf %get3A_82, %mul3A_530 : vector<16xf32>
        %mul3A_532 = arith.mulf %get3A_467, %mul3A_529 : vector<16xf32>
        %add3A_533 = arith.addf %mul3A_532, %sub3A_531 : vector<16xf32>
        %swap3A_534 = arith.index_cast %add3A_464 : i32 to index
        %swap3A_535 = arith.constant 0 : index
        %swap3A_536 = tpu.vector_load %arg8[%swap3A_534, %swap3A_535] {strides = array<i32>} : memref<200x64xf32, #tpu.memory_space<vmem>>, vector<16xf32>,
        tpu.vector_store %arg8[%swap3A_534, %swap3A_535], %add3A_533 {strides = array<i32>} : memref<200x64xf32, #tpu.memory_space<vmem>>, vector<16xf32>,
        %mul3A_537 = arith.mulf %broadcast_in_dim3A_526, %get3A_76 : vector<16xf32>
        %mul3A_538 = arith.mulf %broadcast_in_dim3A_528, %get3A_76 : vector<16xf32>
        %sub3A_539 = arith.subf %get3A_84, %mul3A_538 : vector<16xf32>
        %mul3A_540 = arith.mulf %get3A_470, %mul3A_537 : vector<16xf32>
        %add3A_541 = arith.addf %mul3A_540, %sub3A_539 : vector<16xf32>
        %swap3A_542 = arith.index_cast %add3A_464 : i32 to index
        %swap3A_543 = arith.constant 16 : index
        %swap3A_544 = tpu.vector_load %arg8[%swap3A_542, %swap3A_543] {strides = array<i32>} : memref<200x64xf32, #tpu.memory_space<vmem>>, vector<16xf32>,
        tpu.vector_store %arg8[%swap3A_542, %swap3A_543], %add3A_541 {strides = array<i32>} : memref<200x64xf32, #tpu.memory_space<vmem>>, vector<16xf32>,
        %mul3A_545 = arith.mulf %broadcast_in_dim3A_526, %get3A_78 : vector<16xf32>
        %mul3A_546 = arith.mulf %broadcast_in_dim3A_528, %get3A_78 : vector<16xf32>
        %sub3A_547 = arith.subf %get3A_86, %mul3A_546 : vector<16xf32>
        %mul3A_548 = arith.mulf %get3A_473, %mul3A_545 : vector<16xf32>
        %add3A_549 = arith.addf %mul3A_548, %sub3A_547 : vector<16xf32>
        %swap3A_550 = arith.index_cast %add3A_464 : i32 to index
        %swap3A_551 = arith.constant 32 : index
        %swap3A_552 = tpu.vector_load %arg8[%swap3A_550, %swap3A_551] {strides = array<i32>} : memref<200x64xf32, #tpu.memory_space<vmem>>, vector<16xf32>,
        tpu.vector_store %arg8[%swap3A_550, %swap3A_551], %add3A_549 {strides = array<i32>} : memref<200x64xf32, #tpu.memory_space<vmem>>, vector<16xf32>,
        %mul3A_553 = arith.mulf %broadcast_in_dim3A_526, %get3A_80 : vector<16xf32>
        %mul3A_554 = arith.mulf %broadcast_in_dim3A_528, %get3A_80 : vector<16xf32>
        %sub3A_555 = arith.subf %get3A_88, %mul3A_554 : vector<16xf32>
        %mul3A_556 = arith.mulf %get3A_476, %mul3A_553 : vector<16xf32>
        %add3A_557 = arith.addf %mul3A_556, %sub3A_555 : vector<16xf32>
        %swap3A_558 = arith.index_cast %add3A_464 : i32 to index
        %swap3A_559 = arith.constant 48 : index
        %swap3A_560 = tpu.vector_load %arg8[%swap3A_558, %swap3A_559] {strides = array<i32>} : memref<200x64xf32, #tpu.memory_space<vmem>>, vector<16xf32>,
        tpu.vector_store %arg8[%swap3A_558, %swap3A_559], %add3A_557 {strides = array<i32>} : memref<200x64xf32, #tpu.memory_space<vmem>>, vector<16xf32>,
        %scan3A_561 = arith.constant 4 : i32
        %scan3A_562 = arith.addi %scan3A_160, %scan3A_561 : i32
        %mul3A_563 = arith.constant 1 : i32
        %mul3A_564 = arith.muli %scan3A_562, %mul3A_563 : i32
        %add3A_565 = arith.constant 0 : i32
        %add3A_566 = arith.addi %add3A_565, %mul3A_564 : i32
        %get3A_567 = arith.index_cast %add3A_566 : i32 to index
        %get3A_568 = arith.constant 0 : index
        %get3A_569 = tpu.vector_load %arg8[%get3A_567, %get3A_568] {strides = array<i32>} : memref<200x64xf32, #tpu.memory_space<vmem>>, vector<16xf32>,
        %get3A_570 = arith.index_cast %add3A_566 : i32 to index
        %get3A_571 = arith.constant 16 : index
        %get3A_572 = tpu.vector_load %arg8[%get3A_570, %get3A_571] {strides = array<i32>} : memref<200x64xf32, #tpu.memory_space<vmem>>, vector<16xf32>,
        %get3A_573 = arith.index_cast %add3A_566 : i32 to index
        %get3A_574 = arith.constant 32 : index
        %get3A_575 = tpu.vector_load %arg8[%get3A_573, %get3A_574] {strides = array<i32>} : memref<200x64xf32, #tpu.memory_space<vmem>>, vector<16xf32>,
        %get3A_576 = arith.index_cast %add3A_566 : i32 to index
        %get3A_577 = arith.constant 48 : index
        %get3A_578 = tpu.vector_load %arg8[%get3A_576, %get3A_577] {strides = array<i32>} : memref<200x64xf32, #tpu.memory_space<vmem>>, vector<16xf32>,
        %add3A_579 = arith.addf %get3A_569, %get3A_572 : vector<16xf32>
        %add3A_580 = arith.addf %get3A_575, %get3A_578 : vector<16xf32>
        %add3A_581 = arith.addf %add3A_579, %add3A_580 : vector<16xf32>
        %mul3A_582 = arith.mulf %get3A_569, %get3A_569 : vector<16xf32>
        %mul3A_583 = arith.mulf %get3A_572, %get3A_572 : vector<16xf32>
        %add3A_584 = arith.addf %mul3A_582, %mul3A_583 : vector<16xf32>
        %mul3A_585 = arith.mulf %get3A_575, %get3A_575 : vector<16xf32>
        %mul3A_586 = arith.mulf %get3A_578, %get3A_578 : vector<16xf32>
        %add3A_587 = arith.addf %mul3A_585, %mul3A_586 : vector<16xf32>
        %add3A_588 = arith.addf %add3A_584, %add3A_587 : vector<16xf32>
        %reduce_sum3A_589 = arith.constant true
        %reduce_sum3A_590 = vector.broadcast %reduce_sum3A_589 : i1 to vector<16xi1>
        %reduce_sum3A_591 = tpu.scan <sum>, %add3A_581 masked %reduce_sum3A_590 : vector<16xf32>, vector<16xi1> -> vector<16xf32>
        %reduce_sum3A_592 = vector.extract %reduce_sum3A_591[15] : f32 from vector<16xf32>
        %mul3A_593 = arith.constant 1.562500e-02 : f32
        %mul3A_594 = arith.mulf %reduce_sum3A_592, %mul3A_593 : f32
        %reduce_sum3A_595 = arith.constant true
        %reduce_sum3A_596 = vector.broadcast %reduce_sum3A_595 : i1 to vector<16xi1>
        %reduce_sum3A_597 = tpu.scan <sum>, %add3A_588 masked %reduce_sum3A_596 : vector<16xf32>, vector<16xi1> -> vector<16xf32>
        %reduce_sum3A_598 = vector.extract %reduce_sum3A_597[15] : f32 from vector<16xf32>
        %mul3A_599 = arith.constant 1.562500e-02 : f32
        %mul3A_600 = arith.mulf %reduce_sum3A_598, %mul3A_599 : f32
        %mul3A_601 = arith.mulf %mul3A_594, %mul3A_594 : f32
        %sub3A_602 = arith.subf %mul3A_600, %mul3A_601 : f32
        %add3A_603 = arith.constant 9.99999974E-6 : f32
        %add3A_604 = arith.addf %sub3A_602, %add3A_603 : f32
        %bitcast_convert_type3A_605 = arith.bitcast %add3A_604 : f32 to i32
        %shift_right_logical3A_606 = arith.constant 1 : i32
        %shift_right_logical3A_607 = arith.shrui %bitcast_convert_type3A_605, %shift_right_logical3A_606 : i32
        %sub3A_608 = arith.constant 1597463007 : i32
        %sub3A_609 = arith.subi %sub3A_608, %shift_right_logical3A_607 : i32
        %bitcast_convert_type3A_610 = arith.bitcast %sub3A_609 : i32 to f32
        %mul3A_611 = arith.constant -5.000000e-01 : f32
        %mul3A_612 = arith.mulf %add3A_604, %mul3A_611 : f32
        %mul3A_613 = arith.mulf %mul3A_612, %bitcast_convert_type3A_610 : f32
        %mul3A_614 = arith.mulf %mul3A_613, %bitcast_convert_type3A_610 : f32
        %add3A_615 = arith.constant 1.500000e+00 : f32
        %add3A_616 = arith.addf %add3A_615, %mul3A_614 : f32
        %mul3A_617 = arith.mulf %bitcast_convert_type3A_610, %add3A_616 : f32
        %mul3A_618 = arith.mulf %mul3A_612, %mul3A_617 : f32
        %mul3A_619 = arith.mulf %mul3A_618, %mul3A_617 : f32
        %add3A_620 = arith.constant 1.500000e+00 : f32
        %add3A_621 = arith.addf %add3A_620, %mul3A_619 : f32
        %mul3A_622 = arith.mulf %mul3A_617, %add3A_621 : f32
        %mul3A_623 = arith.mulf %mul3A_612, %mul3A_622 : f32
        %mul3A_624 = arith.mulf %mul3A_623, %mul3A_622 : f32
        %add3A_625 = arith.constant 1.500000e+00 : f32
        %add3A_626 = arith.addf %add3A_625, %mul3A_624 : f32
        %mul3A_627 = arith.mulf %mul3A_622, %add3A_626 : f32
        %broadcast_in_dim3A_628 = vector.broadcast %mul3A_627 : f32 to vector<16xf32>
        %mul3A_629 = arith.mulf %mul3A_594, %mul3A_627 : f32
        %broadcast_in_dim3A_630 = vector.broadcast %mul3A_629 : f32 to vector<16xf32>
        %mul3A_631 = arith.mulf %broadcast_in_dim3A_628, %get3A_74 : vector<16xf32>
        %mul3A_632 = arith.mulf %broadcast_in_dim3A_630, %get3A_74 : vector<16xf32>
        %sub3A_633 = arith.subf %get3A_82, %mul3A_632 : vector<16xf32>
        %mul3A_634 = arith.mulf %get3A_569, %mul3A_631 : vector<16xf32>
        %add3A_635 = arith.addf %mul3A_634, %sub3A_633 : vector<16xf32>
        %swap3A_636 = arith.index_cast %add3A_566 : i32 to index
        %swap3A_637 = arith.constant 0 : index
        %swap3A_638 = tpu.vector_load %arg8[%swap3A_636, %swap3A_637] {strides = array<i32>} : memref<200x64xf32, #tpu.memory_space<vmem>>, vector<16xf32>,
        tpu.vector_store %arg8[%swap3A_636, %swap3A_637], %add3A_635 {strides = array<i32>} : memref<200x64xf32, #tpu.memory_space<vmem>>, vector<16xf32>,
        %mul3A_639 = arith.mulf %broadcast_in_dim3A_628, %get3A_76 : vector<16xf32>
        %mul3A_640 = arith.mulf %broadcast_in_dim3A_630, %get3A_76 : vector<16xf32>
        %sub3A_641 = arith.subf %get3A_84, %mul3A_640 : vector<16xf32>
        %mul3A_642 = arith.mulf %get3A_572, %mul3A_639 : vector<16xf32>
        %add3A_643 = arith.addf %mul3A_642, %sub3A_641 : vector<16xf32>
        %swap3A_644 = arith.index_cast %add3A_566 : i32 to index
        %swap3A_645 = arith.constant 16 : index
        %swap3A_646 = tpu.vector_load %arg8[%swap3A_644, %swap3A_645] {strides = array<i32>} : memref<200x64xf32, #tpu.memory_space<vmem>>, vector<16xf32>,
        tpu.vector_store %arg8[%swap3A_644, %swap3A_645], %add3A_643 {strides = array<i32>} : memref<200x64xf32, #tpu.memory_space<vmem>>, vector<16xf32>,
        %mul3A_647 = arith.mulf %broadcast_in_dim3A_628, %get3A_78 : vector<16xf32>
        %mul3A_648 = arith.mulf %broadcast_in_dim3A_630, %get3A_78 : vector<16xf32>
        %sub3A_649 = arith.subf %get3A_86, %mul3A_648 : vector<16xf32>
        %mul3A_650 = arith.mulf %get3A_575, %mul3A_647 : vector<16xf32>
        %add3A_651 = arith.addf %mul3A_650, %sub3A_649 : vector<16xf32>
        %swap3A_652 = arith.index_cast %add3A_566 : i32 to index
        %swap3A_653 = arith.constant 32 : index
        %swap3A_654 = tpu.vector_load %arg8[%swap3A_652, %swap3A_653] {strides = array<i32>} : memref<200x64xf32, #tpu.memory_space<vmem>>, vector<16xf32>,
        tpu.vector_store %arg8[%swap3A_652, %swap3A_653], %add3A_651 {strides = array<i32>} : memref<200x64xf32, #tpu.memory_space<vmem>>, vector<16xf32>,
        %mul3A_655 = arith.mulf %broadcast_in_dim3A_628, %get3A_80 : vector<16xf32>
        %mul3A_656 = arith.mulf %broadcast_in_dim3A_630, %get3A_80 : vector<16xf32>
        %sub3A_657 = arith.subf %get3A_88, %mul3A_656 : vector<16xf32>
        %mul3A_658 = arith.mulf %get3A_578, %mul3A_655 : vector<16xf32>
        %add3A_659 = arith.addf %mul3A_658, %sub3A_657 : vector<16xf32>
        %swap3A_660 = arith.index_cast %add3A_566 : i32 to index
        %swap3A_661 = arith.constant 48 : index
        %swap3A_662 = tpu.vector_load %arg8[%swap3A_660, %swap3A_661] {strides = array<i32>} : memref<200x64xf32, #tpu.memory_space<vmem>>, vector<16xf32>,
        tpu.vector_store %arg8[%swap3A_660, %swap3A_661], %add3A_659 {strides = array<i32>} : memref<200x64xf32, #tpu.memory_space<vmem>>, vector<16xf32>,
        %scan3A_663 = arith.constant 5 : i32
        %scan3A_664 = arith.addi %scan3A_160, %scan3A_663 : i32
        %mul3A_665 = arith.constant 1 : i32
        %mul3A_666 = arith.muli %scan3A_664, %mul3A_665 : i32
        %add3A_667 = arith.constant 0 : i32
        %add3A_668 = arith.addi %add3A_667, %mul3A_666 : i32
        %get3A_669 = arith.index_cast %add3A_668 : i32 to index
        %get3A_670 = arith.constant 0 : index
        %get3A_671 = tpu.vector_load %arg8[%get3A_669, %get3A_670] {strides = array<i32>} : memref<200x64xf32, #tpu.memory_space<vmem>>, vector<16xf32>,
        %get3A_672 = arith.index_cast %add3A_668 : i32 to index
        %get3A_673 = arith.constant 16 : index
        %get3A_674 = tpu.vector_load %arg8[%get3A_672, %get3A_673] {strides = array<i32>} : memref<200x64xf32, #tpu.memory_space<vmem>>, vector<16xf32>,
        %get3A_675 = arith.index_cast %add3A_668 : i32 to index
        %get3A_676 = arith.constant 32 : index
        %get3A_677 = tpu.vector_load %arg8[%get3A_675, %get3A_676] {strides = array<i32>} : memref<200x64xf32, #tpu.memory_space<vmem>>, vector<16xf32>,
        %get3A_678 = arith.index_cast %add3A_668 : i32 to index
        %get3A_679 = arith.constant 48 : index
        %get3A_680 = tpu.vector_load %arg8[%get3A_678, %get3A_679] {strides = array<i32>} : memref<200x64xf32, #tpu.memory_space<vmem>>, vector<16xf32>,
        %add3A_681 = arith.addf %get3A_671, %get3A_674 : vector<16xf32>
        %add3A_682 = arith.addf %get3A_677, %get3A_680 : vector<16xf32>
        %add3A_683 = arith.addf %add3A_681, %add3A_682 : vector<16xf32>
        %mul3A_684 = arith.mulf %get3A_671, %get3A_671 : vector<16xf32>
        %mul3A_685 = arith.mulf %get3A_674, %get3A_674 : vector<16xf32>
        %add3A_686 = arith.addf %mul3A_684, %mul3A_685 : vector<16xf32>
        %mul3A_687 = arith.mulf %get3A_677, %get3A_677 : vector<16xf32>
        %mul3A_688 = arith.mulf %get3A_680, %get3A_680 : vector<16xf32>
        %add3A_689 = arith.addf %mul3A_687, %mul3A_688 : vector<16xf32>
        %add3A_690 = arith.addf %add3A_686, %add3A_689 : vector<16xf32>
        %reduce_sum3A_691 = arith.constant true
        %reduce_sum3A_692 = vector.broadcast %reduce_sum3A_691 : i1 to vector<16xi1>
        %reduce_sum3A_693 = tpu.scan <sum>, %add3A_683 masked %reduce_sum3A_692 : vector<16xf32>, vector<16xi1> -> vector<16xf32>
        %reduce_sum3A_694 = vector.extract %reduce_sum3A_693[15] : f32 from vector<16xf32>
        %mul3A_695 = arith.constant 1.562500e-02 : f32
        %mul3A_696 = arith.mulf %reduce_sum3A_694, %mul3A_695 : f32
        %reduce_sum3A_697 = arith.constant true
        %reduce_sum3A_698 = vector.broadcast %reduce_sum3A_697 : i1 to vector<16xi1>
        %reduce_sum3A_699 = tpu.scan <sum>, %add3A_690 masked %reduce_sum3A_698 : vector<16xf32>, vector<16xi1> -> vector<16xf32>
        %reduce_sum3A_700 = vector.extract %reduce_sum3A_699[15] : f32 from vector<16xf32>
        %mul3A_701 = arith.constant 1.562500e-02 : f32
        %mul3A_702 = arith.mulf %reduce_sum3A_700, %mul3A_701 : f32
        %mul3A_703 = arith.mulf %mul3A_696, %mul3A_696 : f32
        %sub3A_704 = arith.subf %mul3A_702, %mul3A_703 : f32
        %add3A_705 = arith.constant 9.99999974E-6 : f32
        %add3A_706 = arith.addf %sub3A_704, %add3A_705 : f32
        %bitcast_convert_type3A_707 = arith.bitcast %add3A_706 : f32 to i32
        %shift_right_logical3A_708 = arith.constant 1 : i32
        %shift_right_logical3A_709 = arith.shrui %bitcast_convert_type3A_707, %shift_right_logical3A_708 : i32
        %sub3A_710 = arith.constant 1597463007 : i32
        %sub3A_711 = arith.subi %sub3A_710, %shift_right_logical3A_709 : i32
        %bitcast_convert_type3A_712 = arith.bitcast %sub3A_711 : i32 to f32
        %mul3A_713 = arith.constant -5.000000e-01 : f32
        %mul3A_714 = arith.mulf %add3A_706, %mul3A_713 : f32
        %mul3A_715 = arith.mulf %mul3A_714, %bitcast_convert_type3A_712 : f32
        %mul3A_716 = arith.mulf %mul3A_715, %bitcast_convert_type3A_712 : f32
        %add3A_717 = arith.constant 1.500000e+00 : f32
        %add3A_718 = arith.addf %add3A_717, %mul3A_716 : f32
        %mul3A_719 = arith.mulf %bitcast_convert_type3A_712, %add3A_718 : f32
        %mul3A_720 = arith.mulf %mul3A_714, %mul3A_719 : f32
        %mul3A_721 = arith.mulf %mul3A_720, %mul3A_719 : f32
        %add3A_722 = arith.constant 1.500000e+00 : f32
        %add3A_723 = arith.addf %add3A_722, %mul3A_721 : f32
        %mul3A_724 = arith.mulf %mul3A_719, %add3A_723 : f32
        %mul3A_725 = arith.mulf %mul3A_714, %mul3A_724 : f32
        %mul3A_726 = arith.mulf %mul3A_725, %mul3A_724 : f32
        %add3A_727 = arith.constant 1.500000e+00 : f32
        %add3A_728 = arith.addf %add3A_727, %mul3A_726 : f32
        %mul3A_729 = arith.mulf %mul3A_724, %add3A_728 : f32
        %broadcast_in_dim3A_730 = vector.broadcast %mul3A_729 : f32 to vector<16xf32>
        %mul3A_731 = arith.mulf %mul3A_696, %mul3A_729 : f32
        %broadcast_in_dim3A_732 = vector.broadcast %mul3A_731 : f32 to vector<16xf32>
        %mul3A_733 = arith.mulf %broadcast_in_dim3A_730, %get3A_74 : vector<16xf32>
        %mul3A_734 = arith.mulf %broadcast_in_dim3A_732, %get3A_74 : vector<16xf32>
        %sub3A_735 = arith.subf %get3A_82, %mul3A_734 : vector<16xf32>
        %mul3A_736 = arith.mulf %get3A_671, %mul3A_733 : vector<16xf32>
        %add3A_737 = arith.addf %mul3A_736, %sub3A_735 : vector<16xf32>
        %swap3A_738 = arith.index_cast %add3A_668 : i32 to index
        %swap3A_739 = arith.constant 0 : index
        %swap3A_740 = tpu.vector_load %arg8[%swap3A_738, %swap3A_739] {strides = array<i32>} : memref<200x64xf32, #tpu.memory_space<vmem>>, vector<16xf32>,
        tpu.vector_store %arg8[%swap3A_738, %swap3A_739], %add3A_737 {strides = array<i32>} : memref<200x64xf32, #tpu.memory_space<vmem>>, vector<16xf32>,
        %mul3A_741 = arith.mulf %broadcast_in_dim3A_730, %get3A_76 : vector<16xf32>
        %mul3A_742 = arith.mulf %broadcast_in_dim3A_732, %get3A_76 : vector<16xf32>
        %sub3A_743 = arith.subf %get3A_84, %mul3A_742 : vector<16xf32>
        %mul3A_744 = arith.mulf %get3A_674, %mul3A_741 : vector<16xf32>
        %add3A_745 = arith.addf %mul3A_744, %sub3A_743 : vector<16xf32>
        %swap3A_746 = arith.index_cast %add3A_668 : i32 to index
        %swap3A_747 = arith.constant 16 : index
        %swap3A_748 = tpu.vector_load %arg8[%swap3A_746, %swap3A_747] {strides = array<i32>} : memref<200x64xf32, #tpu.memory_space<vmem>>, vector<16xf32>,
        tpu.vector_store %arg8[%swap3A_746, %swap3A_747], %add3A_745 {strides = array<i32>} : memref<200x64xf32, #tpu.memory_space<vmem>>, vector<16xf32>,
        %mul3A_749 = arith.mulf %broadcast_in_dim3A_730, %get3A_78 : vector<16xf32>
        %mul3A_750 = arith.mulf %broadcast_in_dim3A_732, %get3A_78 : vector<16xf32>
        %sub3A_751 = arith.subf %get3A_86, %mul3A_750 : vector<16xf32>
        %mul3A_752 = arith.mulf %get3A_677, %mul3A_749 : vector<16xf32>
        %add3A_753 = arith.addf %mul3A_752, %sub3A_751 : vector<16xf32>
        %swap3A_754 = arith.index_cast %add3A_668 : i32 to index
        %swap3A_755 = arith.constant 32 : index
        %swap3A_756 = tpu.vector_load %arg8[%swap3A_754, %swap3A_755] {strides = array<i32>} : memref<200x64xf32, #tpu.memory_space<vmem>>, vector<16xf32>,
        tpu.vector_store %arg8[%swap3A_754, %swap3A_755], %add3A_753 {strides = array<i32>} : memref<200x64xf32, #tpu.memory_space<vmem>>, vector<16xf32>,
        %mul3A_757 = arith.mulf %broadcast_in_dim3A_730, %get3A_80 : vector<16xf32>
        %mul3A_758 = arith.mulf %broadcast_in_dim3A_732, %get3A_80 : vector<16xf32>
        %sub3A_759 = arith.subf %get3A_88, %mul3A_758 : vector<16xf32>
        %mul3A_760 = arith.mulf %get3A_680, %mul3A_757 : vector<16xf32>
        %add3A_761 = arith.addf %mul3A_760, %sub3A_759 : vector<16xf32>
        %swap3A_762 = arith.index_cast %add3A_668 : i32 to index
        %swap3A_763 = arith.constant 48 : index
        %swap3A_764 = tpu.vector_load %arg8[%swap3A_762, %swap3A_763] {strides = array<i32>} : memref<200x64xf32, #tpu.memory_space<vmem>>, vector<16xf32>,
        tpu.vector_store %arg8[%swap3A_762, %swap3A_763], %add3A_761 {strides = array<i32>} : memref<200x64xf32, #tpu.memory_space<vmem>>, vector<16xf32>,
        %scan3A_765 = arith.constant 6 : i32
        %scan3A_766 = arith.addi %scan3A_160, %scan3A_765 : i32
        %mul3A_767 = arith.constant 1 : i32
        %mul3A_768 = arith.muli %scan3A_766, %mul3A_767 : i32
        %add3A_769 = arith.constant 0 : i32
        %add3A_770 = arith.addi %add3A_769, %mul3A_768 : i32
        %get3A_771 = arith.index_cast %add3A_770 : i32 to index
        %get3A_772 = arith.constant 0 : index
        %get3A_773 = tpu.vector_load %arg8[%get3A_771, %get3A_772] {strides = array<i32>} : memref<200x64xf32, #tpu.memory_space<vmem>>, vector<16xf32>,
        %get3A_774 = arith.index_cast %add3A_770 : i32 to index
        %get3A_775 = arith.constant 16 : index
        %get3A_776 = tpu.vector_load %arg8[%get3A_774, %get3A_775] {strides = array<i32>} : memref<200x64xf32, #tpu.memory_space<vmem>>, vector<16xf32>,
        %get3A_777 = arith.index_cast %add3A_770 : i32 to index
        %get3A_778 = arith.constant 32 : index
        %get3A_779 = tpu.vector_load %arg8[%get3A_777, %get3A_778] {strides = array<i32>} : memref<200x64xf32, #tpu.memory_space<vmem>>, vector<16xf32>,
        %get3A_780 = arith.index_cast %add3A_770 : i32 to index
        %get3A_781 = arith.constant 48 : index
        %get3A_782 = tpu.vector_load %arg8[%get3A_780, %get3A_781] {strides = array<i32>} : memref<200x64xf32, #tpu.memory_space<vmem>>, vector<16xf32>,
        %add3A_783 = arith.addf %get3A_773, %get3A_776 : vector<16xf32>
        %add3A_784 = arith.addf %get3A_779, %get3A_782 : vector<16xf32>
        %add3A_785 = arith.addf %add3A_783, %add3A_784 : vector<16xf32>
        %mul3A_786 = arith.mulf %get3A_773, %get3A_773 : vector<16xf32>
        %mul3A_787 = arith.mulf %get3A_776, %get3A_776 : vector<16xf32>
        %add3A_788 = arith.addf %mul3A_786, %mul3A_787 : vector<16xf32>
        %mul3A_789 = arith.mulf %get3A_779, %get3A_779 : vector<16xf32>
        %mul3A_790 = arith.mulf %get3A_782, %get3A_782 : vector<16xf32>
        %add3A_791 = arith.addf %mul3A_789, %mul3A_790 : vector<16xf32>
        %add3A_792 = arith.addf %add3A_788, %add3A_791 : vector<16xf32>
        %reduce_sum3A_793 = arith.constant true
        %reduce_sum3A_794 = vector.broadcast %reduce_sum3A_793 : i1 to vector<16xi1>
        %reduce_sum3A_795 = tpu.scan <sum>, %add3A_785 masked %reduce_sum3A_794 : vector<16xf32>, vector<16xi1> -> vector<16xf32>
        %reduce_sum3A_796 = vector.extract %reduce_sum3A_795[15] : f32 from vector<16xf32>
        %mul3A_797 = arith.constant 1.562500e-02 : f32
        %mul3A_798 = arith.mulf %reduce_sum3A_796, %mul3A_797 : f32
        %reduce_sum3A_799 = arith.constant true
        %reduce_sum3A_800 = vector.broadcast %reduce_sum3A_799 : i1 to vector<16xi1>
        %reduce_sum3A_801 = tpu.scan <sum>, %add3A_792 masked %reduce_sum3A_800 : vector<16xf32>, vector<16xi1> -> vector<16xf32>
        %reduce_sum3A_802 = vector.extract %reduce_sum3A_801[15] : f32 from vector<16xf32>
        %mul3A_803 = arith.constant 1.562500e-02 : f32
        %mul3A_804 = arith.mulf %reduce_sum3A_802, %mul3A_803 : f32
        %mul3A_805 = arith.mulf %mul3A_798, %mul3A_798 : f32
        %sub3A_806 = arith.subf %mul3A_804, %mul3A_805 : f32
        %add3A_807 = arith.constant 9.99999974E-6 : f32
        %add3A_808 = arith.addf %sub3A_806, %add3A_807 : f32
        %bitcast_convert_type3A_809 = arith.bitcast %add3A_808 : f32 to i32
        %shift_right_logical3A_810 = arith.constant 1 : i32
        %shift_right_logical3A_811 = arith.shrui %bitcast_convert_type3A_809, %shift_right_logical3A_810 : i32
        %sub3A_812 = arith.constant 1597463007 : i32
        %sub3A_813 = arith.subi %sub3A_812, %shift_right_logical3A_811 : i32
        %bitcast_convert_type3A_814 = arith.bitcast %sub3A_813 : i32 to f32
        %mul3A_815 = arith.constant -5.000000e-01 : f32
        %mul3A_816 = arith.mulf %add3A_808, %mul3A_815 : f32
        %mul3A_817 = arith.mulf %mul3A_816, %bitcast_convert_type3A_814 : f32
        %mul3A_818 = arith.mulf %mul3A_817, %bitcast_convert_type3A_814 : f32
        %add3A_819 = arith.constant 1.500000e+00 : f32
        %add3A_820 = arith.addf %add3A_819, %mul3A_818 : f32
        %mul3A_821 = arith.mulf %bitcast_convert_type3A_814, %add3A_820 : f32
        %mul3A_822 = arith.mulf %mul3A_816, %mul3A_821 : f32
        %mul3A_823 = arith.mulf %mul3A_822, %mul3A_821 : f32
        %add3A_824 = arith.constant 1.500000e+00 : f32
        %add3A_825 = arith.addf %add3A_824, %mul3A_823 : f32
        %mul3A_826 = arith.mulf %mul3A_821, %add3A_825 : f32
        %mul3A_827 = arith.mulf %mul3A_816, %mul3A_826 : f32
        %mul3A_828 = arith.mulf %mul3A_827, %mul3A_826 : f32
        %add3A_829 = arith.constant 1.500000e+00 : f32
        %add3A_830 = arith.addf %add3A_829, %mul3A_828 : f32
        %mul3A_831 = arith.mulf %mul3A_826, %add3A_830 : f32
        %broadcast_in_dim3A_832 = vector.broadcast %mul3A_831 : f32 to vector<16xf32>
        %mul3A_833 = arith.mulf %mul3A_798, %mul3A_831 : f32
        %broadcast_in_dim3A_834 = vector.broadcast %mul3A_833 : f32 to vector<16xf32>
        %mul3A_835 = arith.mulf %broadcast_in_dim3A_832, %get3A_74 : vector<16xf32>
        %mul3A_836 = arith.mulf %broadcast_in_dim3A_834, %get3A_74 : vector<16xf32>
        %sub3A_837 = arith.subf %get3A_82, %mul3A_836 : vector<16xf32>
        %mul3A_838 = arith.mulf %get3A_773, %mul3A_835 : vector<16xf32>
        %add3A_839 = arith.addf %mul3A_838, %sub3A_837 : vector<16xf32>
        %swap3A_840 = arith.index_cast %add3A_770 : i32 to index
        %swap3A_841 = arith.constant 0 : index
        %swap3A_842 = tpu.vector_load %arg8[%swap3A_840, %swap3A_841] {strides = array<i32>} : memref<200x64xf32, #tpu.memory_space<vmem>>, vector<16xf32>,
        tpu.vector_store %arg8[%swap3A_840, %swap3A_841], %add3A_839 {strides = array<i32>} : memref<200x64xf32, #tpu.memory_space<vmem>>, vector<16xf32>,
        %mul3A_843 = arith.mulf %broadcast_in_dim3A_832, %get3A_76 : vector<16xf32>
        %mul3A_844 = arith.mulf %broadcast_in_dim3A_834, %get3A_76 : vector<16xf32>
        %sub3A_845 = arith.subf %get3A_84, %mul3A_844 : vector<16xf32>
        %mul3A_846 = arith.mulf %get3A_776, %mul3A_843 : vector<16xf32>
        %add3A_847 = arith.addf %mul3A_846, %sub3A_845 : vector<16xf32>
        %swap3A_848 = arith.index_cast %add3A_770 : i32 to index
        %swap3A_849 = arith.constant 16 : index
        %swap3A_850 = tpu.vector_load %arg8[%swap3A_848, %swap3A_849] {strides = array<i32>} : memref<200x64xf32, #tpu.memory_space<vmem>>, vector<16xf32>,
        tpu.vector_store %arg8[%swap3A_848, %swap3A_849], %add3A_847 {strides = array<i32>} : memref<200x64xf32, #tpu.memory_space<vmem>>, vector<16xf32>,
        %mul3A_851 = arith.mulf %broadcast_in_dim3A_832, %get3A_78 : vector<16xf32>
        %mul3A_852 = arith.mulf %broadcast_in_dim3A_834, %get3A_78 : vector<16xf32>
        %sub3A_853 = arith.subf %get3A_86, %mul3A_852 : vector<16xf32>
        %mul3A_854 = arith.mulf %get3A_779, %mul3A_851 : vector<16xf32>
        %add3A_855 = arith.addf %mul3A_854, %sub3A_853 : vector<16xf32>
        %swap3A_856 = arith.index_cast %add3A_770 : i32 to index
        %swap3A_857 = arith.constant 32 : index
        %swap3A_858 = tpu.vector_load %arg8[%swap3A_856, %swap3A_857] {strides = array<i32>} : memref<200x64xf32, #tpu.memory_space<vmem>>, vector<16xf32>,
        tpu.vector_store %arg8[%swap3A_856, %swap3A_857], %add3A_855 {strides = array<i32>} : memref<200x64xf32, #tpu.memory_space<vmem>>, vector<16xf32>,
        %mul3A_859 = arith.mulf %broadcast_in_dim3A_832, %get3A_80 : vector<16xf32>
        %mul3A_860 = arith.mulf %broadcast_in_dim3A_834, %get3A_80 : vector<16xf32>
        %sub3A_861 = arith.subf %get3A_88, %mul3A_860 : vector<16xf32>
        %mul3A_862 = arith.mulf %get3A_782, %mul3A_859 : vector<16xf32>
        %add3A_863 = arith.addf %mul3A_862, %sub3A_861 : vector<16xf32>
        %swap3A_864 = arith.index_cast %add3A_770 : i32 to index
        %swap3A_865 = arith.constant 48 : index
        %swap3A_866 = tpu.vector_load %arg8[%swap3A_864, %swap3A_865] {strides = array<i32>} : memref<200x64xf32, #tpu.memory_space<vmem>>, vector<16xf32>,
        tpu.vector_store %arg8[%swap3A_864, %swap3A_865], %add3A_863 {strides = array<i32>} : memref<200x64xf32, #tpu.memory_space<vmem>>, vector<16xf32>,
        %scan3A_867 = arith.constant 7 : i32
        %scan3A_868 = arith.addi %scan3A_160, %scan3A_867 : i32
        %mul3A_869 = arith.constant 1 : i32
        %mul3A_870 = arith.muli %scan3A_868, %mul3A_869 : i32
        %add3A_871 = arith.constant 0 : i32
        %add3A_872 = arith.addi %add3A_871, %mul3A_870 : i32
        %get3A_873 = arith.index_cast %add3A_872 : i32 to index
        %get3A_874 = arith.constant 0 : index
        %get3A_875 = tpu.vector_load %arg8[%get3A_873, %get3A_874] {strides = array<i32>} : memref<200x64xf32, #tpu.memory_space<vmem>>, vector<16xf32>,
        %get3A_876 = arith.index_cast %add3A_872 : i32 to index
        %get3A_877 = arith.constant 16 : index
        %get3A_878 = tpu.vector_load %arg8[%get3A_876, %get3A_877] {strides = array<i32>} : memref<200x64xf32, #tpu.memory_space<vmem>>, vector<16xf32>,
        %get3A_879 = arith.index_cast %add3A_872 : i32 to index
        %get3A_880 = arith.constant 32 : index
        %get3A_881 = tpu.vector_load %arg8[%get3A_879, %get3A_880] {strides = array<i32>} : memref<200x64xf32, #tpu.memory_space<vmem>>, vector<16xf32>,
        %get3A_882 = arith.index_cast %add3A_872 : i32 to index
        %get3A_883 = arith.constant 48 : index
        %get3A_884 = tpu.vector_load %arg8[%get3A_882, %get3A_883] {strides = array<i32>} : memref<200x64xf32, #tpu.memory_space<vmem>>, vector<16xf32>,
        %add3A_885 = arith.addf %get3A_875, %get3A_878 : vector<16xf32>
        %add3A_886 = arith.addf %get3A_881, %get3A_884 : vector<16xf32>
        %add3A_887 = arith.addf %add3A_885, %add3A_886 : vector<16xf32>
        %mul3A_888 = arith.mulf %get3A_875, %get3A_875 : vector<16xf32>
        %mul3A_889 = arith.mulf %get3A_878, %get3A_878 : vector<16xf32>
        %add3A_890 = arith.addf %mul3A_888, %mul3A_889 : vector<16xf32>
        %mul3A_891 = arith.mulf %get3A_881, %get3A_881 : vector<16xf32>
        %mul3A_892 = arith.mulf %get3A_884, %get3A_884 : vector<16xf32>
        %add3A_893 = arith.addf %mul3A_891, %mul3A_892 : vector<16xf32>
        %add3A_894 = arith.addf %add3A_890, %add3A_893 : vector<16xf32>
        %reduce_sum3A_895 = arith.constant true
        %reduce_sum3A_896 = vector.broadcast %reduce_sum3A_895 : i1 to vector<16xi1>
        %reduce_sum3A_897 = tpu.scan <sum>, %add3A_887 masked %reduce_sum3A_896 : vector<16xf32>, vector<16xi1> -> vector<16xf32>
        %reduce_sum3A_898 = vector.extract %reduce_sum3A_897[15] : f32 from vector<16xf32>
        %mul3A_899 = arith.constant 1.562500e-02 : f32
        %mul3A_900 = arith.mulf %reduce_sum3A_898, %mul3A_899 : f32
        %reduce_sum3A_901 = arith.constant true
        %reduce_sum3A_902 = vector.broadcast %reduce_sum3A_901 : i1 to vector<16xi1>
        %reduce_sum3A_903 = tpu.scan <sum>, %add3A_894 masked %reduce_sum3A_902 : vector<16xf32>, vector<16xi1> -> vector<16xf32>
        %reduce_sum3A_904 = vector.extract %reduce_sum3A_903[15] : f32 from vector<16xf32>
        %mul3A_905 = arith.constant 1.562500e-02 : f32
        %mul3A_906 = arith.mulf %reduce_sum3A_904, %mul3A_905 : f32
        %mul3A_907 = arith.mulf %mul3A_900, %mul3A_900 : f32
        %sub3A_908 = arith.subf %mul3A_906, %mul3A_907 : f32
        %add3A_909 = arith.constant 9.99999974E-6 : f32
        %add3A_910 = arith.addf %sub3A_908, %add3A_909 : f32
        %bitcast_convert_type3A_911 = arith.bitcast %add3A_910 : f32 to i32
        %shift_right_logical3A_912 = arith.constant 1 : i32
        %shift_right_logical3A_913 = arith.shrui %bitcast_convert_type3A_911, %shift_right_logical3A_912 : i32
        %sub3A_914 = arith.constant 1597463007 : i32
        %sub3A_915 = arith.subi %sub3A_914, %shift_right_logical3A_913 : i32
        %bitcast_convert_type3A_916 = arith.bitcast %sub3A_915 : i32 to f32
        %mul3A_917 = arith.constant -5.000000e-01 : f32
        %mul3A_918 = arith.mulf %add3A_910, %mul3A_917 : f32
        %mul3A_919 = arith.mulf %mul3A_918, %bitcast_convert_type3A_916 : f32
        %mul3A_920 = arith.mulf %mul3A_919, %bitcast_convert_type3A_916 : f32
        %add3A_921 = arith.constant 1.500000e+00 : f32
        %add3A_922 = arith.addf %add3A_921, %mul3A_920 : f32
        %mul3A_923 = arith.mulf %bitcast_convert_type3A_916, %add3A_922 : f32
        %mul3A_924 = arith.mulf %mul3A_918, %mul3A_923 : f32
        %mul3A_925 = arith.mulf %mul3A_924, %mul3A_923 : f32
        %add3A_926 = arith.constant 1.500000e+00 : f32
        %add3A_927 = arith.addf %add3A_926, %mul3A_925 : f32
        %mul3A_928 = arith.mulf %mul3A_923, %add3A_927 : f32
        %mul3A_929 = arith.mulf %mul3A_918, %mul3A_928 : f32
        %mul3A_930 = arith.mulf %mul3A_929, %mul3A_928 : f32
        %add3A_931 = arith.constant 1.500000e+00 : f32
        %add3A_932 = arith.addf %add3A_931, %mul3A_930 : f32
        %mul3A_933 = arith.mulf %mul3A_928, %add3A_932 : f32
        %broadcast_in_dim3A_934 = vector.broadcast %mul3A_933 : f32 to vector<16xf32>
        %mul3A_935 = arith.mulf %mul3A_900, %mul3A_933 : f32
        %broadcast_in_dim3A_936 = vector.broadcast %mul3A_935 : f32 to vector<16xf32>
        %mul3A_937 = arith.mulf %broadcast_in_dim3A_934, %get3A_74 : vector<16xf32>
        %mul3A_938 = arith.mulf %broadcast_in_dim3A_936, %get3A_74 : vector<16xf32>
        %sub3A_939 = arith.subf %get3A_82, %mul3A_938 : vector<16xf32>
        %mul3A_940 = arith.mulf %get3A_875, %mul3A_937 : vector<16xf32>
        %add3A_941 = arith.addf %mul3A_940, %sub3A_939 : vector<16xf32>
        %swap3A_942 = arith.index_cast %add3A_872 : i32 to index
        %swap3A_943 = arith.constant 0 : index
        %swap3A_944 = tpu.vector_load %arg8[%swap3A_942, %swap3A_943] {strides = array<i32>} : memref<200x64xf32, #tpu.memory_space<vmem>>, vector<16xf32>,
        tpu.vector_store %arg8[%swap3A_942, %swap3A_943], %add3A_941 {strides = array<i32>} : memref<200x64xf32, #tpu.memory_space<vmem>>, vector<16xf32>,
        %mul3A_945 = arith.mulf %broadcast_in_dim3A_934, %get3A_76 : vector<16xf32>
        %mul3A_946 = arith.mulf %broadcast_in_dim3A_936, %get3A_76 : vector<16xf32>
        %sub3A_947 = arith.subf %get3A_84, %mul3A_946 : vector<16xf32>
        %mul3A_948 = arith.mulf %get3A_878, %mul3A_945 : vector<16xf32>
        %add3A_949 = arith.addf %mul3A_948, %sub3A_947 : vector<16xf32>
        %swap3A_950 = arith.index_cast %add3A_872 : i32 to index
        %swap3A_951 = arith.constant 16 : index
        %swap3A_952 = tpu.vector_load %arg8[%swap3A_950, %swap3A_951] {strides = array<i32>} : memref<200x64xf32, #tpu.memory_space<vmem>>, vector<16xf32>,
        tpu.vector_store %arg8[%swap3A_950, %swap3A_951], %add3A_949 {strides = array<i32>} : memref<200x64xf32, #tpu.memory_space<vmem>>, vector<16xf32>,
        %mul3A_953 = arith.mulf %broadcast_in_dim3A_934, %get3A_78 : vector<16xf32>
        %mul3A_954 = arith.mulf %broadcast_in_dim3A_936, %get3A_78 : vector<16xf32>
        %sub3A_955 = arith.subf %get3A_86, %mul3A_954 : vector<16xf32>
        %mul3A_956 = arith.mulf %get3A_881, %mul3A_953 : vector<16xf32>
        %add3A_957 = arith.addf %mul3A_956, %sub3A_955 : vector<16xf32>
        %swap3A_958 = arith.index_cast %add3A_872 : i32 to index
        %swap3A_959 = arith.constant 32 : index
        %swap3A_960 = tpu.vector_load %arg8[%swap3A_958, %swap3A_959] {strides = array<i32>} : memref<200x64xf32, #tpu.memory_space<vmem>>, vector<16xf32>,
        tpu.vector_store %arg8[%swap3A_958, %swap3A_959], %add3A_957 {strides = array<i32>} : memref<200x64xf32, #tpu.memory_space<vmem>>, vector<16xf32>,
        %mul3A_961 = arith.mulf %broadcast_in_dim3A_934, %get3A_80 : vector<16xf32>
        %mul3A_962 = arith.mulf %broadcast_in_dim3A_936, %get3A_80 : vector<16xf32>
        %sub3A_963 = arith.subf %get3A_88, %mul3A_962 : vector<16xf32>
        %mul3A_964 = arith.mulf %get3A_884, %mul3A_961 : vector<16xf32>
        %add3A_965 = arith.addf %mul3A_964, %sub3A_963 : vector<16xf32>
        %swap3A_966 = arith.index_cast %add3A_872 : i32 to index
        %swap3A_967 = arith.constant 48 : index
        %swap3A_968 = tpu.vector_load %arg8[%swap3A_966, %swap3A_967] {strides = array<i32>} : memref<200x64xf32, #tpu.memory_space<vmem>>, vector<16xf32>,
        tpu.vector_store %arg8[%swap3A_966, %swap3A_967], %add3A_965 {strides = array<i32>} : memref<200x64xf32, #tpu.memory_space<vmem>>, vector<16xf32>,
      }
      %scan3A_93 = arith.constant 200 : i32
      %add3A_94 = arith.addi %mul3A_2, %add3A_51 : i32
      %dma_start3A_95 = arith.constant 0 : i32
      %dma_start3A_96 = arith.constant 0 : i32
      %dma_start3A_97 = tpu.memref_slice %arg6[%add3A_94, %dma_start3A_95, %dma_start3A_96] : memref<4096x200x64xf32, #tpu.memory_space<hbm>> -> memref<1x200x64xf32, #tpu.memory_space<hbm>>
      %dma_start3A_98 = tpu.memref_squeeze %dma_start3A_97 : memref<1x200x64xf32, #tpu.memory_space<hbm>> -> memref<200x64xf32, #tpu.memory_space<hbm>>
      %dma_start3A_99 = arith.constant 0 : i32
      %dma_start3A_100 = arith.constant 0 : i32
      %dma_start3A_101 = tpu.memref_slice %arg6[%add3A_94, %dma_start3A_99, %dma_start3A_100] : memref<4096x200x64xf32, #tpu.memory_space<hbm>> -> memref<1x200x64xf32, #tpu.memory_space<hbm>>
      %dma_start3A_102 = tpu.memref_squeeze %dma_start3A_101 : memref<1x200x64xf32, #tpu.memory_space<hbm>> -> memref<200x64xf32, #tpu.memory_space<hbm>>
      tpu.enqueue_dma source(%arg8 : memref<200x64xf32, #tpu.memory_space<vmem>>) target(%dma_start3A_102 : memref<200x64xf32, #tpu.memory_space<hbm>>) target_semaphore(%arg14 : memref<!tpu.dma_semaphore, #tpu.memory_space<semaphore_mem>>)
      %add3A_103 = arith.constant 1 : i32
      %add3A_104 = arith.addi %add3A_49, %add3A_103 : i32
      %add3A_105 = arith.constant 1 : i32
      %add3A_106 = arith.addi %add3A_104, %add3A_105 : i32
      %lt3A_107 = arith.constant 128 : i32
      %lt3A_108 = arith.cmpi slt, %add3A_106, %lt3A_107 : i32
      %convert_element_type3A_109 = arith.extui %lt3A_108 : i1 to i32
      %cond3A_110 = arith.constant 0 : i32
      %cond3A_111 = arith.cmpi ne, %convert_element_type3A_109, %cond3A_110 : i32
      scf.if %cond3A_111 {
        %ge3A = arith.constant 1 : i32
        %ge3A_160 = arith.cmpi sge, %add3A_104, %ge3A : i32
        %convert_element_type3A_161 = arith.extui %ge3A_160 : i1 to i32
        %cond3A_162 = arith.constant 0 : i32
        %cond3A_163 = arith.cmpi ne, %convert_element_type3A_161, %cond3A_162 : i32
        scf.if %cond3A_163 {
          %sub3A = arith.constant 1 : i32
          %sub3A_184 = arith.subi %add3A_104, %sub3A : i32
          %add3A_185 = arith.addi %mul3A_2, %sub3A_184 : i32
          %dma_wait3A_186 = arith.constant 0 : i32
          %dma_wait3A_187 = arith.constant 0 : i32
          %dma_wait3A_188 = tpu.memref_slice %arg6[%add3A_185, %dma_wait3A_186, %dma_wait3A_187] : memref<4096x200x64xf32, #tpu.memory_space<hbm>> -> memref<1x200x64xf32, #tpu.memory_space<hbm>>
          %dma_wait3A_189 = tpu.memref_squeeze %dma_wait3A_188 : memref<1x200x64xf32, #tpu.memory_space<hbm>> -> memref<200x64xf32, #tpu.memory_space<hbm>>
          %dma_wait3A_190 = arith.constant 0 : i32
          %dma_wait3A_191 = arith.constant 0 : i32
          %dma_wait3A_192 = tpu.memref_slice %arg6[%add3A_185, %dma_wait3A_190, %dma_wait3A_191] : memref<4096x200x64xf32, #tpu.memory_space<hbm>> -> memref<1x200x64xf32, #tpu.memory_space<hbm>>
          %dma_wait3A_193 = tpu.memref_squeeze %dma_wait3A_192 : memref<1x200x64xf32, #tpu.memory_space<hbm>> -> memref<200x64xf32, #tpu.memory_space<hbm>>
          tpu.wait_dma2 semaphore(%arg14 : memref<!tpu.dma_semaphore, #tpu.memory_space<semaphore_mem>>) src(%arg8 : memref<200x64xf32, #tpu.memory_space<vmem>>) dst(%dma_wait3A_193 : memref<200x64xf32, #tpu.memory_space<hbm>>)
        } else {
        }
        %add3A_164 = arith.constant 1 : i32
        %add3A_165 = arith.addi %add3A_104, %add3A_164 : i32
        %dma_start3A_166 = arith.constant 0 : i32
        %dma_start3A_167 = arith.constant 0 : i32
        %dma_start3A_168 = tpu.memref_slice %arg8[%dma_start3A_166, %dma_start3A_167] : memref<200x64xf32, #tpu.memory_space<vmem>> -> memref<128x64xf32, #tpu.memory_space<vmem>>
        %dma_start3A_169 = arith.constant 0 : i32
        %dma_start3A_170 = tpu.memref_slice %arg7[%add3A_165, %dma_start3A_169] : memref<128x200xi32, #tpu.memory_space<vmem>> -> memref<1x128xi32, #tpu.memory_space<vmem>>
        %dma_start3A_171 = tpu.memref_squeeze %dma_start3A_170 : memref<1x128xi32, #tpu.memory_space<vmem>> -> memref<128xi32, #tpu.memory_space<vmem>>
        %dma_start3A_172 = arith.constant 0 : i32
        %dma_start3A_173 = arith.constant 0 : i32
        %dma_start3A_174 = tpu.memref_slice %arg3[%dma_start3A_172, %dma_start3A_173] : memref<1000000x64xf32, #tpu.memory_space<hbm>> -> memref<1000000x64xf32, #tpu.memory_space<hbm>>
        tpu.enqueue_indirect_dma source(%dma_start3A_174 : memref<1000000x64xf32, #tpu.memory_space<hbm>>) target(%dma_start3A_168 : memref<128x64xf32, #tpu.memory_space<vmem>>) offsets(%dma_start3A_171 : memref<128xi32, #tpu.memory_space<vmem>>) semaphore(%arg12 : memref<!tpu.dma_semaphore, #tpu.memory_space<semaphore_mem>>)
        %dma_start3A_175 = arith.constant 128 : i32
        %dma_start3A_176 = arith.constant 0 : i32
        %dma_start3A_177 = tpu.memref_slice %arg8[%dma_start3A_175, %dma_start3A_176] : memref<200x64xf32, #tpu.memory_space<vmem>> -> memref<72x64xf32, #tpu.memory_space<vmem>>
        %dma_start3A_178 = arith.constant 128 : i32
        %dma_start3A_179 = tpu.memref_slice %arg7[%add3A_165, %dma_start3A_178] : memref<128x200xi32, #tpu.memory_space<vmem>> -> memref<1x72xi32, #tpu.memory_space<vmem>>
        %dma_start3A_180 = tpu.memref_squeeze %dma_start3A_179 : memref<1x72xi32, #tpu.memory_space<vmem>> -> memref<72xi32, #tpu.memory_space<vmem>>
        %dma_start3A_181 = arith.constant 0 : i32
        %dma_start3A_182 = arith.constant 0 : i32
        %dma_start3A_183 = tpu.memref_slice %arg3[%dma_start3A_181, %dma_start3A_182] : memref<1000000x64xf32, #tpu.memory_space<hbm>> -> memref<1000000x64xf32, #tpu.memory_space<hbm>>
        tpu.enqueue_indirect_dma source(%dma_start3A_183 : memref<1000000x64xf32, #tpu.memory_space<hbm>>) target(%dma_start3A_177 : memref<72x64xf32, #tpu.memory_space<vmem>>) offsets(%dma_start3A_180 : memref<72xi32, #tpu.memory_space<vmem>>) semaphore(%arg12 : memref<!tpu.dma_semaphore, #tpu.memory_space<semaphore_mem>>)
      } else {
      }
      %dma_wait3A_112 = arith.constant 0 : i32
      %dma_wait3A_113 = arith.constant 0 : i32
      %dma_wait3A_114 = tpu.memref_slice %arg9[%dma_wait3A_112, %dma_wait3A_113] : memref<200x64xf32, #tpu.memory_space<vmem>> -> memref<128x64xf32, #tpu.memory_space<vmem>>
      %dma_wait3A_115 = arith.constant 0 : i32
      %dma_wait3A_116 = tpu.memref_slice %arg7[%add3A_104, %dma_wait3A_115] : memref<128x200xi32, #tpu.memory_space<vmem>> -> memref<1x128xi32, #tpu.memory_space<vmem>>
      %dma_wait3A_117 = tpu.memref_squeeze %dma_wait3A_116 : memref<1x128xi32, #tpu.memory_space<vmem>> -> memref<128xi32, #tpu.memory_space<vmem>>
      %dma_wait3A_118 = arith.constant 0 : i32
      %dma_wait3A_119 = arith.constant 0 : i32
      %dma_wait3A_120 = tpu.memref_slice %arg3[%dma_wait3A_118, %dma_wait3A_119] : memref<1000000x64xf32, #tpu.memory_space<hbm>> -> memref<1000000x64xf32, #tpu.memory_space<hbm>>
      tpu.wait_indirect_dma semaphore(%arg13 : memref<!tpu.dma_semaphore, #tpu.memory_space<semaphore_mem>>) src(%dma_wait3A_120 : memref<1000000x64xf32, #tpu.memory_space<hbm>>) dst(%dma_wait3A_114 : memref<128x64xf32, #tpu.memory_space<vmem>>)
      %dma_wait3A_121 = arith.constant 128 : i32
      %dma_wait3A_122 = arith.constant 0 : i32
      %dma_wait3A_123 = tpu.memref_slice %arg9[%dma_wait3A_121, %dma_wait3A_122] : memref<200x64xf32, #tpu.memory_space<vmem>> -> memref<72x64xf32, #tpu.memory_space<vmem>>
      %dma_wait3A_124 = arith.constant 128 : i32
      %dma_wait3A_125 = tpu.memref_slice %arg7[%add3A_104, %dma_wait3A_124] : memref<128x200xi32, #tpu.memory_space<vmem>> -> memref<1x72xi32, #tpu.memory_space<vmem>>
      %dma_wait3A_126 = tpu.memref_squeeze %dma_wait3A_125 : memref<1x72xi32, #tpu.memory_space<vmem>> -> memref<72xi32, #tpu.memory_space<vmem>>
      %dma_wait3A_127 = arith.constant 0 : i32
      %dma_wait3A_128 = arith.constant 0 : i32
      %dma_wait3A_129 = tpu.memref_slice %arg3[%dma_wait3A_127, %dma_wait3A_128] : memref<1000000x64xf32, #tpu.memory_space<hbm>> -> memref<1000000x64xf32, #tpu.memory_space<hbm>>
      tpu.wait_indirect_dma semaphore(%arg13 : memref<!tpu.dma_semaphore, #tpu.memory_space<semaphore_mem>>) src(%dma_wait3A_129 : memref<1000000x64xf32, #tpu.memory_space<hbm>>) dst(%dma_wait3A_123 : memref<72x64xf32, #tpu.memory_space<vmem>>)
      %get3A_130 = arith.constant 0 : index
      %get3A_131 = tpu.vector_load %arg10[%get3A_130] {strides = array<i32>} : memref<64xf32, #tpu.memory_space<vmem>>, vector<16xf32>,
      %get3A_132 = arith.constant 16 : index
      %get3A_133 = tpu.vector_load %arg10[%get3A_132] {strides = array<i32>} : memref<64xf32, #tpu.memory_space<vmem>>, vector<16xf32>,
      %get3A_134 = arith.constant 32 : index
      %get3A_135 = tpu.vector_load %arg10[%get3A_134] {strides = array<i32>} : memref<64xf32, #tpu.memory_space<vmem>>, vector<16xf32>,
      %get3A_136 = arith.constant 48 : index
      %get3A_137 = tpu.vector_load %arg10[%get3A_136] {strides = array<i32>} : memref<64xf32, #tpu.memory_space<vmem>>, vector<16xf32>,
      %get3A_138 = arith.constant 0 : index
      %get3A_139 = tpu.vector_load %arg11[%get3A_138] {strides = array<i32>} : memref<64xf32, #tpu.memory_space<vmem>>, vector<16xf32>,
      %get3A_140 = arith.constant 16 : index
      %get3A_141 = tpu.vector_load %arg11[%get3A_140] {strides = array<i32>} : memref<64xf32, #tpu.memory_space<vmem>>, vector<16xf32>,
      %get3A_142 = arith.constant 32 : index
      %get3A_143 = tpu.vector_load %arg11[%get3A_142] {strides = array<i32>} : memref<64xf32, #tpu.memory_space<vmem>>, vector<16xf32>,
      %get3A_144 = arith.constant 48 : index
      %get3A_145 = tpu.vector_load %arg11[%get3A_144] {strides = array<i32>} : memref<64xf32, #tpu.memory_space<vmem>>, vector<16xf32>,
      %scan3A_146 = arith.constant 0 : i32
      %scan3A_147 = arith.constant 200 : i32
      %scan3A_148 = arith.addi %scan3A_146, %scan3A_147 : i32
      %scan3A_149 = arith.constant 8 : i32
      scf.for %scan3A_160 = %scan3A_146 to %scan3A_148 step %scan3A_149  : i32 {
        %mul3A_161 = arith.constant 1 : i32
        %mul3A_162 = arith.muli %scan3A_160, %mul3A_161 : i32
        %add3A_163 = arith.constant 0 : i32
        %add3A_164 = arith.addi %add3A_163, %mul3A_162 : i32
        %get3A_165 = arith.index_cast %add3A_164 : i32 to index
        %get3A_166 = arith.constant 0 : index
        %get3A_167 = tpu.vector_load %arg9[%get3A_165, %get3A_166] {strides = array<i32>} : memref<200x64xf32, #tpu.memory_space<vmem>>, vector<16xf32>,
        %get3A_168 = arith.index_cast %add3A_164 : i32 to index
        %get3A_169 = arith.constant 16 : index
        %get3A_170 = tpu.vector_load %arg9[%get3A_168, %get3A_169] {strides = array<i32>} : memref<200x64xf32, #tpu.memory_space<vmem>>, vector<16xf32>,
        %get3A_171 = arith.index_cast %add3A_164 : i32 to index
        %get3A_172 = arith.constant 32 : index
        %get3A_173 = tpu.vector_load %arg9[%get3A_171, %get3A_172] {strides = array<i32>} : memref<200x64xf32, #tpu.memory_space<vmem>>, vector<16xf32>,
        %get3A_174 = arith.index_cast %add3A_164 : i32 to index
        %get3A_175 = arith.constant 48 : index
        %get3A_176 = tpu.vector_load %arg9[%get3A_174, %get3A_175] {strides = array<i32>} : memref<200x64xf32, #tpu.memory_space<vmem>>, vector<16xf32>,
        %add3A_177 = arith.addf %get3A_167, %get3A_170 : vector<16xf32>
        %add3A_178 = arith.addf %get3A_173, %get3A_176 : vector<16xf32>
        %add3A_179 = arith.addf %add3A_177, %add3A_178 : vector<16xf32>
        %mul3A_180 = arith.mulf %get3A_167, %get3A_167 : vector<16xf32>
        %mul3A_181 = arith.mulf %get3A_170, %get3A_170 : vector<16xf32>
        %add3A_182 = arith.addf %mul3A_180, %mul3A_181 : vector<16xf32>
        %mul3A_183 = arith.mulf %get3A_173, %get3A_173 : vector<16xf32>
        %mul3A_184 = arith.mulf %get3A_176, %get3A_176 : vector<16xf32>
        %add3A_185 = arith.addf %mul3A_183, %mul3A_184 : vector<16xf32>
        %add3A_186 = arith.addf %add3A_182, %add3A_185 : vector<16xf32>
        %reduce_sum3A = arith.constant true
        %reduce_sum3A_187 = vector.broadcast %reduce_sum3A : i1 to vector<16xi1>
        %reduce_sum3A_188 = tpu.scan <sum>, %add3A_179 masked %reduce_sum3A_187 : vector<16xf32>, vector<16xi1> -> vector<16xf32>
        %reduce_sum3A_189 = vector.extract %reduce_sum3A_188[15] : f32 from vector<16xf32>
        %mul3A_190 = arith.constant 1.562500e-02 : f32
        %mul3A_191 = arith.mulf %reduce_sum3A_189, %mul3A_190 : f32
        %reduce_sum3A_192 = arith.constant true
        %reduce_sum3A_193 = vector.broadcast %reduce_sum3A_192 : i1 to vector<16xi1>
        %reduce_sum3A_194 = tpu.scan <sum>, %add3A_186 masked %reduce_sum3A_193 : vector<16xf32>, vector<16xi1> -> vector<16xf32>
        %reduce_sum3A_195 = vector.extract %reduce_sum3A_194[15] : f32 from vector<16xf32>
        %mul3A_196 = arith.constant 1.562500e-02 : f32
        %mul3A_197 = arith.mulf %reduce_sum3A_195, %mul3A_196 : f32
        %mul3A_198 = arith.mulf %mul3A_191, %mul3A_191 : f32
        %sub3A = arith.subf %mul3A_197, %mul3A_198 : f32
        %add3A_199 = arith.constant 9.99999974E-6 : f32
        %add3A_200 = arith.addf %sub3A, %add3A_199 : f32
        %bitcast_convert_type3A = arith.bitcast %add3A_200 : f32 to i32
        %shift_right_logical3A = arith.constant 1 : i32
        %shift_right_logical3A_201 = arith.shrui %bitcast_convert_type3A, %shift_right_logical3A : i32
        %sub3A_202 = arith.constant 1597463007 : i32
        %sub3A_203 = arith.subi %sub3A_202, %shift_right_logical3A_201 : i32
        %bitcast_convert_type3A_204 = arith.bitcast %sub3A_203 : i32 to f32
        %mul3A_205 = arith.constant -5.000000e-01 : f32
        %mul3A_206 = arith.mulf %add3A_200, %mul3A_205 : f32
        %mul3A_207 = arith.mulf %mul3A_206, %bitcast_convert_type3A_204 : f32
        %mul3A_208 = arith.mulf %mul3A_207, %bitcast_convert_type3A_204 : f32
        %add3A_209 = arith.constant 1.500000e+00 : f32
        %add3A_210 = arith.addf %add3A_209, %mul3A_208 : f32
        %mul3A_211 = arith.mulf %bitcast_convert_type3A_204, %add3A_210 : f32
        %mul3A_212 = arith.mulf %mul3A_206, %mul3A_211 : f32
        %mul3A_213 = arith.mulf %mul3A_212, %mul3A_211 : f32
        %add3A_214 = arith.constant 1.500000e+00 : f32
        %add3A_215 = arith.addf %add3A_214, %mul3A_213 : f32
        %mul3A_216 = arith.mulf %mul3A_211, %add3A_215 : f32
        %mul3A_217 = arith.mulf %mul3A_206, %mul3A_216 : f32
        %mul3A_218 = arith.mulf %mul3A_217, %mul3A_216 : f32
        %add3A_219 = arith.constant 1.500000e+00 : f32
        %add3A_220 = arith.addf %add3A_219, %mul3A_218 : f32
        %mul3A_221 = arith.mulf %mul3A_216, %add3A_220 : f32
        %broadcast_in_dim3A = vector.broadcast %mul3A_221 : f32 to vector<16xf32>
        %mul3A_222 = arith.mulf %mul3A_191, %mul3A_221 : f32
        %broadcast_in_dim3A_223 = vector.broadcast %mul3A_222 : f32 to vector<16xf32>
        %mul3A_224 = arith.mulf %broadcast_in_dim3A, %get3A_131 : vector<16xf32>
        %mul3A_225 = arith.mulf %broadcast_in_dim3A_223, %get3A_131 : vector<16xf32>
        %sub3A_226 = arith.subf %get3A_139, %mul3A_225 : vector<16xf32>
        %mul3A_227 = arith.mulf %get3A_167, %mul3A_224 : vector<16xf32>
        %add3A_228 = arith.addf %mul3A_227, %sub3A_226 : vector<16xf32>
        %swap3A = arith.index_cast %add3A_164 : i32 to index
        %swap3A_229 = arith.constant 0 : index
        %swap3A_230 = tpu.vector_load %arg9[%swap3A, %swap3A_229] {strides = array<i32>} : memref<200x64xf32, #tpu.memory_space<vmem>>, vector<16xf32>,
        tpu.vector_store %arg9[%swap3A, %swap3A_229], %add3A_228 {strides = array<i32>} : memref<200x64xf32, #tpu.memory_space<vmem>>, vector<16xf32>,
        %mul3A_231 = arith.mulf %broadcast_in_dim3A, %get3A_133 : vector<16xf32>
        %mul3A_232 = arith.mulf %broadcast_in_dim3A_223, %get3A_133 : vector<16xf32>
        %sub3A_233 = arith.subf %get3A_141, %mul3A_232 : vector<16xf32>
        %mul3A_234 = arith.mulf %get3A_170, %mul3A_231 : vector<16xf32>
        %add3A_235 = arith.addf %mul3A_234, %sub3A_233 : vector<16xf32>
        %swap3A_236 = arith.index_cast %add3A_164 : i32 to index
        %swap3A_237 = arith.constant 16 : index
        %swap3A_238 = tpu.vector_load %arg9[%swap3A_236, %swap3A_237] {strides = array<i32>} : memref<200x64xf32, #tpu.memory_space<vmem>>, vector<16xf32>,
        tpu.vector_store %arg9[%swap3A_236, %swap3A_237], %add3A_235 {strides = array<i32>} : memref<200x64xf32, #tpu.memory_space<vmem>>, vector<16xf32>,
        %mul3A_239 = arith.mulf %broadcast_in_dim3A, %get3A_135 : vector<16xf32>
        %mul3A_240 = arith.mulf %broadcast_in_dim3A_223, %get3A_135 : vector<16xf32>
        %sub3A_241 = arith.subf %get3A_143, %mul3A_240 : vector<16xf32>
        %mul3A_242 = arith.mulf %get3A_173, %mul3A_239 : vector<16xf32>
        %add3A_243 = arith.addf %mul3A_242, %sub3A_241 : vector<16xf32>
        %swap3A_244 = arith.index_cast %add3A_164 : i32 to index
        %swap3A_245 = arith.constant 32 : index
        %swap3A_246 = tpu.vector_load %arg9[%swap3A_244, %swap3A_245] {strides = array<i32>} : memref<200x64xf32, #tpu.memory_space<vmem>>, vector<16xf32>,
        tpu.vector_store %arg9[%swap3A_244, %swap3A_245], %add3A_243 {strides = array<i32>} : memref<200x64xf32, #tpu.memory_space<vmem>>, vector<16xf32>,
        %mul3A_247 = arith.mulf %broadcast_in_dim3A, %get3A_137 : vector<16xf32>
        %mul3A_248 = arith.mulf %broadcast_in_dim3A_223, %get3A_137 : vector<16xf32>
        %sub3A_249 = arith.subf %get3A_145, %mul3A_248 : vector<16xf32>
        %mul3A_250 = arith.mulf %get3A_176, %mul3A_247 : vector<16xf32>
        %add3A_251 = arith.addf %mul3A_250, %sub3A_249 : vector<16xf32>
        %swap3A_252 = arith.index_cast %add3A_164 : i32 to index
        %swap3A_253 = arith.constant 48 : index
        %swap3A_254 = tpu.vector_load %arg9[%swap3A_252, %swap3A_253] {strides = array<i32>} : memref<200x64xf32, #tpu.memory_space<vmem>>, vector<16xf32>,
        tpu.vector_store %arg9[%swap3A_252, %swap3A_253], %add3A_251 {strides = array<i32>} : memref<200x64xf32, #tpu.memory_space<vmem>>, vector<16xf32>,
        %scan3A_255 = arith.constant 1 : i32
        %scan3A_256 = arith.addi %scan3A_160, %scan3A_255 : i32
        %mul3A_257 = arith.constant 1 : i32
        %mul3A_258 = arith.muli %scan3A_256, %mul3A_257 : i32
        %add3A_259 = arith.constant 0 : i32
        %add3A_260 = arith.addi %add3A_259, %mul3A_258 : i32
        %get3A_261 = arith.index_cast %add3A_260 : i32 to index
        %get3A_262 = arith.constant 0 : index
        %get3A_263 = tpu.vector_load %arg9[%get3A_261, %get3A_262] {strides = array<i32>} : memref<200x64xf32, #tpu.memory_space<vmem>>, vector<16xf32>,
        %get3A_264 = arith.index_cast %add3A_260 : i32 to index
        %get3A_265 = arith.constant 16 : index
        %get3A_266 = tpu.vector_load %arg9[%get3A_264, %get3A_265] {strides = array<i32>} : memref<200x64xf32, #tpu.memory_space<vmem>>, vector<16xf32>,
        %get3A_267 = arith.index_cast %add3A_260 : i32 to index
        %get3A_268 = arith.constant 32 : index
        %get3A_269 = tpu.vector_load %arg9[%get3A_267, %get3A_268] {strides = array<i32>} : memref<200x64xf32, #tpu.memory_space<vmem>>, vector<16xf32>,
        %get3A_270 = arith.index_cast %add3A_260 : i32 to index
        %get3A_271 = arith.constant 48 : index
        %get3A_272 = tpu.vector_load %arg9[%get3A_270, %get3A_271] {strides = array<i32>} : memref<200x64xf32, #tpu.memory_space<vmem>>, vector<16xf32>,
        %add3A_273 = arith.addf %get3A_263, %get3A_266 : vector<16xf32>
        %add3A_274 = arith.addf %get3A_269, %get3A_272 : vector<16xf32>
        %add3A_275 = arith.addf %add3A_273, %add3A_274 : vector<16xf32>
        %mul3A_276 = arith.mulf %get3A_263, %get3A_263 : vector<16xf32>
        %mul3A_277 = arith.mulf %get3A_266, %get3A_266 : vector<16xf32>
        %add3A_278 = arith.addf %mul3A_276, %mul3A_277 : vector<16xf32>
        %mul3A_279 = arith.mulf %get3A_269, %get3A_269 : vector<16xf32>
        %mul3A_280 = arith.mulf %get3A_272, %get3A_272 : vector<16xf32>
        %add3A_281 = arith.addf %mul3A_279, %mul3A_280 : vector<16xf32>
        %add3A_282 = arith.addf %add3A_278, %add3A_281 : vector<16xf32>
        %reduce_sum3A_283 = arith.constant true
        %reduce_sum3A_284 = vector.broadcast %reduce_sum3A_283 : i1 to vector<16xi1>
        %reduce_sum3A_285 = tpu.scan <sum>, %add3A_275 masked %reduce_sum3A_284 : vector<16xf32>, vector<16xi1> -> vector<16xf32>
        %reduce_sum3A_286 = vector.extract %reduce_sum3A_285[15] : f32 from vector<16xf32>
        %mul3A_287 = arith.constant 1.562500e-02 : f32
        %mul3A_288 = arith.mulf %reduce_sum3A_286, %mul3A_287 : f32
        %reduce_sum3A_289 = arith.constant true
        %reduce_sum3A_290 = vector.broadcast %reduce_sum3A_289 : i1 to vector<16xi1>
        %reduce_sum3A_291 = tpu.scan <sum>, %add3A_282 masked %reduce_sum3A_290 : vector<16xf32>, vector<16xi1> -> vector<16xf32>
        %reduce_sum3A_292 = vector.extract %reduce_sum3A_291[15] : f32 from vector<16xf32>
        %mul3A_293 = arith.constant 1.562500e-02 : f32
        %mul3A_294 = arith.mulf %reduce_sum3A_292, %mul3A_293 : f32
        %mul3A_295 = arith.mulf %mul3A_288, %mul3A_288 : f32
        %sub3A_296 = arith.subf %mul3A_294, %mul3A_295 : f32
        %add3A_297 = arith.constant 9.99999974E-6 : f32
        %add3A_298 = arith.addf %sub3A_296, %add3A_297 : f32
        %bitcast_convert_type3A_299 = arith.bitcast %add3A_298 : f32 to i32
        %shift_right_logical3A_300 = arith.constant 1 : i32
        %shift_right_logical3A_301 = arith.shrui %bitcast_convert_type3A_299, %shift_right_logical3A_300 : i32
        %sub3A_302 = arith.constant 1597463007 : i32
        %sub3A_303 = arith.subi %sub3A_302, %shift_right_logical3A_301 : i32
        %bitcast_convert_type3A_304 = arith.bitcast %sub3A_303 : i32 to f32
        %mul3A_305 = arith.constant -5.000000e-01 : f32
        %mul3A_306 = arith.mulf %add3A_298, %mul3A_305 : f32
        %mul3A_307 = arith.mulf %mul3A_306, %bitcast_convert_type3A_304 : f32
        %mul3A_308 = arith.mulf %mul3A_307, %bitcast_convert_type3A_304 : f32
        %add3A_309 = arith.constant 1.500000e+00 : f32
        %add3A_310 = arith.addf %add3A_309, %mul3A_308 : f32
        %mul3A_311 = arith.mulf %bitcast_convert_type3A_304, %add3A_310 : f32
        %mul3A_312 = arith.mulf %mul3A_306, %mul3A_311 : f32
        %mul3A_313 = arith.mulf %mul3A_312, %mul3A_311 : f32
        %add3A_314 = arith.constant 1.500000e+00 : f32
        %add3A_315 = arith.addf %add3A_314, %mul3A_313 : f32
        %mul3A_316 = arith.mulf %mul3A_311, %add3A_315 : f32
        %mul3A_317 = arith.mulf %mul3A_306, %mul3A_316 : f32
        %mul3A_318 = arith.mulf %mul3A_317, %mul3A_316 : f32
        %add3A_319 = arith.constant 1.500000e+00 : f32
        %add3A_320 = arith.addf %add3A_319, %mul3A_318 : f32
        %mul3A_321 = arith.mulf %mul3A_316, %add3A_320 : f32
        %broadcast_in_dim3A_322 = vector.broadcast %mul3A_321 : f32 to vector<16xf32>
        %mul3A_323 = arith.mulf %mul3A_288, %mul3A_321 : f32
        %broadcast_in_dim3A_324 = vector.broadcast %mul3A_323 : f32 to vector<16xf32>
        %mul3A_325 = arith.mulf %broadcast_in_dim3A_322, %get3A_131 : vector<16xf32>
        %mul3A_326 = arith.mulf %broadcast_in_dim3A_324, %get3A_131 : vector<16xf32>
        %sub3A_327 = arith.subf %get3A_139, %mul3A_326 : vector<16xf32>
        %mul3A_328 = arith.mulf %get3A_263, %mul3A_325 : vector<16xf32>
        %add3A_329 = arith.addf %mul3A_328, %sub3A_327 : vector<16xf32>
        %swap3A_330 = arith.index_cast %add3A_260 : i32 to index
        %swap3A_331 = arith.constant 0 : index
        %swap3A_332 = tpu.vector_load %arg9[%swap3A_330, %swap3A_331] {strides = array<i32>} : memref<200x64xf32, #tpu.memory_space<vmem>>, vector<16xf32>,
        tpu.vector_store %arg9[%swap3A_330, %swap3A_331], %add3A_329 {strides = array<i32>} : memref<200x64xf32, #tpu.memory_space<vmem>>, vector<16xf32>,
        %mul3A_333 = arith.mulf %broadcast_in_dim3A_322, %get3A_133 : vector<16xf32>
        %mul3A_334 = arith.mulf %broadcast_in_dim3A_324, %get3A_133 : vector<16xf32>
        %sub3A_335 = arith.subf %get3A_141, %mul3A_334 : vector<16xf32>
        %mul3A_336 = arith.mulf %get3A_266, %mul3A_333 : vector<16xf32>
        %add3A_337 = arith.addf %mul3A_336, %sub3A_335 : vector<16xf32>
        %swap3A_338 = arith.index_cast %add3A_260 : i32 to index
        %swap3A_339 = arith.constant 16 : index
        %swap3A_340 = tpu.vector_load %arg9[%swap3A_338, %swap3A_339] {strides = array<i32>} : memref<200x64xf32, #tpu.memory_space<vmem>>, vector<16xf32>,
        tpu.vector_store %arg9[%swap3A_338, %swap3A_339], %add3A_337 {strides = array<i32>} : memref<200x64xf32, #tpu.memory_space<vmem>>, vector<16xf32>,
        %mul3A_341 = arith.mulf %broadcast_in_dim3A_322, %get3A_135 : vector<16xf32>
        %mul3A_342 = arith.mulf %broadcast_in_dim3A_324, %get3A_135 : vector<16xf32>
        %sub3A_343 = arith.subf %get3A_143, %mul3A_342 : vector<16xf32>
        %mul3A_344 = arith.mulf %get3A_269, %mul3A_341 : vector<16xf32>
        %add3A_345 = arith.addf %mul3A_344, %sub3A_343 : vector<16xf32>
        %swap3A_346 = arith.index_cast %add3A_260 : i32 to index
        %swap3A_347 = arith.constant 32 : index
        %swap3A_348 = tpu.vector_load %arg9[%swap3A_346, %swap3A_347] {strides = array<i32>} : memref<200x64xf32, #tpu.memory_space<vmem>>, vector<16xf32>,
        tpu.vector_store %arg9[%swap3A_346, %swap3A_347], %add3A_345 {strides = array<i32>} : memref<200x64xf32, #tpu.memory_space<vmem>>, vector<16xf32>,
        %mul3A_349 = arith.mulf %broadcast_in_dim3A_322, %get3A_137 : vector<16xf32>
        %mul3A_350 = arith.mulf %broadcast_in_dim3A_324, %get3A_137 : vector<16xf32>
        %sub3A_351 = arith.subf %get3A_145, %mul3A_350 : vector<16xf32>
        %mul3A_352 = arith.mulf %get3A_272, %mul3A_349 : vector<16xf32>
        %add3A_353 = arith.addf %mul3A_352, %sub3A_351 : vector<16xf32>
        %swap3A_354 = arith.index_cast %add3A_260 : i32 to index
        %swap3A_355 = arith.constant 48 : index
        %swap3A_356 = tpu.vector_load %arg9[%swap3A_354, %swap3A_355] {strides = array<i32>} : memref<200x64xf32, #tpu.memory_space<vmem>>, vector<16xf32>,
        tpu.vector_store %arg9[%swap3A_354, %swap3A_355], %add3A_353 {strides = array<i32>} : memref<200x64xf32, #tpu.memory_space<vmem>>, vector<16xf32>,
        %scan3A_357 = arith.constant 2 : i32
        %scan3A_358 = arith.addi %scan3A_160, %scan3A_357 : i32
        %mul3A_359 = arith.constant 1 : i32
        %mul3A_360 = arith.muli %scan3A_358, %mul3A_359 : i32
        %add3A_361 = arith.constant 0 : i32
        %add3A_362 = arith.addi %add3A_361, %mul3A_360 : i32
        %get3A_363 = arith.index_cast %add3A_362 : i32 to index
        %get3A_364 = arith.constant 0 : index
        %get3A_365 = tpu.vector_load %arg9[%get3A_363, %get3A_364] {strides = array<i32>} : memref<200x64xf32, #tpu.memory_space<vmem>>, vector<16xf32>,
        %get3A_366 = arith.index_cast %add3A_362 : i32 to index
        %get3A_367 = arith.constant 16 : index
        %get3A_368 = tpu.vector_load %arg9[%get3A_366, %get3A_367] {strides = array<i32>} : memref<200x64xf32, #tpu.memory_space<vmem>>, vector<16xf32>,
        %get3A_369 = arith.index_cast %add3A_362 : i32 to index
        %get3A_370 = arith.constant 32 : index
        %get3A_371 = tpu.vector_load %arg9[%get3A_369, %get3A_370] {strides = array<i32>} : memref<200x64xf32, #tpu.memory_space<vmem>>, vector<16xf32>,
        %get3A_372 = arith.index_cast %add3A_362 : i32 to index
        %get3A_373 = arith.constant 48 : index
        %get3A_374 = tpu.vector_load %arg9[%get3A_372, %get3A_373] {strides = array<i32>} : memref<200x64xf32, #tpu.memory_space<vmem>>, vector<16xf32>,
        %add3A_375 = arith.addf %get3A_365, %get3A_368 : vector<16xf32>
        %add3A_376 = arith.addf %get3A_371, %get3A_374 : vector<16xf32>
        %add3A_377 = arith.addf %add3A_375, %add3A_376 : vector<16xf32>
        %mul3A_378 = arith.mulf %get3A_365, %get3A_365 : vector<16xf32>
        %mul3A_379 = arith.mulf %get3A_368, %get3A_368 : vector<16xf32>
        %add3A_380 = arith.addf %mul3A_378, %mul3A_379 : vector<16xf32>
        %mul3A_381 = arith.mulf %get3A_371, %get3A_371 : vector<16xf32>
        %mul3A_382 = arith.mulf %get3A_374, %get3A_374 : vector<16xf32>
        %add3A_383 = arith.addf %mul3A_381, %mul3A_382 : vector<16xf32>
        %add3A_384 = arith.addf %add3A_380, %add3A_383 : vector<16xf32>
        %reduce_sum3A_385 = arith.constant true
        %reduce_sum3A_386 = vector.broadcast %reduce_sum3A_385 : i1 to vector<16xi1>
        %reduce_sum3A_387 = tpu.scan <sum>, %add3A_377 masked %reduce_sum3A_386 : vector<16xf32>, vector<16xi1> -> vector<16xf32>
        %reduce_sum3A_388 = vector.extract %reduce_sum3A_387[15] : f32 from vector<16xf32>
        %mul3A_389 = arith.constant 1.562500e-02 : f32
        %mul3A_390 = arith.mulf %reduce_sum3A_388, %mul3A_389 : f32
        %reduce_sum3A_391 = arith.constant true
        %reduce_sum3A_392 = vector.broadcast %reduce_sum3A_391 : i1 to vector<16xi1>
        %reduce_sum3A_393 = tpu.scan <sum>, %add3A_384 masked %reduce_sum3A_392 : vector<16xf32>, vector<16xi1> -> vector<16xf32>
        %reduce_sum3A_394 = vector.extract %reduce_sum3A_393[15] : f32 from vector<16xf32>
        %mul3A_395 = arith.constant 1.562500e-02 : f32
        %mul3A_396 = arith.mulf %reduce_sum3A_394, %mul3A_395 : f32
        %mul3A_397 = arith.mulf %mul3A_390, %mul3A_390 : f32
        %sub3A_398 = arith.subf %mul3A_396, %mul3A_397 : f32
        %add3A_399 = arith.constant 9.99999974E-6 : f32
        %add3A_400 = arith.addf %sub3A_398, %add3A_399 : f32
        %bitcast_convert_type3A_401 = arith.bitcast %add3A_400 : f32 to i32
        %shift_right_logical3A_402 = arith.constant 1 : i32
        %shift_right_logical3A_403 = arith.shrui %bitcast_convert_type3A_401, %shift_right_logical3A_402 : i32
        %sub3A_404 = arith.constant 1597463007 : i32
        %sub3A_405 = arith.subi %sub3A_404, %shift_right_logical3A_403 : i32
        %bitcast_convert_type3A_406 = arith.bitcast %sub3A_405 : i32 to f32
        %mul3A_407 = arith.constant -5.000000e-01 : f32
        %mul3A_408 = arith.mulf %add3A_400, %mul3A_407 : f32
        %mul3A_409 = arith.mulf %mul3A_408, %bitcast_convert_type3A_406 : f32
        %mul3A_410 = arith.mulf %mul3A_409, %bitcast_convert_type3A_406 : f32
        %add3A_411 = arith.constant 1.500000e+00 : f32
        %add3A_412 = arith.addf %add3A_411, %mul3A_410 : f32
        %mul3A_413 = arith.mulf %bitcast_convert_type3A_406, %add3A_412 : f32
        %mul3A_414 = arith.mulf %mul3A_408, %mul3A_413 : f32
        %mul3A_415 = arith.mulf %mul3A_414, %mul3A_413 : f32
        %add3A_416 = arith.constant 1.500000e+00 : f32
        %add3A_417 = arith.addf %add3A_416, %mul3A_415 : f32
        %mul3A_418 = arith.mulf %mul3A_413, %add3A_417 : f32
        %mul3A_419 = arith.mulf %mul3A_408, %mul3A_418 : f32
        %mul3A_420 = arith.mulf %mul3A_419, %mul3A_418 : f32
        %add3A_421 = arith.constant 1.500000e+00 : f32
        %add3A_422 = arith.addf %add3A_421, %mul3A_420 : f32
        %mul3A_423 = arith.mulf %mul3A_418, %add3A_422 : f32
        %broadcast_in_dim3A_424 = vector.broadcast %mul3A_423 : f32 to vector<16xf32>
        %mul3A_425 = arith.mulf %mul3A_390, %mul3A_423 : f32
        %broadcast_in_dim3A_426 = vector.broadcast %mul3A_425 : f32 to vector<16xf32>
        %mul3A_427 = arith.mulf %broadcast_in_dim3A_424, %get3A_131 : vector<16xf32>
        %mul3A_428 = arith.mulf %broadcast_in_dim3A_426, %get3A_131 : vector<16xf32>
        %sub3A_429 = arith.subf %get3A_139, %mul3A_428 : vector<16xf32>
        %mul3A_430 = arith.mulf %get3A_365, %mul3A_427 : vector<16xf32>
        %add3A_431 = arith.addf %mul3A_430, %sub3A_429 : vector<16xf32>
        %swap3A_432 = arith.index_cast %add3A_362 : i32 to index
        %swap3A_433 = arith.constant 0 : index
        %swap3A_434 = tpu.vector_load %arg9[%swap3A_432, %swap3A_433] {strides = array<i32>} : memref<200x64xf32, #tpu.memory_space<vmem>>, vector<16xf32>,
        tpu.vector_store %arg9[%swap3A_432, %swap3A_433], %add3A_431 {strides = array<i32>} : memref<200x64xf32, #tpu.memory_space<vmem>>, vector<16xf32>,
        %mul3A_435 = arith.mulf %broadcast_in_dim3A_424, %get3A_133 : vector<16xf32>
        %mul3A_436 = arith.mulf %broadcast_in_dim3A_426, %get3A_133 : vector<16xf32>
        %sub3A_437 = arith.subf %get3A_141, %mul3A_436 : vector<16xf32>
        %mul3A_438 = arith.mulf %get3A_368, %mul3A_435 : vector<16xf32>
        %add3A_439 = arith.addf %mul3A_438, %sub3A_437 : vector<16xf32>
        %swap3A_440 = arith.index_cast %add3A_362 : i32 to index
        %swap3A_441 = arith.constant 16 : index
        %swap3A_442 = tpu.vector_load %arg9[%swap3A_440, %swap3A_441] {strides = array<i32>} : memref<200x64xf32, #tpu.memory_space<vmem>>, vector<16xf32>,
        tpu.vector_store %arg9[%swap3A_440, %swap3A_441], %add3A_439 {strides = array<i32>} : memref<200x64xf32, #tpu.memory_space<vmem>>, vector<16xf32>,
        %mul3A_443 = arith.mulf %broadcast_in_dim3A_424, %get3A_135 : vector<16xf32>
        %mul3A_444 = arith.mulf %broadcast_in_dim3A_426, %get3A_135 : vector<16xf32>
        %sub3A_445 = arith.subf %get3A_143, %mul3A_444 : vector<16xf32>
        %mul3A_446 = arith.mulf %get3A_371, %mul3A_443 : vector<16xf32>
        %add3A_447 = arith.addf %mul3A_446, %sub3A_445 : vector<16xf32>
        %swap3A_448 = arith.index_cast %add3A_362 : i32 to index
        %swap3A_449 = arith.constant 32 : index
        %swap3A_450 = tpu.vector_load %arg9[%swap3A_448, %swap3A_449] {strides = array<i32>} : memref<200x64xf32, #tpu.memory_space<vmem>>, vector<16xf32>,
        tpu.vector_store %arg9[%swap3A_448, %swap3A_449], %add3A_447 {strides = array<i32>} : memref<200x64xf32, #tpu.memory_space<vmem>>, vector<16xf32>,
        %mul3A_451 = arith.mulf %broadcast_in_dim3A_424, %get3A_137 : vector<16xf32>
        %mul3A_452 = arith.mulf %broadcast_in_dim3A_426, %get3A_137 : vector<16xf32>
        %sub3A_453 = arith.subf %get3A_145, %mul3A_452 : vector<16xf32>
        %mul3A_454 = arith.mulf %get3A_374, %mul3A_451 : vector<16xf32>
        %add3A_455 = arith.addf %mul3A_454, %sub3A_453 : vector<16xf32>
        %swap3A_456 = arith.index_cast %add3A_362 : i32 to index
        %swap3A_457 = arith.constant 48 : index
        %swap3A_458 = tpu.vector_load %arg9[%swap3A_456, %swap3A_457] {strides = array<i32>} : memref<200x64xf32, #tpu.memory_space<vmem>>, vector<16xf32>,
        tpu.vector_store %arg9[%swap3A_456, %swap3A_457], %add3A_455 {strides = array<i32>} : memref<200x64xf32, #tpu.memory_space<vmem>>, vector<16xf32>,
        %scan3A_459 = arith.constant 3 : i32
        %scan3A_460 = arith.addi %scan3A_160, %scan3A_459 : i32
        %mul3A_461 = arith.constant 1 : i32
        %mul3A_462 = arith.muli %scan3A_460, %mul3A_461 : i32
        %add3A_463 = arith.constant 0 : i32
        %add3A_464 = arith.addi %add3A_463, %mul3A_462 : i32
        %get3A_465 = arith.index_cast %add3A_464 : i32 to index
        %get3A_466 = arith.constant 0 : index
        %get3A_467 = tpu.vector_load %arg9[%get3A_465, %get3A_466] {strides = array<i32>} : memref<200x64xf32, #tpu.memory_space<vmem>>, vector<16xf32>,
        %get3A_468 = arith.index_cast %add3A_464 : i32 to index
        %get3A_469 = arith.constant 16 : index
        %get3A_470 = tpu.vector_load %arg9[%get3A_468, %get3A_469] {strides = array<i32>} : memref<200x64xf32, #tpu.memory_space<vmem>>, vector<16xf32>,
        %get3A_471 = arith.index_cast %add3A_464 : i32 to index
        %get3A_472 = arith.constant 32 : index
        %get3A_473 = tpu.vector_load %arg9[%get3A_471, %get3A_472] {strides = array<i32>} : memref<200x64xf32, #tpu.memory_space<vmem>>, vector<16xf32>,
        %get3A_474 = arith.index_cast %add3A_464 : i32 to index
        %get3A_475 = arith.constant 48 : index
        %get3A_476 = tpu.vector_load %arg9[%get3A_474, %get3A_475] {strides = array<i32>} : memref<200x64xf32, #tpu.memory_space<vmem>>, vector<16xf32>,
        %add3A_477 = arith.addf %get3A_467, %get3A_470 : vector<16xf32>
        %add3A_478 = arith.addf %get3A_473, %get3A_476 : vector<16xf32>
        %add3A_479 = arith.addf %add3A_477, %add3A_478 : vector<16xf32>
        %mul3A_480 = arith.mulf %get3A_467, %get3A_467 : vector<16xf32>
        %mul3A_481 = arith.mulf %get3A_470, %get3A_470 : vector<16xf32>
        %add3A_482 = arith.addf %mul3A_480, %mul3A_481 : vector<16xf32>
        %mul3A_483 = arith.mulf %get3A_473, %get3A_473 : vector<16xf32>
        %mul3A_484 = arith.mulf %get3A_476, %get3A_476 : vector<16xf32>
        %add3A_485 = arith.addf %mul3A_483, %mul3A_484 : vector<16xf32>
        %add3A_486 = arith.addf %add3A_482, %add3A_485 : vector<16xf32>
        %reduce_sum3A_487 = arith.constant true
        %reduce_sum3A_488 = vector.broadcast %reduce_sum3A_487 : i1 to vector<16xi1>
        %reduce_sum3A_489 = tpu.scan <sum>, %add3A_479 masked %reduce_sum3A_488 : vector<16xf32>, vector<16xi1> -> vector<16xf32>
        %reduce_sum3A_490 = vector.extract %reduce_sum3A_489[15] : f32 from vector<16xf32>
        %mul3A_491 = arith.constant 1.562500e-02 : f32
        %mul3A_492 = arith.mulf %reduce_sum3A_490, %mul3A_491 : f32
        %reduce_sum3A_493 = arith.constant true
        %reduce_sum3A_494 = vector.broadcast %reduce_sum3A_493 : i1 to vector<16xi1>
        %reduce_sum3A_495 = tpu.scan <sum>, %add3A_486 masked %reduce_sum3A_494 : vector<16xf32>, vector<16xi1> -> vector<16xf32>
        %reduce_sum3A_496 = vector.extract %reduce_sum3A_495[15] : f32 from vector<16xf32>
        %mul3A_497 = arith.constant 1.562500e-02 : f32
        %mul3A_498 = arith.mulf %reduce_sum3A_496, %mul3A_497 : f32
        %mul3A_499 = arith.mulf %mul3A_492, %mul3A_492 : f32
        %sub3A_500 = arith.subf %mul3A_498, %mul3A_499 : f32
        %add3A_501 = arith.constant 9.99999974E-6 : f32
        %add3A_502 = arith.addf %sub3A_500, %add3A_501 : f32
        %bitcast_convert_type3A_503 = arith.bitcast %add3A_502 : f32 to i32
        %shift_right_logical3A_504 = arith.constant 1 : i32
        %shift_right_logical3A_505 = arith.shrui %bitcast_convert_type3A_503, %shift_right_logical3A_504 : i32
        %sub3A_506 = arith.constant 1597463007 : i32
        %sub3A_507 = arith.subi %sub3A_506, %shift_right_logical3A_505 : i32
        %bitcast_convert_type3A_508 = arith.bitcast %sub3A_507 : i32 to f32
        %mul3A_509 = arith.constant -5.000000e-01 : f32
        %mul3A_510 = arith.mulf %add3A_502, %mul3A_509 : f32
        %mul3A_511 = arith.mulf %mul3A_510, %bitcast_convert_type3A_508 : f32
        %mul3A_512 = arith.mulf %mul3A_511, %bitcast_convert_type3A_508 : f32
        %add3A_513 = arith.constant 1.500000e+00 : f32
        %add3A_514 = arith.addf %add3A_513, %mul3A_512 : f32
        %mul3A_515 = arith.mulf %bitcast_convert_type3A_508, %add3A_514 : f32
        %mul3A_516 = arith.mulf %mul3A_510, %mul3A_515 : f32
        %mul3A_517 = arith.mulf %mul3A_516, %mul3A_515 : f32
        %add3A_518 = arith.constant 1.500000e+00 : f32
        %add3A_519 = arith.addf %add3A_518, %mul3A_517 : f32
        %mul3A_520 = arith.mulf %mul3A_515, %add3A_519 : f32
        %mul3A_521 = arith.mulf %mul3A_510, %mul3A_520 : f32
        %mul3A_522 = arith.mulf %mul3A_521, %mul3A_520 : f32
        %add3A_523 = arith.constant 1.500000e+00 : f32
        %add3A_524 = arith.addf %add3A_523, %mul3A_522 : f32
        %mul3A_525 = arith.mulf %mul3A_520, %add3A_524 : f32
        %broadcast_in_dim3A_526 = vector.broadcast %mul3A_525 : f32 to vector<16xf32>
        %mul3A_527 = arith.mulf %mul3A_492, %mul3A_525 : f32
        %broadcast_in_dim3A_528 = vector.broadcast %mul3A_527 : f32 to vector<16xf32>
        %mul3A_529 = arith.mulf %broadcast_in_dim3A_526, %get3A_131 : vector<16xf32>
        %mul3A_530 = arith.mulf %broadcast_in_dim3A_528, %get3A_131 : vector<16xf32>
        %sub3A_531 = arith.subf %get3A_139, %mul3A_530 : vector<16xf32>
        %mul3A_532 = arith.mulf %get3A_467, %mul3A_529 : vector<16xf32>
        %add3A_533 = arith.addf %mul3A_532, %sub3A_531 : vector<16xf32>
        %swap3A_534 = arith.index_cast %add3A_464 : i32 to index
        %swap3A_535 = arith.constant 0 : index
        %swap3A_536 = tpu.vector_load %arg9[%swap3A_534, %swap3A_535] {strides = array<i32>} : memref<200x64xf32, #tpu.memory_space<vmem>>, vector<16xf32>,
        tpu.vector_store %arg9[%swap3A_534, %swap3A_535], %add3A_533 {strides = array<i32>} : memref<200x64xf32, #tpu.memory_space<vmem>>, vector<16xf32>,
        %mul3A_537 = arith.mulf %broadcast_in_dim3A_526, %get3A_133 : vector<16xf32>
        %mul3A_538 = arith.mulf %broadcast_in_dim3A_528, %get3A_133 : vector<16xf32>
        %sub3A_539 = arith.subf %get3A_141, %mul3A_538 : vector<16xf32>
        %mul3A_540 = arith.mulf %get3A_470, %mul3A_537 : vector<16xf32>
        %add3A_541 = arith.addf %mul3A_540, %sub3A_539 : vector<16xf32>
        %swap3A_542 = arith.index_cast %add3A_464 : i32 to index
        %swap3A_543 = arith.constant 16 : index
        %swap3A_544 = tpu.vector_load %arg9[%swap3A_542, %swap3A_543] {strides = array<i32>} : memref<200x64xf32, #tpu.memory_space<vmem>>, vector<16xf32>,
        tpu.vector_store %arg9[%swap3A_542, %swap3A_543], %add3A_541 {strides = array<i32>} : memref<200x64xf32, #tpu.memory_space<vmem>>, vector<16xf32>,
        %mul3A_545 = arith.mulf %broadcast_in_dim3A_526, %get3A_135 : vector<16xf32>
        %mul3A_546 = arith.mulf %broadcast_in_dim3A_528, %get3A_135 : vector<16xf32>
        %sub3A_547 = arith.subf %get3A_143, %mul3A_546 : vector<16xf32>
        %mul3A_548 = arith.mulf %get3A_473, %mul3A_545 : vector<16xf32>
        %add3A_549 = arith.addf %mul3A_548, %sub3A_547 : vector<16xf32>
        %swap3A_550 = arith.index_cast %add3A_464 : i32 to index
        %swap3A_551 = arith.constant 32 : index
        %swap3A_552 = tpu.vector_load %arg9[%swap3A_550, %swap3A_551] {strides = array<i32>} : memref<200x64xf32, #tpu.memory_space<vmem>>, vector<16xf32>,
        tpu.vector_store %arg9[%swap3A_550, %swap3A_551], %add3A_549 {strides = array<i32>} : memref<200x64xf32, #tpu.memory_space<vmem>>, vector<16xf32>,
        %mul3A_553 = arith.mulf %broadcast_in_dim3A_526, %get3A_137 : vector<16xf32>
        %mul3A_554 = arith.mulf %broadcast_in_dim3A_528, %get3A_137 : vector<16xf32>
        %sub3A_555 = arith.subf %get3A_145, %mul3A_554 : vector<16xf32>
        %mul3A_556 = arith.mulf %get3A_476, %mul3A_553 : vector<16xf32>
        %add3A_557 = arith.addf %mul3A_556, %sub3A_555 : vector<16xf32>
        %swap3A_558 = arith.index_cast %add3A_464 : i32 to index
        %swap3A_559 = arith.constant 48 : index
        %swap3A_560 = tpu.vector_load %arg9[%swap3A_558, %swap3A_559] {strides = array<i32>} : memref<200x64xf32, #tpu.memory_space<vmem>>, vector<16xf32>,
        tpu.vector_store %arg9[%swap3A_558, %swap3A_559], %add3A_557 {strides = array<i32>} : memref<200x64xf32, #tpu.memory_space<vmem>>, vector<16xf32>,
        %scan3A_561 = arith.constant 4 : i32
        %scan3A_562 = arith.addi %scan3A_160, %scan3A_561 : i32
        %mul3A_563 = arith.constant 1 : i32
        %mul3A_564 = arith.muli %scan3A_562, %mul3A_563 : i32
        %add3A_565 = arith.constant 0 : i32
        %add3A_566 = arith.addi %add3A_565, %mul3A_564 : i32
        %get3A_567 = arith.index_cast %add3A_566 : i32 to index
        %get3A_568 = arith.constant 0 : index
        %get3A_569 = tpu.vector_load %arg9[%get3A_567, %get3A_568] {strides = array<i32>} : memref<200x64xf32, #tpu.memory_space<vmem>>, vector<16xf32>,
        %get3A_570 = arith.index_cast %add3A_566 : i32 to index
        %get3A_571 = arith.constant 16 : index
        %get3A_572 = tpu.vector_load %arg9[%get3A_570, %get3A_571] {strides = array<i32>} : memref<200x64xf32, #tpu.memory_space<vmem>>, vector<16xf32>,
        %get3A_573 = arith.index_cast %add3A_566 : i32 to index
        %get3A_574 = arith.constant 32 : index
        %get3A_575 = tpu.vector_load %arg9[%get3A_573, %get3A_574] {strides = array<i32>} : memref<200x64xf32, #tpu.memory_space<vmem>>, vector<16xf32>,
        %get3A_576 = arith.index_cast %add3A_566 : i32 to index
        %get3A_577 = arith.constant 48 : index
        %get3A_578 = tpu.vector_load %arg9[%get3A_576, %get3A_577] {strides = array<i32>} : memref<200x64xf32, #tpu.memory_space<vmem>>, vector<16xf32>,
        %add3A_579 = arith.addf %get3A_569, %get3A_572 : vector<16xf32>
        %add3A_580 = arith.addf %get3A_575, %get3A_578 : vector<16xf32>
        %add3A_581 = arith.addf %add3A_579, %add3A_580 : vector<16xf32>
        %mul3A_582 = arith.mulf %get3A_569, %get3A_569 : vector<16xf32>
        %mul3A_583 = arith.mulf %get3A_572, %get3A_572 : vector<16xf32>
        %add3A_584 = arith.addf %mul3A_582, %mul3A_583 : vector<16xf32>
        %mul3A_585 = arith.mulf %get3A_575, %get3A_575 : vector<16xf32>
        %mul3A_586 = arith.mulf %get3A_578, %get3A_578 : vector<16xf32>
        %add3A_587 = arith.addf %mul3A_585, %mul3A_586 : vector<16xf32>
        %add3A_588 = arith.addf %add3A_584, %add3A_587 : vector<16xf32>
        %reduce_sum3A_589 = arith.constant true
        %reduce_sum3A_590 = vector.broadcast %reduce_sum3A_589 : i1 to vector<16xi1>
        %reduce_sum3A_591 = tpu.scan <sum>, %add3A_581 masked %reduce_sum3A_590 : vector<16xf32>, vector<16xi1> -> vector<16xf32>
        %reduce_sum3A_592 = vector.extract %reduce_sum3A_591[15] : f32 from vector<16xf32>
        %mul3A_593 = arith.constant 1.562500e-02 : f32
        %mul3A_594 = arith.mulf %reduce_sum3A_592, %mul3A_593 : f32
        %reduce_sum3A_595 = arith.constant true
        %reduce_sum3A_596 = vector.broadcast %reduce_sum3A_595 : i1 to vector<16xi1>
        %reduce_sum3A_597 = tpu.scan <sum>, %add3A_588 masked %reduce_sum3A_596 : vector<16xf32>, vector<16xi1> -> vector<16xf32>
        %reduce_sum3A_598 = vector.extract %reduce_sum3A_597[15] : f32 from vector<16xf32>
        %mul3A_599 = arith.constant 1.562500e-02 : f32
        %mul3A_600 = arith.mulf %reduce_sum3A_598, %mul3A_599 : f32
        %mul3A_601 = arith.mulf %mul3A_594, %mul3A_594 : f32
        %sub3A_602 = arith.subf %mul3A_600, %mul3A_601 : f32
        %add3A_603 = arith.constant 9.99999974E-6 : f32
        %add3A_604 = arith.addf %sub3A_602, %add3A_603 : f32
        %bitcast_convert_type3A_605 = arith.bitcast %add3A_604 : f32 to i32
        %shift_right_logical3A_606 = arith.constant 1 : i32
        %shift_right_logical3A_607 = arith.shrui %bitcast_convert_type3A_605, %shift_right_logical3A_606 : i32
        %sub3A_608 = arith.constant 1597463007 : i32
        %sub3A_609 = arith.subi %sub3A_608, %shift_right_logical3A_607 : i32
        %bitcast_convert_type3A_610 = arith.bitcast %sub3A_609 : i32 to f32
        %mul3A_611 = arith.constant -5.000000e-01 : f32
        %mul3A_612 = arith.mulf %add3A_604, %mul3A_611 : f32
        %mul3A_613 = arith.mulf %mul3A_612, %bitcast_convert_type3A_610 : f32
        %mul3A_614 = arith.mulf %mul3A_613, %bitcast_convert_type3A_610 : f32
        %add3A_615 = arith.constant 1.500000e+00 : f32
        %add3A_616 = arith.addf %add3A_615, %mul3A_614 : f32
        %mul3A_617 = arith.mulf %bitcast_convert_type3A_610, %add3A_616 : f32
        %mul3A_618 = arith.mulf %mul3A_612, %mul3A_617 : f32
        %mul3A_619 = arith.mulf %mul3A_618, %mul3A_617 : f32
        %add3A_620 = arith.constant 1.500000e+00 : f32
        %add3A_621 = arith.addf %add3A_620, %mul3A_619 : f32
        %mul3A_622 = arith.mulf %mul3A_617, %add3A_621 : f32
        %mul3A_623 = arith.mulf %mul3A_612, %mul3A_622 : f32
        %mul3A_624 = arith.mulf %mul3A_623, %mul3A_622 : f32
        %add3A_625 = arith.constant 1.500000e+00 : f32
        %add3A_626 = arith.addf %add3A_625, %mul3A_624 : f32
        %mul3A_627 = arith.mulf %mul3A_622, %add3A_626 : f32
        %broadcast_in_dim3A_628 = vector.broadcast %mul3A_627 : f32 to vector<16xf32>
        %mul3A_629 = arith.mulf %mul3A_594, %mul3A_627 : f32
        %broadcast_in_dim3A_630 = vector.broadcast %mul3A_629 : f32 to vector<16xf32>
        %mul3A_631 = arith.mulf %broadcast_in_dim3A_628, %get3A_131 : vector<16xf32>
        %mul3A_632 = arith.mulf %broadcast_in_dim3A_630, %get3A_131 : vector<16xf32>
        %sub3A_633 = arith.subf %get3A_139, %mul3A_632 : vector<16xf32>
        %mul3A_634 = arith.mulf %get3A_569, %mul3A_631 : vector<16xf32>
        %add3A_635 = arith.addf %mul3A_634, %sub3A_633 : vector<16xf32>
        %swap3A_636 = arith.index_cast %add3A_566 : i32 to index
        %swap3A_637 = arith.constant 0 : index
        %swap3A_638 = tpu.vector_load %arg9[%swap3A_636, %swap3A_637] {strides = array<i32>} : memref<200x64xf32, #tpu.memory_space<vmem>>, vector<16xf32>,
        tpu.vector_store %arg9[%swap3A_636, %swap3A_637], %add3A_635 {strides = array<i32>} : memref<200x64xf32, #tpu.memory_space<vmem>>, vector<16xf32>,
        %mul3A_639 = arith.mulf %broadcast_in_dim3A_628, %get3A_133 : vector<16xf32>
        %mul3A_640 = arith.mulf %broadcast_in_dim3A_630, %get3A_133 : vector<16xf32>
        %sub3A_641 = arith.subf %get3A_141, %mul3A_640 : vector<16xf32>
        %mul3A_642 = arith.mulf %get3A_572, %mul3A_639 : vector<16xf32>
        %add3A_643 = arith.addf %mul3A_642, %sub3A_641 : vector<16xf32>
        %swap3A_644 = arith.index_cast %add3A_566 : i32 to index
        %swap3A_645 = arith.constant 16 : index
        %swap3A_646 = tpu.vector_load %arg9[%swap3A_644, %swap3A_645] {strides = array<i32>} : memref<200x64xf32, #tpu.memory_space<vmem>>, vector<16xf32>,
        tpu.vector_store %arg9[%swap3A_644, %swap3A_645], %add3A_643 {strides = array<i32>} : memref<200x64xf32, #tpu.memory_space<vmem>>, vector<16xf32>,
        %mul3A_647 = arith.mulf %broadcast_in_dim3A_628, %get3A_135 : vector<16xf32>
        %mul3A_648 = arith.mulf %broadcast_in_dim3A_630, %get3A_135 : vector<16xf32>
        %sub3A_649 = arith.subf %get3A_143, %mul3A_648 : vector<16xf32>
        %mul3A_650 = arith.mulf %get3A_575, %mul3A_647 : vector<16xf32>
        %add3A_651 = arith.addf %mul3A_650, %sub3A_649 : vector<16xf32>
        %swap3A_652 = arith.index_cast %add3A_566 : i32 to index
        %swap3A_653 = arith.constant 32 : index
        %swap3A_654 = tpu.vector_load %arg9[%swap3A_652, %swap3A_653] {strides = array<i32>} : memref<200x64xf32, #tpu.memory_space<vmem>>, vector<16xf32>,
        tpu.vector_store %arg9[%swap3A_652, %swap3A_653], %add3A_651 {strides = array<i32>} : memref<200x64xf32, #tpu.memory_space<vmem>>, vector<16xf32>,
        %mul3A_655 = arith.mulf %broadcast_in_dim3A_628, %get3A_137 : vector<16xf32>
        %mul3A_656 = arith.mulf %broadcast_in_dim3A_630, %get3A_137 : vector<16xf32>
        %sub3A_657 = arith.subf %get3A_145, %mul3A_656 : vector<16xf32>
        %mul3A_658 = arith.mulf %get3A_578, %mul3A_655 : vector<16xf32>
        %add3A_659 = arith.addf %mul3A_658, %sub3A_657 : vector<16xf32>
        %swap3A_660 = arith.index_cast %add3A_566 : i32 to index
        %swap3A_661 = arith.constant 48 : index
        %swap3A_662 = tpu.vector_load %arg9[%swap3A_660, %swap3A_661] {strides = array<i32>} : memref<200x64xf32, #tpu.memory_space<vmem>>, vector<16xf32>,
        tpu.vector_store %arg9[%swap3A_660, %swap3A_661], %add3A_659 {strides = array<i32>} : memref<200x64xf32, #tpu.memory_space<vmem>>, vector<16xf32>,
        %scan3A_663 = arith.constant 5 : i32
        %scan3A_664 = arith.addi %scan3A_160, %scan3A_663 : i32
        %mul3A_665 = arith.constant 1 : i32
        %mul3A_666 = arith.muli %scan3A_664, %mul3A_665 : i32
        %add3A_667 = arith.constant 0 : i32
        %add3A_668 = arith.addi %add3A_667, %mul3A_666 : i32
        %get3A_669 = arith.index_cast %add3A_668 : i32 to index
        %get3A_670 = arith.constant 0 : index
        %get3A_671 = tpu.vector_load %arg9[%get3A_669, %get3A_670] {strides = array<i32>} : memref<200x64xf32, #tpu.memory_space<vmem>>, vector<16xf32>,
        %get3A_672 = arith.index_cast %add3A_668 : i32 to index
        %get3A_673 = arith.constant 16 : index
        %get3A_674 = tpu.vector_load %arg9[%get3A_672, %get3A_673] {strides = array<i32>} : memref<200x64xf32, #tpu.memory_space<vmem>>, vector<16xf32>,
        %get3A_675 = arith.index_cast %add3A_668 : i32 to index
        %get3A_676 = arith.constant 32 : index
        %get3A_677 = tpu.vector_load %arg9[%get3A_675, %get3A_676] {strides = array<i32>} : memref<200x64xf32, #tpu.memory_space<vmem>>, vector<16xf32>,
        %get3A_678 = arith.index_cast %add3A_668 : i32 to index
        %get3A_679 = arith.constant 48 : index
        %get3A_680 = tpu.vector_load %arg9[%get3A_678, %get3A_679] {strides = array<i32>} : memref<200x64xf32, #tpu.memory_space<vmem>>, vector<16xf32>,
        %add3A_681 = arith.addf %get3A_671, %get3A_674 : vector<16xf32>
        %add3A_682 = arith.addf %get3A_677, %get3A_680 : vector<16xf32>
        %add3A_683 = arith.addf %add3A_681, %add3A_682 : vector<16xf32>
        %mul3A_684 = arith.mulf %get3A_671, %get3A_671 : vector<16xf32>
        %mul3A_685 = arith.mulf %get3A_674, %get3A_674 : vector<16xf32>
        %add3A_686 = arith.addf %mul3A_684, %mul3A_685 : vector<16xf32>
        %mul3A_687 = arith.mulf %get3A_677, %get3A_677 : vector<16xf32>
        %mul3A_688 = arith.mulf %get3A_680, %get3A_680 : vector<16xf32>
        %add3A_689 = arith.addf %mul3A_687, %mul3A_688 : vector<16xf32>
        %add3A_690 = arith.addf %add3A_686, %add3A_689 : vector<16xf32>
        %reduce_sum3A_691 = arith.constant true
        %reduce_sum3A_692 = vector.broadcast %reduce_sum3A_691 : i1 to vector<16xi1>
        %reduce_sum3A_693 = tpu.scan <sum>, %add3A_683 masked %reduce_sum3A_692 : vector<16xf32>, vector<16xi1> -> vector<16xf32>
        %reduce_sum3A_694 = vector.extract %reduce_sum3A_693[15] : f32 from vector<16xf32>
        %mul3A_695 = arith.constant 1.562500e-02 : f32
        %mul3A_696 = arith.mulf %reduce_sum3A_694, %mul3A_695 : f32
        %reduce_sum3A_697 = arith.constant true
        %reduce_sum3A_698 = vector.broadcast %reduce_sum3A_697 : i1 to vector<16xi1>
        %reduce_sum3A_699 = tpu.scan <sum>, %add3A_690 masked %reduce_sum3A_698 : vector<16xf32>, vector<16xi1> -> vector<16xf32>
        %reduce_sum3A_700 = vector.extract %reduce_sum3A_699[15] : f32 from vector<16xf32>
        %mul3A_701 = arith.constant 1.562500e-02 : f32
        %mul3A_702 = arith.mulf %reduce_sum3A_700, %mul3A_701 : f32
        %mul3A_703 = arith.mulf %mul3A_696, %mul3A_696 : f32
        %sub3A_704 = arith.subf %mul3A_702, %mul3A_703 : f32
        %add3A_705 = arith.constant 9.99999974E-6 : f32
        %add3A_706 = arith.addf %sub3A_704, %add3A_705 : f32
        %bitcast_convert_type3A_707 = arith.bitcast %add3A_706 : f32 to i32
        %shift_right_logical3A_708 = arith.constant 1 : i32
        %shift_right_logical3A_709 = arith.shrui %bitcast_convert_type3A_707, %shift_right_logical3A_708 : i32
        %sub3A_710 = arith.constant 1597463007 : i32
        %sub3A_711 = arith.subi %sub3A_710, %shift_right_logical3A_709 : i32
        %bitcast_convert_type3A_712 = arith.bitcast %sub3A_711 : i32 to f32
        %mul3A_713 = arith.constant -5.000000e-01 : f32
        %mul3A_714 = arith.mulf %add3A_706, %mul3A_713 : f32
        %mul3A_715 = arith.mulf %mul3A_714, %bitcast_convert_type3A_712 : f32
        %mul3A_716 = arith.mulf %mul3A_715, %bitcast_convert_type3A_712 : f32
        %add3A_717 = arith.constant 1.500000e+00 : f32
        %add3A_718 = arith.addf %add3A_717, %mul3A_716 : f32
        %mul3A_719 = arith.mulf %bitcast_convert_type3A_712, %add3A_718 : f32
        %mul3A_720 = arith.mulf %mul3A_714, %mul3A_719 : f32
        %mul3A_721 = arith.mulf %mul3A_720, %mul3A_719 : f32
        %add3A_722 = arith.constant 1.500000e+00 : f32
        %add3A_723 = arith.addf %add3A_722, %mul3A_721 : f32
        %mul3A_724 = arith.mulf %mul3A_719, %add3A_723 : f32
        %mul3A_725 = arith.mulf %mul3A_714, %mul3A_724 : f32
        %mul3A_726 = arith.mulf %mul3A_725, %mul3A_724 : f32
        %add3A_727 = arith.constant 1.500000e+00 : f32
        %add3A_728 = arith.addf %add3A_727, %mul3A_726 : f32
        %mul3A_729 = arith.mulf %mul3A_724, %add3A_728 : f32
        %broadcast_in_dim3A_730 = vector.broadcast %mul3A_729 : f32 to vector<16xf32>
        %mul3A_731 = arith.mulf %mul3A_696, %mul3A_729 : f32
        %broadcast_in_dim3A_732 = vector.broadcast %mul3A_731 : f32 to vector<16xf32>
        %mul3A_733 = arith.mulf %broadcast_in_dim3A_730, %get3A_131 : vector<16xf32>
        %mul3A_734 = arith.mulf %broadcast_in_dim3A_732, %get3A_131 : vector<16xf32>
        %sub3A_735 = arith.subf %get3A_139, %mul3A_734 : vector<16xf32>
        %mul3A_736 = arith.mulf %get3A_671, %mul3A_733 : vector<16xf32>
        %add3A_737 = arith.addf %mul3A_736, %sub3A_735 : vector<16xf32>
        %swap3A_738 = arith.index_cast %add3A_668 : i32 to index
        %swap3A_739 = arith.constant 0 : index
        %swap3A_740 = tpu.vector_load %arg9[%swap3A_738, %swap3A_739] {strides = array<i32>} : memref<200x64xf32, #tpu.memory_space<vmem>>, vector<16xf32>,
        tpu.vector_store %arg9[%swap3A_738, %swap3A_739], %add3A_737 {strides = array<i32>} : memref<200x64xf32, #tpu.memory_space<vmem>>, vector<16xf32>,
        %mul3A_741 = arith.mulf %broadcast_in_dim3A_730, %get3A_133 : vector<16xf32>
        %mul3A_742 = arith.mulf %broadcast_in_dim3A_732, %get3A_133 : vector<16xf32>
        %sub3A_743 = arith.subf %get3A_141, %mul3A_742 : vector<16xf32>
        %mul3A_744 = arith.mulf %get3A_674, %mul3A_741 : vector<16xf32>
        %add3A_745 = arith.addf %mul3A_744, %sub3A_743 : vector<16xf32>
        %swap3A_746 = arith.index_cast %add3A_668 : i32 to index
        %swap3A_747 = arith.constant 16 : index
        %swap3A_748 = tpu.vector_load %arg9[%swap3A_746, %swap3A_747] {strides = array<i32>} : memref<200x64xf32, #tpu.memory_space<vmem>>, vector<16xf32>,
        tpu.vector_store %arg9[%swap3A_746, %swap3A_747], %add3A_745 {strides = array<i32>} : memref<200x64xf32, #tpu.memory_space<vmem>>, vector<16xf32>,
        %mul3A_749 = arith.mulf %broadcast_in_dim3A_730, %get3A_135 : vector<16xf32>
        %mul3A_750 = arith.mulf %broadcast_in_dim3A_732, %get3A_135 : vector<16xf32>
        %sub3A_751 = arith.subf %get3A_143, %mul3A_750 : vector<16xf32>
        %mul3A_752 = arith.mulf %get3A_677, %mul3A_749 : vector<16xf32>
        %add3A_753 = arith.addf %mul3A_752, %sub3A_751 : vector<16xf32>
        %swap3A_754 = arith.index_cast %add3A_668 : i32 to index
        %swap3A_755 = arith.constant 32 : index
        %swap3A_756 = tpu.vector_load %arg9[%swap3A_754, %swap3A_755] {strides = array<i32>} : memref<200x64xf32, #tpu.memory_space<vmem>>, vector<16xf32>,
        tpu.vector_store %arg9[%swap3A_754, %swap3A_755], %add3A_753 {strides = array<i32>} : memref<200x64xf32, #tpu.memory_space<vmem>>, vector<16xf32>,
        %mul3A_757 = arith.mulf %broadcast_in_dim3A_730, %get3A_137 : vector<16xf32>
        %mul3A_758 = arith.mulf %broadcast_in_dim3A_732, %get3A_137 : vector<16xf32>
        %sub3A_759 = arith.subf %get3A_145, %mul3A_758 : vector<16xf32>
        %mul3A_760 = arith.mulf %get3A_680, %mul3A_757 : vector<16xf32>
        %add3A_761 = arith.addf %mul3A_760, %sub3A_759 : vector<16xf32>
        %swap3A_762 = arith.index_cast %add3A_668 : i32 to index
        %swap3A_763 = arith.constant 48 : index
        %swap3A_764 = tpu.vector_load %arg9[%swap3A_762, %swap3A_763] {strides = array<i32>} : memref<200x64xf32, #tpu.memory_space<vmem>>, vector<16xf32>,
        tpu.vector_store %arg9[%swap3A_762, %swap3A_763], %add3A_761 {strides = array<i32>} : memref<200x64xf32, #tpu.memory_space<vmem>>, vector<16xf32>,
        %scan3A_765 = arith.constant 6 : i32
        %scan3A_766 = arith.addi %scan3A_160, %scan3A_765 : i32
        %mul3A_767 = arith.constant 1 : i32
        %mul3A_768 = arith.muli %scan3A_766, %mul3A_767 : i32
        %add3A_769 = arith.constant 0 : i32
        %add3A_770 = arith.addi %add3A_769, %mul3A_768 : i32
        %get3A_771 = arith.index_cast %add3A_770 : i32 to index
        %get3A_772 = arith.constant 0 : index
        %get3A_773 = tpu.vector_load %arg9[%get3A_771, %get3A_772] {strides = array<i32>} : memref<200x64xf32, #tpu.memory_space<vmem>>, vector<16xf32>,
        %get3A_774 = arith.index_cast %add3A_770 : i32 to index
        %get3A_775 = arith.constant 16 : index
        %get3A_776 = tpu.vector_load %arg9[%get3A_774, %get3A_775] {strides = array<i32>} : memref<200x64xf32, #tpu.memory_space<vmem>>, vector<16xf32>,
        %get3A_777 = arith.index_cast %add3A_770 : i32 to index
        %get3A_778 = arith.constant 32 : index
        %get3A_779 = tpu.vector_load %arg9[%get3A_777, %get3A_778] {strides = array<i32>} : memref<200x64xf32, #tpu.memory_space<vmem>>, vector<16xf32>,
        %get3A_780 = arith.index_cast %add3A_770 : i32 to index
        %get3A_781 = arith.constant 48 : index
        %get3A_782 = tpu.vector_load %arg9[%get3A_780, %get3A_781] {strides = array<i32>} : memref<200x64xf32, #tpu.memory_space<vmem>>, vector<16xf32>,
        %add3A_783 = arith.addf %get3A_773, %get3A_776 : vector<16xf32>
        %add3A_784 = arith.addf %get3A_779, %get3A_782 : vector<16xf32>
        %add3A_785 = arith.addf %add3A_783, %add3A_784 : vector<16xf32>
        %mul3A_786 = arith.mulf %get3A_773, %get3A_773 : vector<16xf32>
        %mul3A_787 = arith.mulf %get3A_776, %get3A_776 : vector<16xf32>
        %add3A_788 = arith.addf %mul3A_786, %mul3A_787 : vector<16xf32>
        %mul3A_789 = arith.mulf %get3A_779, %get3A_779 : vector<16xf32>
        %mul3A_790 = arith.mulf %get3A_782, %get3A_782 : vector<16xf32>
        %add3A_791 = arith.addf %mul3A_789, %mul3A_790 : vector<16xf32>
        %add3A_792 = arith.addf %add3A_788, %add3A_791 : vector<16xf32>
        %reduce_sum3A_793 = arith.constant true
        %reduce_sum3A_794 = vector.broadcast %reduce_sum3A_793 : i1 to vector<16xi1>
        %reduce_sum3A_795 = tpu.scan <sum>, %add3A_785 masked %reduce_sum3A_794 : vector<16xf32>, vector<16xi1> -> vector<16xf32>
        %reduce_sum3A_796 = vector.extract %reduce_sum3A_795[15] : f32 from vector<16xf32>
        %mul3A_797 = arith.constant 1.562500e-02 : f32
        %mul3A_798 = arith.mulf %reduce_sum3A_796, %mul3A_797 : f32
        %reduce_sum3A_799 = arith.constant true
        %reduce_sum3A_800 = vector.broadcast %reduce_sum3A_799 : i1 to vector<16xi1>
        %reduce_sum3A_801 = tpu.scan <sum>, %add3A_792 masked %reduce_sum3A_800 : vector<16xf32>, vector<16xi1> -> vector<16xf32>
        %reduce_sum3A_802 = vector.extract %reduce_sum3A_801[15] : f32 from vector<16xf32>
        %mul3A_803 = arith.constant 1.562500e-02 : f32
        %mul3A_804 = arith.mulf %reduce_sum3A_802, %mul3A_803 : f32
        %mul3A_805 = arith.mulf %mul3A_798, %mul3A_798 : f32
        %sub3A_806 = arith.subf %mul3A_804, %mul3A_805 : f32
        %add3A_807 = arith.constant 9.99999974E-6 : f32
        %add3A_808 = arith.addf %sub3A_806, %add3A_807 : f32
        %bitcast_convert_type3A_809 = arith.bitcast %add3A_808 : f32 to i32
        %shift_right_logical3A_810 = arith.constant 1 : i32
        %shift_right_logical3A_811 = arith.shrui %bitcast_convert_type3A_809, %shift_right_logical3A_810 : i32
        %sub3A_812 = arith.constant 1597463007 : i32
        %sub3A_813 = arith.subi %sub3A_812, %shift_right_logical3A_811 : i32
        %bitcast_convert_type3A_814 = arith.bitcast %sub3A_813 : i32 to f32
        %mul3A_815 = arith.constant -5.000000e-01 : f32
        %mul3A_816 = arith.mulf %add3A_808, %mul3A_815 : f32
        %mul3A_817 = arith.mulf %mul3A_816, %bitcast_convert_type3A_814 : f32
        %mul3A_818 = arith.mulf %mul3A_817, %bitcast_convert_type3A_814 : f32
        %add3A_819 = arith.constant 1.500000e+00 : f32
        %add3A_820 = arith.addf %add3A_819, %mul3A_818 : f32
        %mul3A_821 = arith.mulf %bitcast_convert_type3A_814, %add3A_820 : f32
        %mul3A_822 = arith.mulf %mul3A_816, %mul3A_821 : f32
        %mul3A_823 = arith.mulf %mul3A_822, %mul3A_821 : f32
        %add3A_824 = arith.constant 1.500000e+00 : f32
        %add3A_825 = arith.addf %add3A_824, %mul3A_823 : f32
        %mul3A_826 = arith.mulf %mul3A_821, %add3A_825 : f32
        %mul3A_827 = arith.mulf %mul3A_816, %mul3A_826 : f32
        %mul3A_828 = arith.mulf %mul3A_827, %mul3A_826 : f32
        %add3A_829 = arith.constant 1.500000e+00 : f32
        %add3A_830 = arith.addf %add3A_829, %mul3A_828 : f32
        %mul3A_831 = arith.mulf %mul3A_826, %add3A_830 : f32
        %broadcast_in_dim3A_832 = vector.broadcast %mul3A_831 : f32 to vector<16xf32>
        %mul3A_833 = arith.mulf %mul3A_798, %mul3A_831 : f32
        %broadcast_in_dim3A_834 = vector.broadcast %mul3A_833 : f32 to vector<16xf32>
        %mul3A_835 = arith.mulf %broadcast_in_dim3A_832, %get3A_131 : vector<16xf32>
        %mul3A_836 = arith.mulf %broadcast_in_dim3A_834, %get3A_131 : vector<16xf32>
        %sub3A_837 = arith.subf %get3A_139, %mul3A_836 : vector<16xf32>
        %mul3A_838 = arith.mulf %get3A_773, %mul3A_835 : vector<16xf32>
        %add3A_839 = arith.addf %mul3A_838, %sub3A_837 : vector<16xf32>
        %swap3A_840 = arith.index_cast %add3A_770 : i32 to index
        %swap3A_841 = arith.constant 0 : index
        %swap3A_842 = tpu.vector_load %arg9[%swap3A_840, %swap3A_841] {strides = array<i32>} : memref<200x64xf32, #tpu.memory_space<vmem>>, vector<16xf32>,
        tpu.vector_store %arg9[%swap3A_840, %swap3A_841], %add3A_839 {strides = array<i32>} : memref<200x64xf32, #tpu.memory_space<vmem>>, vector<16xf32>,
        %mul3A_843 = arith.mulf %broadcast_in_dim3A_832, %get3A_133 : vector<16xf32>
        %mul3A_844 = arith.mulf %broadcast_in_dim3A_834, %get3A_133 : vector<16xf32>
        %sub3A_845 = arith.subf %get3A_141, %mul3A_844 : vector<16xf32>
        %mul3A_846 = arith.mulf %get3A_776, %mul3A_843 : vector<16xf32>
        %add3A_847 = arith.addf %mul3A_846, %sub3A_845 : vector<16xf32>
        %swap3A_848 = arith.index_cast %add3A_770 : i32 to index
        %swap3A_849 = arith.constant 16 : index
        %swap3A_850 = tpu.vector_load %arg9[%swap3A_848, %swap3A_849] {strides = array<i32>} : memref<200x64xf32, #tpu.memory_space<vmem>>, vector<16xf32>,
        tpu.vector_store %arg9[%swap3A_848, %swap3A_849], %add3A_847 {strides = array<i32>} : memref<200x64xf32, #tpu.memory_space<vmem>>, vector<16xf32>,
        %mul3A_851 = arith.mulf %broadcast_in_dim3A_832, %get3A_135 : vector<16xf32>
        %mul3A_852 = arith.mulf %broadcast_in_dim3A_834, %get3A_135 : vector<16xf32>
        %sub3A_853 = arith.subf %get3A_143, %mul3A_852 : vector<16xf32>
        %mul3A_854 = arith.mulf %get3A_779, %mul3A_851 : vector<16xf32>
        %add3A_855 = arith.addf %mul3A_854, %sub3A_853 : vector<16xf32>
        %swap3A_856 = arith.index_cast %add3A_770 : i32 to index
        %swap3A_857 = arith.constant 32 : index
        %swap3A_858 = tpu.vector_load %arg9[%swap3A_856, %swap3A_857] {strides = array<i32>} : memref<200x64xf32, #tpu.memory_space<vmem>>, vector<16xf32>,
        tpu.vector_store %arg9[%swap3A_856, %swap3A_857], %add3A_855 {strides = array<i32>} : memref<200x64xf32, #tpu.memory_space<vmem>>, vector<16xf32>,
        %mul3A_859 = arith.mulf %broadcast_in_dim3A_832, %get3A_137 : vector<16xf32>
        %mul3A_860 = arith.mulf %broadcast_in_dim3A_834, %get3A_137 : vector<16xf32>
        %sub3A_861 = arith.subf %get3A_145, %mul3A_860 : vector<16xf32>
        %mul3A_862 = arith.mulf %get3A_782, %mul3A_859 : vector<16xf32>
        %add3A_863 = arith.addf %mul3A_862, %sub3A_861 : vector<16xf32>
        %swap3A_864 = arith.index_cast %add3A_770 : i32 to index
        %swap3A_865 = arith.constant 48 : index
        %swap3A_866 = tpu.vector_load %arg9[%swap3A_864, %swap3A_865] {strides = array<i32>} : memref<200x64xf32, #tpu.memory_space<vmem>>, vector<16xf32>,
        tpu.vector_store %arg9[%swap3A_864, %swap3A_865], %add3A_863 {strides = array<i32>} : memref<200x64xf32, #tpu.memory_space<vmem>>, vector<16xf32>,
        %scan3A_867 = arith.constant 7 : i32
        %scan3A_868 = arith.addi %scan3A_160, %scan3A_867 : i32
        %mul3A_869 = arith.constant 1 : i32
        %mul3A_870 = arith.muli %scan3A_868, %mul3A_869 : i32
        %add3A_871 = arith.constant 0 : i32
        %add3A_872 = arith.addi %add3A_871, %mul3A_870 : i32
        %get3A_873 = arith.index_cast %add3A_872 : i32 to index
        %get3A_874 = arith.constant 0 : index
        %get3A_875 = tpu.vector_load %arg9[%get3A_873, %get3A_874] {strides = array<i32>} : memref<200x64xf32, #tpu.memory_space<vmem>>, vector<16xf32>,
        %get3A_876 = arith.index_cast %add3A_872 : i32 to index
        %get3A_877 = arith.constant 16 : index
        %get3A_878 = tpu.vector_load %arg9[%get3A_876, %get3A_877] {strides = array<i32>} : memref<200x64xf32, #tpu.memory_space<vmem>>, vector<16xf32>,
        %get3A_879 = arith.index_cast %add3A_872 : i32 to index
        %get3A_880 = arith.constant 32 : index
        %get3A_881 = tpu.vector_load %arg9[%get3A_879, %get3A_880] {strides = array<i32>} : memref<200x64xf32, #tpu.memory_space<vmem>>, vector<16xf32>,
        %get3A_882 = arith.index_cast %add3A_872 : i32 to index
        %get3A_883 = arith.constant 48 : index
        %get3A_884 = tpu.vector_load %arg9[%get3A_882, %get3A_883] {strides = array<i32>} : memref<200x64xf32, #tpu.memory_space<vmem>>, vector<16xf32>,
        %add3A_885 = arith.addf %get3A_875, %get3A_878 : vector<16xf32>
        %add3A_886 = arith.addf %get3A_881, %get3A_884 : vector<16xf32>
        %add3A_887 = arith.addf %add3A_885, %add3A_886 : vector<16xf32>
        %mul3A_888 = arith.mulf %get3A_875, %get3A_875 : vector<16xf32>
        %mul3A_889 = arith.mulf %get3A_878, %get3A_878 : vector<16xf32>
        %add3A_890 = arith.addf %mul3A_888, %mul3A_889 : vector<16xf32>
        %mul3A_891 = arith.mulf %get3A_881, %get3A_881 : vector<16xf32>
        %mul3A_892 = arith.mulf %get3A_884, %get3A_884 : vector<16xf32>
        %add3A_893 = arith.addf %mul3A_891, %mul3A_892 : vector<16xf32>
        %add3A_894 = arith.addf %add3A_890, %add3A_893 : vector<16xf32>
        %reduce_sum3A_895 = arith.constant true
        %reduce_sum3A_896 = vector.broadcast %reduce_sum3A_895 : i1 to vector<16xi1>
        %reduce_sum3A_897 = tpu.scan <sum>, %add3A_887 masked %reduce_sum3A_896 : vector<16xf32>, vector<16xi1> -> vector<16xf32>
        %reduce_sum3A_898 = vector.extract %reduce_sum3A_897[15] : f32 from vector<16xf32>
        %mul3A_899 = arith.constant 1.562500e-02 : f32
        %mul3A_900 = arith.mulf %reduce_sum3A_898, %mul3A_899 : f32
        %reduce_sum3A_901 = arith.constant true
        %reduce_sum3A_902 = vector.broadcast %reduce_sum3A_901 : i1 to vector<16xi1>
        %reduce_sum3A_903 = tpu.scan <sum>, %add3A_894 masked %reduce_sum3A_902 : vector<16xf32>, vector<16xi1> -> vector<16xf32>
        %reduce_sum3A_904 = vector.extract %reduce_sum3A_903[15] : f32 from vector<16xf32>
        %mul3A_905 = arith.constant 1.562500e-02 : f32
        %mul3A_906 = arith.mulf %reduce_sum3A_904, %mul3A_905 : f32
        %mul3A_907 = arith.mulf %mul3A_900, %mul3A_900 : f32
        %sub3A_908 = arith.subf %mul3A_906, %mul3A_907 : f32
        %add3A_909 = arith.constant 9.99999974E-6 : f32
        %add3A_910 = arith.addf %sub3A_908, %add3A_909 : f32
        %bitcast_convert_type3A_911 = arith.bitcast %add3A_910 : f32 to i32
        %shift_right_logical3A_912 = arith.constant 1 : i32
        %shift_right_logical3A_913 = arith.shrui %bitcast_convert_type3A_911, %shift_right_logical3A_912 : i32
        %sub3A_914 = arith.constant 1597463007 : i32
        %sub3A_915 = arith.subi %sub3A_914, %shift_right_logical3A_913 : i32
        %bitcast_convert_type3A_916 = arith.bitcast %sub3A_915 : i32 to f32
        %mul3A_917 = arith.constant -5.000000e-01 : f32
        %mul3A_918 = arith.mulf %add3A_910, %mul3A_917 : f32
        %mul3A_919 = arith.mulf %mul3A_918, %bitcast_convert_type3A_916 : f32
        %mul3A_920 = arith.mulf %mul3A_919, %bitcast_convert_type3A_916 : f32
        %add3A_921 = arith.constant 1.500000e+00 : f32
        %add3A_922 = arith.addf %add3A_921, %mul3A_920 : f32
        %mul3A_923 = arith.mulf %bitcast_convert_type3A_916, %add3A_922 : f32
        %mul3A_924 = arith.mulf %mul3A_918, %mul3A_923 : f32
        %mul3A_925 = arith.mulf %mul3A_924, %mul3A_923 : f32
        %add3A_926 = arith.constant 1.500000e+00 : f32
        %add3A_927 = arith.addf %add3A_926, %mul3A_925 : f32
        %mul3A_928 = arith.mulf %mul3A_923, %add3A_927 : f32
        %mul3A_929 = arith.mulf %mul3A_918, %mul3A_928 : f32
        %mul3A_930 = arith.mulf %mul3A_929, %mul3A_928 : f32
        %add3A_931 = arith.constant 1.500000e+00 : f32
        %add3A_932 = arith.addf %add3A_931, %mul3A_930 : f32
        %mul3A_933 = arith.mulf %mul3A_928, %add3A_932 : f32
        %broadcast_in_dim3A_934 = vector.broadcast %mul3A_933 : f32 to vector<16xf32>
        %mul3A_935 = arith.mulf %mul3A_900, %mul3A_933 : f32
        %broadcast_in_dim3A_936 = vector.broadcast %mul3A_935 : f32 to vector<16xf32>
        %mul3A_937 = arith.mulf %broadcast_in_dim3A_934, %get3A_131 : vector<16xf32>
        %mul3A_938 = arith.mulf %broadcast_in_dim3A_936, %get3A_131 : vector<16xf32>
        %sub3A_939 = arith.subf %get3A_139, %mul3A_938 : vector<16xf32>
        %mul3A_940 = arith.mulf %get3A_875, %mul3A_937 : vector<16xf32>
        %add3A_941 = arith.addf %mul3A_940, %sub3A_939 : vector<16xf32>
        %swap3A_942 = arith.index_cast %add3A_872 : i32 to index
        %swap3A_943 = arith.constant 0 : index
        %swap3A_944 = tpu.vector_load %arg9[%swap3A_942, %swap3A_943] {strides = array<i32>} : memref<200x64xf32, #tpu.memory_space<vmem>>, vector<16xf32>,
        tpu.vector_store %arg9[%swap3A_942, %swap3A_943], %add3A_941 {strides = array<i32>} : memref<200x64xf32, #tpu.memory_space<vmem>>, vector<16xf32>,
        %mul3A_945 = arith.mulf %broadcast_in_dim3A_934, %get3A_133 : vector<16xf32>
        %mul3A_946 = arith.mulf %broadcast_in_dim3A_936, %get3A_133 : vector<16xf32>
        %sub3A_947 = arith.subf %get3A_141, %mul3A_946 : vector<16xf32>
        %mul3A_948 = arith.mulf %get3A_878, %mul3A_945 : vector<16xf32>
        %add3A_949 = arith.addf %mul3A_948, %sub3A_947 : vector<16xf32>
        %swap3A_950 = arith.index_cast %add3A_872 : i32 to index
        %swap3A_951 = arith.constant 16 : index
        %swap3A_952 = tpu.vector_load %arg9[%swap3A_950, %swap3A_951] {strides = array<i32>} : memref<200x64xf32, #tpu.memory_space<vmem>>, vector<16xf32>,
        tpu.vector_store %arg9[%swap3A_950, %swap3A_951], %add3A_949 {strides = array<i32>} : memref<200x64xf32, #tpu.memory_space<vmem>>, vector<16xf32>,
        %mul3A_953 = arith.mulf %broadcast_in_dim3A_934, %get3A_135 : vector<16xf32>
        %mul3A_954 = arith.mulf %broadcast_in_dim3A_936, %get3A_135 : vector<16xf32>
        %sub3A_955 = arith.subf %get3A_143, %mul3A_954 : vector<16xf32>
        %mul3A_956 = arith.mulf %get3A_881, %mul3A_953 : vector<16xf32>
        %add3A_957 = arith.addf %mul3A_956, %sub3A_955 : vector<16xf32>
        %swap3A_958 = arith.index_cast %add3A_872 : i32 to index
        %swap3A_959 = arith.constant 32 : index
        %swap3A_960 = tpu.vector_load %arg9[%swap3A_958, %swap3A_959] {strides = array<i32>} : memref<200x64xf32, #tpu.memory_space<vmem>>, vector<16xf32>,
        tpu.vector_store %arg9[%swap3A_958, %swap3A_959], %add3A_957 {strides = array<i32>} : memref<200x64xf32, #tpu.memory_space<vmem>>, vector<16xf32>,
        %mul3A_961 = arith.mulf %broadcast_in_dim3A_934, %get3A_137 : vector<16xf32>
        %mul3A_962 = arith.mulf %broadcast_in_dim3A_936, %get3A_137 : vector<16xf32>
        %sub3A_963 = arith.subf %get3A_145, %mul3A_962 : vector<16xf32>
        %mul3A_964 = arith.mulf %get3A_884, %mul3A_961 : vector<16xf32>
        %add3A_965 = arith.addf %mul3A_964, %sub3A_963 : vector<16xf32>
        %swap3A_966 = arith.index_cast %add3A_872 : i32 to index
        %swap3A_967 = arith.constant 48 : index
        %swap3A_968 = tpu.vector_load %arg9[%swap3A_966, %swap3A_967] {strides = array<i32>} : memref<200x64xf32, #tpu.memory_space<vmem>>, vector<16xf32>,
        tpu.vector_store %arg9[%swap3A_966, %swap3A_967], %add3A_965 {strides = array<i32>} : memref<200x64xf32, #tpu.memory_space<vmem>>, vector<16xf32>,
      }
      %scan3A_150 = arith.constant 200 : i32
      %add3A_151 = arith.addi %mul3A_2, %add3A_104 : i32
      %dma_start3A_152 = arith.constant 0 : i32
      %dma_start3A_153 = arith.constant 0 : i32
      %dma_start3A_154 = tpu.memref_slice %arg6[%add3A_151, %dma_start3A_152, %dma_start3A_153] : memref<4096x200x64xf32, #tpu.memory_space<hbm>> -> memref<1x200x64xf32, #tpu.memory_space<hbm>>
      %dma_start3A_155 = tpu.memref_squeeze %dma_start3A_154 : memref<1x200x64xf32, #tpu.memory_space<hbm>> -> memref<200x64xf32, #tpu.memory_space<hbm>>
      %dma_start3A_156 = arith.constant 0 : i32
      %dma_start3A_157 = arith.constant 0 : i32
      %dma_start3A_158 = tpu.memref_slice %arg6[%add3A_151, %dma_start3A_156, %dma_start3A_157] : memref<4096x200x64xf32, #tpu.memory_space<hbm>> -> memref<1x200x64xf32, #tpu.memory_space<hbm>>
      %dma_start3A_159 = tpu.memref_squeeze %dma_start3A_158 : memref<1x200x64xf32, #tpu.memory_space<hbm>> -> memref<200x64xf32, #tpu.memory_space<hbm>>
      tpu.enqueue_dma source(%arg9 : memref<200x64xf32, #tpu.memory_space<vmem>>) target(%dma_start3A_159 : memref<200x64xf32, #tpu.memory_space<hbm>>) target_semaphore(%arg15 : memref<!tpu.dma_semaphore, #tpu.memory_space<semaphore_mem>>)
    }
    %scan3A_25 = arith.constant 64 : i32
    %add3A_26 = arith.constant 126 : i32
    %add3A_27 = arith.addi %mul3A_2, %add3A_26 : i32
    %dma_wait3A = arith.constant 0 : i32
    %dma_wait3A_28 = arith.constant 0 : i32
    %dma_wait3A_29 = tpu.memref_slice %arg6[%add3A_27, %dma_wait3A, %dma_wait3A_28] : memref<4096x200x64xf32, #tpu.memory_space<hbm>> -> memref<1x200x64xf32, #tpu.memory_space<hbm>>
    %dma_wait3A_30 = tpu.memref_squeeze %dma_wait3A_29 : memref<1x200x64xf32, #tpu.memory_space<hbm>> -> memref<200x64xf32, #tpu.memory_space<hbm>>
    %dma_wait3A_31 = arith.constant 0 : i32
    %dma_wait3A_32 = arith.constant 0 : i32
    %dma_wait3A_33 = tpu.memref_slice %arg6[%add3A_27, %dma_wait3A_31, %dma_wait3A_32] : memref<4096x200x64xf32, #tpu.memory_space<hbm>> -> memref<1x200x64xf32, #tpu.memory_space<hbm>>
    %dma_wait3A_34 = tpu.memref_squeeze %dma_wait3A_33 : memref<1x200x64xf32, #tpu.memory_space<hbm>> -> memref<200x64xf32, #tpu.memory_space<hbm>>
    tpu.wait_dma2 semaphore(%arg14 : memref<!tpu.dma_semaphore, #tpu.memory_space<semaphore_mem>>) src(%arg8 : memref<200x64xf32, #tpu.memory_space<vmem>>) dst(%dma_wait3A_34 : memref<200x64xf32, #tpu.memory_space<hbm>>)
    %add3A_35 = arith.constant 127 : i32
    %add3A_36 = arith.addi %mul3A_2, %add3A_35 : i32
    %dma_wait3A_37 = arith.constant 0 : i32
    %dma_wait3A_38 = arith.constant 0 : i32
    %dma_wait3A_39 = tpu.memref_slice %arg6[%add3A_36, %dma_wait3A_37, %dma_wait3A_38] : memref<4096x200x64xf32, #tpu.memory_space<hbm>> -> memref<1x200x64xf32, #tpu.memory_space<hbm>>
    %dma_wait3A_40 = tpu.memref_squeeze %dma_wait3A_39 : memref<1x200x64xf32, #tpu.memory_space<hbm>> -> memref<200x64xf32, #tpu.memory_space<hbm>>
    %dma_wait3A_41 = arith.constant 0 : i32
    %dma_wait3A_42 = arith.constant 0 : i32
    %dma_wait3A_43 = tpu.memref_slice %arg6[%add3A_36, %dma_wait3A_41, %dma_wait3A_42] : memref<4096x200x64xf32, #tpu.memory_space<hbm>> -> memref<1x200x64xf32, #tpu.memory_space<hbm>>
    %dma_wait3A_44 = tpu.memref_squeeze %dma_wait3A_43 : memref<1x200x64xf32, #tpu.memory_space<hbm>> -> memref<200x64xf32, #tpu.memory_space<hbm>>
    tpu.wait_dma2 semaphore(%arg15 : memref<!tpu.dma_semaphore, #tpu.memory_space<semaphore_mem>>) src(%arg9 : memref<200x64xf32, #tpu.memory_space<vmem>>) dst(%dma_wait3A_44 : memref<200x64xf32, #tpu.memory_space<hbm>>)
    return
  }
}

</mosaic_0001>

<sc_bundles>
// kernel: kernel.3.cloned.1.call-start
scs
__scs_entry_jumppad:
0x0: {  	(pc) =	sbr.rel $0x88, $3  }
0x1: {  	(tag) =	ssettag $0x0;
	lr =	simm.s32 $0x1  }
0x2: {  	[smem:$0x3F9D] =	sst lr;
	_ =	strace $0xD0000000  }
0x3: {  	_ = 	snop  }
0x4: {  	_ = 	snop  }
0x5: {  	_ = 	snop  }
0x6: {  	_ = 	snop  }
0x7: {  	_ = 	snop  }
__scs_overlays_trampoline_lowered:
0x8: {  	[smem:$0x3FAC] =	sst s0  }
0x9: {  	[smem:$0x3FAD] =	sst s1  }
0xa: {  	[smem:$0x3FAE] =	sst s2  }
0xb: {  	[smem:$0x3FAF] =	sst s3  }
0xc: {  	[smem:$0x3FB0] =	sst s4  }
0xd: {  	[smem:$0x3FB1] =	sst s5  }
0xe: {  	[smem:$0x3FB2] =	sst s6  }
0xf: {  	[smem:$0x3FB3] =	sst s7  }
0x10: {  	[smem:$0x3FB4] =	sst s8  }
0x11: {  	[smem:$0x3FB5] =	sst s9;
	s0 =	simm.s32 @!p0 $0x0  }
0x12: {  	s1 =	sld [smem:$0x3F9B];
	s0 =	simm.s32 @p0 $0x1  }
0x13: {  	[smem:$0x3FB6] =	sst s0;
	s0 =	simm.s32 @!p1 $0x0  }
0x14: {  	s2 =	sld [smem:$0x3F9A];
	s0 =	simm.s32 @p1 $0x1  }
0x15: {  	[smem:$0x3FB7] =	sst s0;
	s0 =	simm.s32 @!p2 $0x0  }
0x16: {  	s3 =	sld [smem:$0x3FDB];
	s0 =	simm.s32 @p2 $0x1  }
0x17: {  	s4 =	simm.s32 $0x1BF5;
	[smem:$0x3FB9] =	sst s0  }
0x18: {  	s0 =	sld [smem:$0x3F9C];
	_ =	swait.ge [sflag:s4], $0x0  }
0x19: {  	s7 =	sld [smem:$0x3F9D]  }
0x1a: {  	s8 =	sadd.s32 $0xFFFFE003, lr  }
0x1b: {  	s9 =	sadd.s32 $0xFFFFFEF7, lr;
	s5 =	simm.s32 $0xFFFFFFFF;
	p2 =	slt.u32 s8, $0xFFFFF086  }
0x1c: {  	p1 =	slt.u32 s9, $0xF7A;
	s5 =	simm.s32 @!p2 $0x0  }
0x1d: {  	s5 =	simm.s32 @p1 $0x1;
	p0 =	seq.s32 s7, s2  }
0x1e: {  	s7 =	smul.u32 @!p0 $0xF7A, s2;
	p2 =	seq.s32 @!p0 s5, $0x0  }
0x1f: {  	s9 =	smul.u32 $0xF7A, s1;
	s8 =	simm.s32 @!p0 $0x1BF5;
	p2 =	por !p2, p0  }
0x20: {  	[sflag:s8] =	ssyncset.s32 @!p0 $0xFFFFF086;
	s6 =	sadd.s32 @!p0 s3, s7;
	s7 =	simm.s32 @!p0 $0x108  }
0x21: {  	s3 =	sadd.s32 s3, s9;
	s6 =	sadd.s32 @!p0 $0x88, s6;
	s7 =	simm.s32 @p2 $0x1082  }
0x22: {  	[simem:s7], [sflag:s8] =	dma.local @!p0 [hbm:s6], $0xF7A  }
0x23: {  	s9 =	sor.u32 $0xD0000000, s2;
	s6 =	simm.s32 $0x108;
	_ =	swait.ge @!p0 [sflag:s8], $0x0  }
0x24: {  	s3 =	sadd.s32 $0x88, s3;
	s6 =	simm.s32 @!p1 $0x1082;
	[sflag:s4] =	ssyncset.s32 $0xFFFFF086  }
0x25: {  	[simem:s6], [sflag:s4] =	dma.local [hbm:s3], $0xF7A  }
0x26: {  	[smem:$0x3F9D] =	sst s1;
	(tag) =	ssettag s2;
	_ =	strace s9  }
0x27: {  	s1 =	sld [smem:$0x3FAD]  }
0x28: {  	s2 =	sld [smem:$0x3FAE]  }
0x29: {  	s4 =	sld [smem:$0x3FB0]  }
0x2a: {  	p0 =	seq.s32 s5, $0x0;
	s5 =	sld [smem:$0x3FB1]  }
0x2b: {  	s6 =	sld [smem:$0x3FB2]  }
0x2c: {  	s7 =	sld [smem:$0x3FB3]  }
0x2d: {  	s3 =	simm.s32 $0x108;
	s8 =	sld [smem:$0x3FB4]  }
0x2e: {  	s3 =	simm.s32 @!p0 $0x1082;
	s9 =	sld [smem:$0x3FB5]  }
0x2f: {  	lr =	sadd.s32 s0, s3;
	s0 =	sld [smem:$0x3FAC]  }
0x30: {  	s3 =	sld [smem:$0x3FAF]  }
0x31: {  	[smem:$0x3FB8] =	sst s10  }
0x32: {  	s10 =	sld [smem:$0x3FB6];
	_ =	sdelay $0x3  }
0x33: {  	p0 =	seq.s32 s10, $0x1;
	s10 =	sld [smem:$0x3FB8];
	_ =	sdelay $0x3  }
0x34: {  	[smem:$0x3FB8] =	sst s10  }
0x35: {  	s10 =	sld [smem:$0x3FB7];
	_ =	sdelay $0x3  }
0x36: {  	p1 =	seq.s32 s10, $0x1;
	s10 =	sld [smem:$0x3FB8];
	_ =	sdelay $0x3  }
0x37: {  	[smem:$0x3FB8] =	sst s10  }
0x38: {  	s10 =	sld [smem:$0x3FB9]  }
0x39: {  	_ = 	snop;
	(pc) =	sbr.ind lr, $3  }
0x3a: {  	_ = 	snop  }
0x3b: {  	_ = 	snop  }
0x3c: {  	p2 =	seq.s32 s10, $0x1;
	s10 =	sld [smem:$0x3FB8]  }
0x3d: {  	_ =	shalt  }
0x3e: {  	_ =	shalt  }
0x3f: {  	_ =	shalt  }
0x40: {  	_ =	shalt  }
0x41: {  	_ =	shalt  }
0x42: {  	_ =	shalt  }
0x43: {  	_ =	shalt  }
0x44: {  	_ =	shalt  }
0x45: {  	_ =	shalt  }
0x46: {  	_ =	shalt  }
0x47: {  	_ =	shalt  }
0x48: {  	_ =	shalt  }
0x49: {  	_ =	shalt  }
0x4a: {  	_ =	shalt  }
0x4b: {  	_ =	shalt  }
0x4c: {  	_ =	shalt  }
0x4d: {  	_ =	shalt  }
0x4e: {  	_ =	shalt  }
0x4f: {  	_ =	shalt  }
0x50: {  	_ =	shalt  }
0x51: {  	_ =	shalt  }
0x52: {  	_ =	shalt  }
0x53: {  	_ =	shalt  }
0x54: {  	_ =	shalt  }
0x55: {  	_ =	shalt  }
0x56: {  	_ =	shalt  }
0x57: {  	_ =	shalt  }
0x58: {  	_ =	shalt  }
0x59: {  	_ =	shalt  }
0x5a: {  	_ =	shalt  }
0x5b: {  	_ =	shalt  }
0x5c: {  	_ =	shalt  }
0x5d: {  	_ =	shalt  }
0x5e: {  	_ =	shalt  }
0x5f: {  	_ =	shalt  }
0x60: {  	_ =	shalt  }
0x61: {  	_ =	shalt  }
0x62: {  	_ =	shalt  }
0x63: {  	_ =	shalt  }
0x64: {  	_ =	shalt  }
0x65: {  	_ =	shalt  }
0x66: {  	_ =	shalt  }
0x67: {  	_ =	shalt  }
0x68: {  	_ =	shalt  }
0x69: {  	_ =	shalt  }
0x6a: {  	_ =	shalt  }
0x6b: {  	_ =	shalt  }
0x6c: {  	_ =	shalt  }
0x6d: {  	_ =	shalt  }
0x6e: {  	_ =	shalt  }
0x6f: {  	_ =	shalt  }
0x70: {  	_ =	shalt  }
0x71: {  	_ =	shalt  }
0x72: {  	_ =	shalt  }
0x73: {  	_ =	shalt  }
0x74: {  	_ =	shalt  }
0x75: {  	_ =	shalt  }
0x76: {  	_ =	shalt  }
0x77: {  	_ =	shalt  }
0x78: {  	_ =	shalt  }
0x79: {  	_ =	shalt  }
0x7a: {  	_ =	shalt  }
0x7b: {  	_ =	shalt  }
0x7c: {  	_ =	shalt  }
0x7d: {  	_ =	shalt  }
0x7e: {  	_ =	shalt  }
0x7f: {  	_ =	shalt  }
0x80: {  	_ =	shalt  }
0x81: {  	_ =	shalt  }
0x82: {  	_ =	shalt  }
0x83: {  	_ =	shalt  }
0x84: {  	_ =	shalt  }
0x85: {  	_ =	shalt  }
0x86: {  	_ =	shalt  }
0x87: {  	_ =	shalt  }
.Lfunc_end0:
.L_simem_size_0:
called_computation.1_lowered:
.L_overlay_start_0:
0x88: {  	s2 =	sld [smem:$0x3FD9]  }
0x89: {  	s3 =	sld [smem:$0x3FFE];
	_ =	sdelay $0x1  }
0x8a: {  	s1 =	srdreg.scid  }
0x8b: {  	s0 =	sand.u32 $0x1, s1  }
0x8c: {  	s17 =	sshll.u32 s0, $0xA;
	s2 =	sadd.s32 s3, s2  }
0x8d: {  	s2 =	sadd.s32 s2, s17  }
0x8e: {  	[smem:$0x3FC4] =	sst s2  }
0x8f: {  	_ = 	snop  }
0x90: {  	s2 =	sld [smem:$0x3FC7]  }
0x91: {  	s18 =	sld [smem:$0x3FC6]  }
0x92: {  	s4 =	sld [smem:$0x3FD0];
	(tm) =	ssettm $0x1  }
0x93: {  	s5 =	sld [smem:$0x3FFB];
	_ =	sdelay $0x3  }
0x94: {  	_ =	strace s5  }
0x95: {  	s5 =	sld [smem:$0x3FFC];
	_ =	sdelay $0x3  }
0x96: {  	_ =	strace s5  }
0x97: {  	s5 =	sld [smem:$0x3FFD];
	_ =	sdelay $0x3  }
0x98: {  	_ =	strace s5  }
0x99: {  	_ =	strace $0x8FFFFFFF  }
0x9a: {  	s19 =	sld [smem:$0x3FDB];
	_ =	sdelay $0x1  }
0x9b: {  	s6 =	simm.s32 $_scs_section_size  }
0x9c: {  	s7 =	simm.s32 $_size__tile_overlayer_lowered;
	s8 =	simm.s32 $_tile_overlayer_lowered  }
0x9d: {  	s22 =	simm.s32 $0x1BFF;
	s21 =	sshll.u32 s8, $0x1;
	s5 =	sadd.s32 s6, s19  }
0x9e: {  	s9 =	simm.s32 $0x0;
	s20 =	sshll.u32 s7, $0x1;
	s7 =	sadd.s32 s21, s5  }
0x9f: {  	[timem:s9], [sflag:s22] =	dma.local [hbm:s7], s20  }
0xa0: {  	_ =	swait.ge [sflag:s22], s20  }
0xa1: {  	s6 =	ssub.s32 $0x0, s20;
	[sflag:s22] =	ssyncset.done $0x0  }
0xa2: {  	[sflag:s22] =	ssyncadd.s32 s6;
	_ =	sdelay $0x1  }
0xa3: {  	s23 =	simm.s32 $0x1B8B  }
0xa4: {  	_ =	swait.ge [sflag:s23], $0x1  }
0xa5: {  	[sflag:s23] =	ssyncset.done $0x0  }
0xa6: {  	s25 =	simm.s32 $0x1B8E;
	s24 =	sld [smem:$0x3FFE];
	[sflag:s23] =	ssyncadd.s32 $0xFFFFFFFF  }
0xa7: {  	s26 =	simm.s32 $execute0_lowered;
	[smem:$0x3FD2] =	sst s25  }
0xa8: {  	s7 =	sshll.u32 s26, $0x1;
	_ =	strace $0x80000046;
	[dreg:$0x1] =	wrdreg $0xFFFFFFFF  }
0xa9: {  	s28 =	simm.s32 $_size_execute0_lowered;
	s5 =	sadd.s32 s5, s7;
	[dreg:$0x0] =	wrdreg $0x0  }
0xaa: {  	s7 =	sshll.u32 s28, $0x1;
	[dreg:$0x2] =	wrdreg s5  }
0xab: {  	[dreg:$0x3] =	wrdreg s7  }
0xac: {  	[dreg:$0x4] =	wrdreg $0xC0  }
0xad: {  	_ =	task [dreg:s9], $0x5FFFF  }
0xae: {  	[dreg:$0x1] =	wrdreg $0xFFFFFFFF  }
0xaf: {  	[dreg:$0x0] =	wrdreg $0x60  }
0xb0: {  	[dreg:$0x2] =	wrdreg s24  }
0xb1: {  	[dreg:$0x3] =	wrdreg s2  }
0xb2: {  	[dreg:$0x4] =	wrdreg s18  }
0xb3: {  	[dreg:$0x5] =	wrdreg s4  }
0xb4: {  	[dreg:$0x6] =	wrdreg $0x9  }
0xb5: {  	_ =	task.clear_ibuf [dreg:s9], $0x7FFFF;
	_ =	strace $0x90000046  }
0xb6: {  	s29 =	simm.s32 $0x9;
	_ =	strace $0x80000048  }
0xb7: {  	_ =	swait.ge [sflag:s29], $0x1  }
0xb8: {  	[sflag:s29] =	ssyncadd.s32 $0xFFFFFFFF  }
0xb9: {  	_ =	strace $0x90000048  }
0xba: {  	_ =	sfence  }
0xbb: {  	s30 =	sld [smem:$0x0];
	_ =	sdelay $0x2  }
0xbc: {  	s31 =	sshll.u32 s1, $0xD;
	s1 =	sshrl.u32 s1, $0x2  }
0xbd: {  	s3 =	sand.u32 $0x4000, s31;
	s1 =	sadd.s32 s1, s30  }
0xbe: {  	s0 =	sor.u32 s3, s0;
	s1 =	sshll.u32 s1, $0x11  }
0xbf: {  	s0 =	sor.u32 s1, s0  }
0xc0: {  	s0 =	sadd.s32 $0x8F2B, s0  }
0xc1: {  	[sflag:s0] =	ssyncadd.remote.s32 $0x1  }
0xc2: {  	_ =	sfence.sel $0xFFFF  }
0xc3: {  	[dreg:$0x0] =	wrdreg $0xFFFFFFFF;
	(pc) =	sbr.abs _section_cstart, $3  }
0xc4: {  	[dreg:$0x1] =	wrdreg $0xFFFFFFFF  }
0xc5: {  	_ =	task.clear_ibuf [dreg:s9], $0x2FFFF;
	_ =	strace $0x9FFFFFFF  }
0xc6: {  	(tm) =	ssettm $0x7FFFFFFF  }
0xc7: {  	_ =	shalt  }
tec
execute0_lowered:
.L_overlay_start_1:
0x0: {  	(tag) =	ssettag $0x1  }
0x1: {  	s1 =	srdreg.scid  }
0x2: {  	s0 =	rddreg [dreg:$0x0];
	s2 =	stileid.u32;
	s1 =	sand.u32 $0x1, s1  }
0x3: {  	s31 =	rddreg [dreg:$0x3];
	s2 =	sshll.u32 s2, $0x8;
	s3 =	sshll.u32 s1, $0x7  }
0x4: {  	s19 =	simm.s32 $0x0;
	s1 =	ssub.s32 $0x2, s1;
	s2 =	sor.u32 s3, s2  }
0x5: {  	s28 =	sshrl.u32 s1, $0x1;
	[dreg:$0x5] =	wrdreg s2;
	s2 =	smul.u32 $0x19, s2  }
0x6: {  	s20 =	simm.s32 $0x2;
	[smem:$0x7FF] =	sst s19;
	s29 =	ssub.s32 s1, s28  }
0x7: {  	s7 =	sadd.s32 $0xF42E00, s0;
	s2 =	sadd.s32 s2, s0;
	s0 =	smax.u32 s29, $0x1  }
0x8: {  	_ =	strace $0x80000047;
	s30 =	sadd.s32 $0xA00, s2;
	[dreg:$0x7] =	wrdreg s0  }
0x9: {  	s3 =	simm.s32 $0x9600;
	s2 =	simm.s32 $0x0;
	[dreg:$0x6] =	wrdreg s30  }
.LBB2_1:
0xa: {  	[dreg:$0x8] =	wrdreg s2  }
0xb: {  	s0 =	rddreg [dreg:$0x6];
	s1 =	simm.s32 $0x5  }
0xc: {  	[tilespmem:s19], [sflag:$0x5] =	stream.linear.gather [hbm4b:s0+s19], $0x6400, $0x38;
	[tilespmem:$0xC880] =	vst v63  }
0xd: {  	_ =	swait.ge [sflag:s1], $0x6400  }
0xe: {  	[sflag:s1] =	ssyncset.done $0x0  }
0xf: {  	[sflag:s1] =	ssyncadd.s32 $0xFFFF9C00  }
0x10: {  	s23 =	simm.s32 $0xC800;
	s22 =	rddreg [dreg:$0x1]  }
0x11: {  	[tilespmem:s23], [sflag:$0x5] =	stream.linear.gather [hbm4b:s22+s19], $0x40, $0x38;
	[tilespmem:$0xC880] =	vst v63  }
0x12: {  	_ =	swait.ge [sflag:s1], $0x40  }
0x13: {  	[sflag:s1] =	ssyncset.done $0x0  }
0x14: {  	[sflag:s1] =	ssyncadd.s32 $0xFFFFFFC0  }
0x15: {  	s25 =	simm.s32 $0xC840;
	s24 =	rddreg [dreg:$0x2]  }
0x16: {  	[tilespmem:s25], [sflag:$0x5] =	stream.linear.gather [hbm4b:s24+s19], $0x40, $0x38;
	[tilespmem:$0xC880] =	vst v63  }
0x17: {  	_ =	swait.ge [sflag:s1], $0x40  }
0x18: {  	[sflag:s1] =	ssyncset.done $0x0  }
0x19: {  	s26 =	simm.s32 $0x80;
	s28 =	simm.s32 $0x6400;
	[sflag:s1] =	ssyncadd.s32 $0xFFFFFFC0  }
0x1a: {  	[tilespmem:s28], [sflag:$0x1] =	stream.indirect.gather [hbm4b:s7+s26], $0x40, s19, s26, $0xb8;
	[tilespmem:$0xC880] =	vst v63  }
0x1b: {  	s29 =	simm.s32 $0x48;
	s30 =	simm.s32 $0x8400;
	s24 =	simm.s32 $0x0  }
0x1c: {  	[tilespmem:s30], [sflag:$0x1] =	stream.indirect.gather [hbm4b:s7+s29], $0x40, s26, s29, $0xb8;
	[tilespmem:$0xC880] =	vst v63  }
.LBB2_2:
0x1d: {  	p0 =	seq.s32 s24, $0x0  }
0x1e: {  	s25 =	sshllo.u32 s24, $0x1;
	s0 =	simm.s32 @!p0 $0x4  }
0x1f: {  	s1 =	smul.u32 $0x320, s25;
	_ =	swait.ge @!p0 [sflag:s0], $0x3200  }
0x20: {  	s11 =	simm.s32 $0x80;
	[sflag:s0] =	ssyncset.done @!p0 $0x0  }
0x21: {  	s12 =	simm.s32 $0x48;
	s10 =	sshra.s32 s1, $0x2;
	[sflag:s0] =	ssyncadd.s32 @!p0 $0xFFFFCE00  }
0x22: {  	[tilespmem:s3], [sflag:$0x2] =	stream.indirect.gather [hbm4b:s7+s11], $0x40, s10, s11, $0xb8;
	[tilespmem:$0xC880] =	vst v63  }
0x23: {  	s2 =	simm.s32 $0xB600;
	s13 =	simm.s32 $0x1;
	s0 =	sadd.s32 $0x80, s10  }
0x24: {  	[tilespmem:s2], [sflag:$0x2] =	stream.indirect.gather [hbm4b:s7+s12], $0x40, s0, s12, $0xb8;
	[tilespmem:$0xC880] =	vst v63  }
0x25: {  	_ =	swait.ge [sflag:s13], $0x2000  }
0x26: {  	[sflag:s13] =	ssyncset.done $0x0  }
0x27: {  	[sflag:s13] =	ssyncadd.s32 $0xFFFFE000  }
0x28: {  	_ =	swait.ge [sflag:s13], $0x1200  }
0x29: {  	[sflag:s13] =	ssyncset.done $0x0  }
0x2a: {  	s26 =	simm.s32 $0x6500;
	[sflag:s13] =	ssyncadd.s32 $0xFFFFEE00  }
0x2b: {  	v15 =	vld [tilespmem:s26+$0xFFFFFF00]  }
0x2c: {  	v16 =	vld [tilespmem:s26+$0xFFFFFF30]  }
0x2d: {  	v19 =	vld [tilespmem:s26+$0xFFFFFF20]  }
0x2e: {  	v9 =	vld [tilespmem:s26+$0xFFFFFF10];
	_ =	sdelay $0x3  }
0x2f: {  	v7 =	vld [tilespmem:s26+$0xFFFFFF40];
	v0 =	vmul.f32 v15, v15;
	v1 =	vmul.f32 v16, v16  }
0x30: {  	v17 =	vld [tilespmem:s26+$0xFFFFFF70];
	v2 =	vmul.f32 v19, v19;
	v3 =	vmul.f32 v9, v9  }
0x31: {  	v21 =	vld [tilespmem:s26+$0xFFFFFF60];
	v4 =	vadd.f32 v9, v15;
	v5 =	vadd.f32 v16, v19  }
0x32: {  	v10 =	vld [tilespmem:s26+$0xFFFFFF50];
	v0 =	vadd.f32 v3, v0;
	v1 =	vadd.f32 v1, v2  }
0x33: {  	v2 =	vadd.f32 v5, v4  }
0x34: {  	v0 =	vadd.f32 v1, v0  }
0x35: {  	(xrf2) =	vadd.scan.msk.f32 $0xffff, v2  }
0x36: {  	(xrf2) =	vadd.scan.msk.f32 $0xffff, v0  }
0x37: {  	v3 =	vmul.f32 v21, v21;
	v4 =	vadd.f32 v10, v7;
	v1 =	vmul.f32 v17, v17  }
0x38: {  	v5 =	vadd.f32 v17, v21;
	v2 =	vmul.f32 v10, v10;
	v0 =	vmul.f32 v7, v7  }
0x39: {  	v1 =	vadd.f32 v1, v3  }
0x3a: {  	v0 =	vadd.f32 v2, v0;
	v2 =	vadd.f32 v5, v4;
	_ =	sdelay $0x1  }
0x3b: {  	v0 =	vadd.f32 v1, v0;
	(xrf2) =	vadd.scan.msk.f32 $0xffff, v2;
	_ =	sdelay $0x1  }
0x3c: {  	(xrf2) =	vadd.scan.msk.f32 $0xffff, v0  }
0x3d: {  	v1, _, _ =	vpop (xrf2)  }
0x3e: {  	(v2sf) =	vpush v1, $0xF;
	v0, _, _ =	vpop (xrf2)  }
0x3f: {  	(v2sf) =	vpush v0, $0xF;
	_ =	sdelay $0x1  }
0x40: {  	v20 =	vld [tilespmem:s26+$0xFFFFFF80]  }
0x41: {  	v27 =	vld [tilespmem:s26+$0xFFFFFFA0]  }
0x42: {  	v12 =	vld [tilespmem:s26+$0xFFFFFF90]  }
0x43: {  	v22 =	vld [tilespmem:s26+$0xFFFFFFB0];
	v0, _, _ =	vpop (xrf2)  }
0x44: {  	(v2sf) =	vpush v0, $0xF  }
0x45: {  	v0, _, _ =	vpop (xrf2)  }
0x46: {  	(v2sf) =	vpush v0, $0xF  }
0x47: {  	v14 =	vld [tilespmem:s26+$0xFFFFFFF0];
	v3 =	vmul.f32 v27, v27;
	v2 =	vmul.f32 v12, v12  }
0x48: {  	v28 =	vld [tilespmem:s26+$0xFFFFFFC0];
	v1 =	vmul.f32 v22, v22;
	v0 =	vmul.f32 v20, v20  }
0x49: {  	v11 =	vld [tilespmem:s26+$0xFFFFFFD0];
	v4 =	vadd.f32 v12, v20;
	v5 =	vadd.f32 v22, v27  }
0x4a: {  	v29 =	vld [tilespmem:s26+$0xFFFFFFE0];
	v1 =	vadd.f32 v1, v3;
	v0 =	vadd.f32 v2, v0  }
0x4b: {  	v2 =	vadd.f32 v5, v4  }
0x4c: {  	v0 =	vadd.f32 v1, v0;
	s14 =	spop (v2sf)  }
0x4d: {  	(xrf2) =	vadd.scan.msk.f32 $0xffff, v2;
	s2 =	smul.f32 $1.562500000e-02, s14;
	s15 =	spop (v2sf)  }
0x4e: {  	v4 =	vadd.f32 v11, v28;
	(xrf2) =	vadd.scan.msk.f32 $0xffff, v0;
	s0 =	smul.f32 $1.562500000e-02, s15  }
0x4f: {  	v5 =	vadd.f32 v14, v29;
	v1 =	vmul.f32 v28, v28;
	v2 =	vmul.f32 v11, v11;
	s16 =	smul.f32 s2, s2  }
0x50: {  	v3 =	vmul.f32 v29, v29;
	v0 =	vmul.f32 v14, v14  }
0x51: {  	v1 =	vadd.f32 v2, v1;
	v2 =	vadd.f32 v5, v4;
	s0 =	ssub.f32 s0, s16  }
0x52: {  	v0 =	vadd.f32 v0, v3  }
0x53: {  	(xrf2) =	vadd.scan.msk.f32 $0xffff, v2;
	s18 =	spop (v2sf);
	s17 =	sadd.f32 $9.999999740e-06, s0  }
0x54: {  	v0 =	vadd.f32 v0, v1;
	s1 =	smul.f32 $1.562500000e-02, s18  }
0x55: {  	s8 =	spop (v2sf);
	s0 =	smul.f32 $-5.000000000e-01, s17  }
0x56: {  	s3 =	sshrl.u32 s17, $0x1;
	s8 =	smul.f32 $1.562500000e-02, s8  }
0x57: {  	v1, _, _ =	vpop (xrf2);
	s9 =	smul.f32 s1, s1;
	s3 =	ssub.s32 $0x5F3759DF, s3  }
0x58: {  	(xrf2) =	vadd.scan.msk.f32 $0xffff, v0;
	(v2sf) =	vpush v1, $0xF;
	v0, _, _ =	vpop (xrf2);
	s10 =	smul.f32 s3, s0  }
0x59: {  	(v2sf) =	vpush v0, $0xF;
	s8 =	ssub.f32 s8, s9  }
0x5a: {  	s21 =	smul.f32 s3, s10  }
0x5b: {  	v23 =	vld [tilespmem:s26+$0x0];
	s8 =	sadd.f32 $9.999999740e-06, s8  }
0x5c: {  	v30 =	vld [tilespmem:s26+$0x30];
	s9 =	sadd.f32 $1.500000000e+00, s21  }
0x5d: {  	v13 =	vld [tilespmem:s26+$0x10];
	v0, _, _ =	vpop (xrf2);
	s22 =	sshrl.u32 s8, $0x1;
	s8 =	smul.f32 $-5.000000000e-01, s8  }
0x5e: {  	v32 =	vld [tilespmem:s26+$0x20];
	(v2sf) =	vpush v0, $0xF;
	s23 =	ssub.s32 $0x5F3759DF, s22;
	s3 =	smul.f32 s3, s9  }
0x5f: {  	s10 =	smul.f32 s23, s8  }
0x60: {  	s11 =	smul.f32 s3, s0  }
0x61: {  	s10 =	smul.f32 s23, s10  }
0x62: {  	v25 =	vld [tilespmem:s26+$0x40];
	v4 =	vadd.f32 v13, v23;
	v0, _, _ =	vpop (xrf2);
	s11 =	smul.f32 s11, s3  }
0x63: {  	v31 =	vld [tilespmem:s26+$0x70];
	v3 =	vmul.f32 v32, v32;
	v1 =	vmul.f32 v30, v30;
	(v2sf) =	vpush v0, $0xF;
	s10 =	sadd.f32 $1.500000000e+00, s10  }
0x64: {  	v34 =	vld [tilespmem:s26+$0x60];
	v5 =	vadd.f32 v30, v32;
	v2 =	vmul.f32 v13, v13;
	v0 =	vmul.f32 v23, v23;
	s11 =	sadd.f32 $1.500000000e+00, s11  }
0x65: {  	v24 =	vld [tilespmem:s26+$0x50];
	v1 =	vadd.f32 v1, v3;
	s9 =	smul.f32 s23, s10  }
0x66: {  	s19 =	smov.u32 s31;
	v0 =	vadd.f32 v2, v0;
	v2 =	vadd.f32 v5, v4;
	s31 =	smul.f32 s11, s3  }
0x67: {  	s5 =	spop (v2sf);
	s4 =	smul.f32 s9, s8  }
0x68: {  	v0 =	vadd.f32 v1, v0;
	(xrf2) =	vadd.scan.msk.f32 $0xffff, v2;
	s11 =	smul.f32 $1.562500000e-02, s5;
	s12 =	spop (v2sf)  }
0x69: {  	v3 =	vmul.f32 v34, v34;
	v1 =	vmul.f32 v25, v25;
	s12 =	smul.f32 $1.562500000e-02, s12  }
0x6a: {  	v2 =	vmul.f32 v31, v31;
	(xrf2) =	vadd.scan.msk.f32 $0xffff, v0;
	v0 =	vmul.f32 v24, v24;
	s14 =	smul.f32 s11, s11  }
0x6b: {  	s3 =	smul.f32 s4, s9  }
0x6c: {  	v0 =	vadd.f32 v0, v1;
	v1 =	vadd.f32 v2, v3;
	s0 =	smul.f32 s31, s0  }
0x6d: {  	v4 =	vadd.f32 v24, v25;
	v5 =	vadd.f32 v31, v34;
	s13 =	spop (v2sf);
	s12 =	ssub.f32 s12, s14  }
0x6e: {  	v0 =	vadd.f32 v1, v0;
	s3 =	sadd.f32 $1.500000000e+00, s3;
	s6 =	smul.f32 s0, s31  }
0x6f: {  	v2 =	vadd.f32 v5, v4;
	s0 =	smul.f32 $1.562500000e-02, s13  }
0x70: {  	s12 =	sadd.f32 $9.999999740e-06, s12;
	s15 =	smul.f32 s3, s9  }
0x71: {  	(xrf2) =	vadd.scan.msk.f32 $0xffff, v2;
	s17 =	smul.f32 s0, s0  }
0x72: {  	(xrf2) =	vadd.scan.msk.f32 $0xffff, v0;
	v0, _, _ =	vpop (xrf2);
	s3 =	smul.f32 $-5.000000000e-01, s12;
	s16 =	spop (v2sf);
	s12 =	sshrl.u32 s12, $0x1  }
0x73: {  	(v2sf) =	vpush v0, $0xF;
	s9 =	smul.f32 $1.562500000e-02, s16;
	s16 =	ssub.s32 $0x5F3759DF, s12  }
0x74: {  	s14 =	sadd.f32 $1.500000000e+00, s6;
	s18 =	smul.f32 s16, s3  }
0x75: {  	s21 =	smul.f32 s15, s8;
	v0, _, _ =	vpop (xrf2);
	s9 =	ssub.f32 s9, s17  }
0x76: {  	v8 =	vld [tilespmem:s26+$0x80];
	(v2sf) =	vpush v0, $0xF;
	s18 =	smul.f32 s16, s18  }
0x77: {  	v18 =	vld [tilespmem:s26+$0xB0];
	s8 =	smul.f32 s14, s31;
	s9 =	sadd.f32 $9.999999740e-06, s9  }
0x78: {  	v26 =	vld [tilespmem:s26+$0xA0];
	s21 =	smul.f32 s21, s15;
	s22 =	sadd.f32 $1.500000000e+00, s18  }
0x79: {  	v36 =	vld [tilespmem:s26+$0x90];
	s23 =	sshrl.u32 s9, $0x1;
	s12 =	smul.f32 $-5.000000000e-01, s9  }
0x7a: {  	v33 =	vld [tilespmem:s26+$0xC0];
	s14 =	smul.f32 s16, s22;
	s31 =	ssub.s32 $0x5F3759DF, s23  }
0x7b: {  	v35 =	vld [tilespmem:s26+$0xF0];
	v0, _, _ =	vpop (xrf2);
	s9 =	smul.f32 s31, s12  }
0x7c: {  	v37 =	vld [tilespmem:s26+$0xE0];
	(v2sf) =	vpush v0, $0xF;
	s4 =	smul.f32 s14, s3  }
0x7d: {  	v38 =	vld [tilespmem:s26+$0xD0];
	v3 =	vmul.f32 v26, v26;
	v1 =	vmul.f32 v8, v8;
	s10 =	sadd.f32 $1.500000000e+00, s21;
	v0, _, _ =	vpop (xrf2);
	s5 =	smul.f32 s31, s9  }
0x7e: {  	v2 =	vmul.f32 v18, v18;
	(v2sf) =	vpush v0, $0xF;
	v0 =	vmul.f32 v36, v36;
	s18 =	smul.f32 s4, s14  }
0x7f: {  	v4 =	vadd.f32 v36, v8;
	v5 =	vadd.f32 v18, v26;
	s10 =	smul.f32 s10, s15;
	s6 =	sadd.f32 $1.500000000e+00, s5  }
0x80: {  	v0 =	vadd.f32 v0, v1;
	v1 =	vadd.f32 v2, v3;
	s9 =	smul.f32 s8, s2;
	s13 =	sadd.f32 $1.500000000e+00, s18  }
0x81: {  	v2 =	vadd.f32 v5, v4;
	v3 =	vmul.f32 v33, v33;
	v4 =	vmul.f32 v35, v35;
	s17 =	smul.f32 s31, s6  }
0x82: {  	v5 =	vmul.f32 v37, v37;
	v0 =	vadd.f32 v1, v0;
	v1 =	vmul.f32 v38, v38;
	s23 =	spop (v2sf);
	s15 =	smul.f32 s13, s14  }
0x83: {  	v6 =	vadd.f32 v38, v33;
	v39 =	vadd.f32 v35, v37;
	s2 =	smul.f32 $1.562500000e-02, s23  }
0x84: {  	(xrf2) =	vadd.scan.msk.f32 $0xffff, v2;
	v2 =	vadd.f32 v4, v5;
	v1 =	vadd.f32 v1, v3;
	s23 =	smul.f32 s10, s1  }
0x85: {  	(xrf2) =	vadd.scan.msk.f32 $0xffff, v0;
	v0 =	vadd.f32 v39, v6;
	s22 =	smul.f32 s17, s12;
	s31 =	spop (v2sf)  }
0x86: {  	v1 =	vadd.f32 v2, v1;
	s16 =	smul.f32 $1.562500000e-02, s31  }
0x87: {  	(xrf2) =	vadd.scan.msk.f32 $0xffff, v0;
	s4 =	smul.f32 s2, s2  }
0x88: {  	(xrf2) =	vadd.scan.msk.f32 $0xffff, v1;
	s3 =	smul.f32 s15, s3  }
0x89: {  	s14 =	smul.f32 s22, s17  }
0x8a: {  	s3 =	smul.f32 s3, s15  }
0x8b: {  	s5 =	spop (v2sf);
	s14 =	sadd.f32 $1.500000000e+00, s14  }
0x8c: {  	s16 =	ssub.f32 s16, s4;
	s1 =	smul.f32 $1.562500000e-02, s5  }
0x8d: {  	s6 =	spop (v2sf);
	s18 =	smul.f32 s14, s17  }
0x8e: {  	v0, _, _ =	vpop (xrf2);
	s22 =	sadd.f32 $9.999999740e-06, s16;
	s21 =	smul.f32 $1.562500000e-02, s6  }
0x8f: {  	s3 =	sadd.f32 $1.500000000e+00, s3;
	(v2sf) =	vpush v0, $0xF;
	v1, _, _ =	vpop (xrf2);
	s28 =	smul.f32 s1, s1  }
0x90: {  	s16 =	smul.f32 $-5.000000000e-01, s22;
	(v2sf) =	vpush v1, $0xF  }
0x91: {  	s22 =	sshrl.u32 s22, $0x1;
	s15 =	smul.f32 s3, s15;
	v0, _, _ =	vpop (xrf2)  }
0x92: {  	s13 =	ssub.s32 $0x5F3759DF, s22;
	s12 =	smul.f32 s18, s12;
	s21 =	ssub.f32 s21, s28;
	(v2sf) =	vpush v0, $0xF;
	v0, _, _ =	vpop (xrf2)  }
0x93: {  	s22 =	smul.f32 s13, s16;
	(v2sf) =	vpush v0, $0xF  }
0x94: {  	s11 =	smul.f32 s15, s11;
	s21 =	sadd.f32 $9.999999740e-06, s21  }
0x95: {  	s22 =	smul.f32 s13, s22  }
0x96: {  	s28 =	sshrl.u32 s21, $0x1;
	s21 =	smul.f32 $-5.000000000e-01, s21  }
0x97: {  	s12 =	smul.f32 s12, s18;
	s22 =	sadd.f32 $1.500000000e+00, s22;
	s28 =	ssub.s32 $0x5F3759DF, s28  }
0x98: {  	s29 =	smul.f32 s28, s21  }
0x99: {  	s31 =	sadd.f32 $1.500000000e+00, s12;
	s14 =	smul.f32 s13, s22  }
0x9a: {  	s17 =	smul.f32 s28, s29  }
0x9b: {  	s22 =	smul.f32 s31, s18  }
0x9c: {  	s29 =	smul.f32 s14, s16;
	s4 =	sadd.f32 $1.500000000e+00, s17  }
0x9d: {  	v3 =	vld [tilespmem:$0xC810];
	s0 =	smul.f32 s22, s0  }
0x9e: {  	s18 =	smul.f32 s28, s4;
	s5 =	spop (v2sf)  }
0x9f: {  	v2 =	vld [tilespmem:$0xC820];
	s12 =	smul.f32 $1.562500000e-02, s5;
	s6 =	spop (v2sf)  }
0xa0: {  	s28 =	smul.f32 $1.562500000e-02, s6  }
0xa1: {  	v1 =	vld [tilespmem:$0xC830];
	s30 =	smul.f32 s12, s12;
	s13 =	spop (v2sf)  }
0xa2: {  	v47 =	vmul.f32 s8, v3;
	v0 =	vld [tilespmem:$0xC800];
	s3 =	smul.f32 $1.562500000e-02, s13;
	s17 =	spop (v2sf)  }
0xa3: {  	v53 =	vmul.f32 s10, v3;
	v57 =	vmul.f32 s9, v3;
	s28 =	ssub.f32 s28, s30;
	s31 =	smul.f32 $1.562500000e-02, s17  }
0xa4: {  	v59 =	vmul.f32 s23, v3;
	v39 =	vmul.f32 s8, v2;
	s13 =	smul.f32 s3, s3  }
0xa5: {  	v42 =	vmul.f32 s9, v2;
	v43 =	vmul.f32 s10, v2;
	s29 =	smul.f32 s29, s14;
	s28 =	sadd.f32 $9.999999740e-06, s28  }
0xa6: {  	v49 =	vmul.f32 s23, v2;
	v9 =	vmul.f32 v47, v9;
	s13 =	ssub.f32 s31, s13;
	s31 =	smul.f32 s18, s21  }
0xa7: {  	v44 =	vmul.f32 s10, v1;
	v45 =	vmul.f32 s10, v0;
	s5 =	sshrl.u32 s28, $0x1;
	s10 =	smul.f32 $-5.000000000e-01, s28;
	s28 =	sadd.f32 $1.500000000e+00, s29  }
0xa8: {  	v6 =	vld [tilespmem:$0xC860];
	v19 =	vmul.f32 v39, v19;
	v21 =	vmul.f32 v43, v21;
	s30 =	smul.f32 s31, s18  }
0xa9: {  	v51 =	vmul.f32 s15, v2;
	v55 =	vmul.f32 s15, v3;
	s4 =	sadd.f32 $9.999999740e-06, s13;
	s13 =	ssub.s32 $0x5F3759DF, s5;
	s14 =	smul.f32 s28, s14  }
0xaa: {  	v58 =	vmul.f32 s11, v2;
	v62 =	vmul.f32 s11, v3;
	s17 =	smul.f32 s13, s10  }
0xab: {  	v5 =	vld [tilespmem:$0xC870];
	v40 =	vmul.f32 s8, v1;
	v41 =	vmul.f32 s8, v0;
	s8 =	smul.f32 $-5.000000000e-01, s4  }
0xac: {  	v4 =	vld [tilespmem:$0xC840];
	v48 =	vmul.f32 s9, v1;
	v46 =	vmul.f32 s9, v0;
	s6 =	sshrl.u32 s4, $0x1;
	s9 =	smul.f32 s13, s17  }
0xad: {  	v39 =	vsub.f32 v6, v42;
	v52 =	vmul.f32 s15, v1;
	v54 =	vmul.f32 s15, v0;
	s4 =	sadd.f32 $1.500000000e+00, s30;
	s15 =	ssub.s32 $0x5F3759DF, s6;
	s17 =	smul.f32 s14, s16  }
0xae: {  	v27 =	vmul.f32 v51, v27;
	v60 =	vmul.f32 s11, v1;
	s31 =	smul.f32 s15, s8  }
0xaf: {  	v19 =	vadd.f32 v39, v19;
	v50 =	vmul.f32 s23, v1;
	v61 =	vmul.f32 s11, v0;
	s11 =	smul.f32 s4, s18  }
0xb0: {  	v16 =	vmul.f32 v40, v16;
	v60 =	vsub.f32 v5, v60;
	v56 =	vmul.f32 s23, v0;
	s9 =	sadd.f32 $1.500000000e+00, s9;
	s23 =	smul.f32 s15, s31  }
0xb1: {  	v17 =	vmul.f32 v44, v17;
	v63 =	vsub.f32 v4, v46;
	v46 =	vsub.f32 v5, v48;
	s18 =	smul.f32 s11, s21  }
0xb2: {  	v42 =	vmul.f32 s22, v3;
	v48 =	vsub.f32 v6, v49;
	v49 =	vsub.f32 v5, v50;
	s9 =	smul.f32 s13, s9  }
0xb3: {  	v15 =	vmul.f32 v41, v15;
	v7 =	vmul.f32 v45, v7;
	v50 =	vsub.f32 v4, v56;
	s5 =	sadd.f32 $1.500000000e+00, s23;
	s16 =	smul.f32 s18, s11  }
0xb4: {  	v56 =	vmul.f32 s22, v2;
	v20 =	vmul.f32 v54, v20;
	v39 =	vadd.f32 v49, v17;
	s21 =	smul.f32 s9, s10  }
0xb5: {  	v17 =	vmul.f32 s22, v0;
	v40 =	vadd.f32 v50, v7;
	v7 =	vmul.f32 v52, v22;
	s6 =	smul.f32 s15, s5  }
0xb6: {  	v51 =	vmul.f32 s0, v1;
	v54 =	vmul.f32 s0, v3;
	v15 =	vadd.f32 v63, v15;
	s15 =	smul.f32 s17, s14  }
0xb7: {  	v17 =	vmul.f32 v17, v28;
	v28 =	vmul.f32 v56, v29;
	v29 =	vadd.f32 v60, v7;
	v7 =	vld [tilespmem:$0xC850];
	s16 =	sadd.f32 $1.500000000e+00, s16;
	s18 =	smul.f32 s21, s9  }
0xb8: {  	v16 =	vadd.f32 v46, v16;
	v21 =	vadd.f32 v48, v21;
	v63 =	vmul.f32 s22, v1;
	s15 =	sadd.f32 $1.500000000e+00, s15;
	s22 =	smul.f32 s6, s8  }
0xb9: {  	v22 =	vsub.f32 v6, v58;
	v48 =	vsub.f32 v4, v61;
	v49 =	vmul.f32 s0, v0;
	s11 =	smul.f32 s16, s11  }
0xba: {  	v50 =	vmul.f32 s0, v2;
	v58 =	vsub.f32 v5, v51;
	v14 =	vmul.f32 v63, v14;
	s23 =	sadd.f32 $1.500000000e+00, s18;
	s14 =	smul.f32 s15, s14  }
0xbb: {  	v22 =	vadd.f32 v22, v27;
	v20 =	vadd.f32 v48, v20;
	v60 =	vmul.f32 v53, v10;
	s0 =	smul.f32 s22, s6  }
0xbc: {  	v63 =	vmul.f32 v55, v12;
	v44 =	vadd.f32 v58, v14;
	v14 =	vsub.f32 v7, v57;
	s9 =	smul.f32 s23, s9  }
0xbd: {  	v52 =	vsub.f32 v4, v49;
	[tilespmem:s26+$0xFFFFFF20] =	vst v19;
	v19 =	vmul.f32 s11, v2;
	v47 =	vmul.f32 s11, v1;
	s1 =	smul.f32 s11, s1;
	s0 =	sadd.f32 $1.500000000e+00, s0  }
0xbe: {  	v48 =	vadd.f32 v14, v9;
	v9 =	vmul.f32 s11, v0;
	v49 =	vmul.f32 s11, v3;
	s10 =	smul.f32 s9, s10  }
0xbf: {  	v56 =	vsub.f32 v6, v50;
	v10 =	vmul.f32 s14, v2;
	v61 =	vmul.f32 s14, v1;
	s13 =	smul.f32 s0, s6  }
0xc0: {  	[tilespmem:s26+$0xFFFFFF30] =	vst v16;
	v27 =	vadd.f32 v52, v17;
	v12 =	vmul.f32 s14, v0;
	v14 =	vmul.f32 v19, v34;
	s0 =	smul.f32 s14, s2  }
0xc1: {  	[tilespmem:s26+$0xFFFFFF00] =	vst v15;
	v28 =	vadd.f32 v56, v28;
	v19 =	vmul.f32 s14, v3;
	v15 =	vmul.f32 v47, v31;
	s10 =	smul.f32 s10, s9  }
0xc2: {  	[tilespmem:s26+$0xFFFFFF60] =	vst v21;
	v16 =	vsub.f32 v7, v59;
	v24 =	vmul.f32 v49, v24;
	v52 =	vmul.f32 s1, v3;
	s8 =	smul.f32 s13, s8  }
0xc3: {  	[tilespmem:s26+$0xFFFFFFA0] =	vst v22;
	v21 =	vsub.f32 v7, v62;
	v17 =	vmul.f32 v10, v32;
	v22 =	vmul.f32 s0, v3;
	s31 =	sadd.f32 $1.500000000e+00, s10  }
0xc4: {  	[tilespmem:s26+$0xFFFFFF70] =	vst v39;
	v16 =	vadd.f32 v16, v60;
	v10 =	vmul.f32 v61, v30;
	v12 =	vmul.f32 v12, v23;
	s8 =	smul.f32 s8, s13  }
0xc5: {  	[tilespmem:s26+$0xFFFFFF80] =	vst v20;
	v23 =	vmul.f32 v42, v11;
	v19 =	vmul.f32 v19, v13;
	v20 =	vsub.f32 v7, v22;
	s9 =	smul.f32 s31, s9  }
0xc6: {  	[tilespmem:s26+$0xFFFFFF40] =	vst v40;
	v11 =	vmul.f32 v9, v25;
	v9 =	vsub.f32 v7, v54;
	v50 =	vmul.f32 s0, v2;
	s8 =	sadd.f32 $1.500000000e+00, s8  }
0xc7: {  	[tilespmem:s26+$0xFFFFFFB0] =	vst v29;
	v19 =	vadd.f32 v20, v19;
	s2 =	smul.f32 s9, s12;
	v22 =	vmul.f32 s9, v2;
	v20 =	vmul.f32 s9, v3  }
0xc8: {  	[tilespmem:s26+$0xFFFFFFE0] =	vst v28;
	v23 =	vadd.f32 v9, v23;
	v51 =	vmul.f32 s9, v1;
	v9 =	vmul.f32 s9, v0;
	s8 =	smul.f32 s8, s13  }
0xc9: {  	[tilespmem:s26+$0xFFFFFFC0] =	vst v27;
	v28 =	vsub.f32 v7, v52;
	v53 =	vmul.f32 s2, v3;
	v20 =	vmul.f32 v20, v36  }
0xca: {  	[tilespmem:s26+$0xFFFFFFF0] =	vst v44;
	v21 =	vadd.f32 v21, v63;
	s3 =	smul.f32 s8, s3;
	v54 =	vmul.f32 s8, v2;
	v55 =	vmul.f32 s8, v1  }
0xcb: {  	[tilespmem:s26+$0xFFFFFF50] =	vst v16;
	v16 =	vadd.f32 v28, v24;
	v56 =	vmul.f32 s8, v0;
	v57 =	vmul.f32 s8, v3  }
0xcc: {  	[tilespmem:s26+$0xFFFFFF90] =	vst v21;
	v13 =	vsub.f32 v6, v50;
	v58 =	vmul.f32 s3, v3;
	v21 =	vmul.f32 s3, v2  }
0xcd: {  	[tilespmem:s26+$0xFFFFFFD0] =	vst v23;
	v27 =	vsub.f32 v7, v53;
	v59 =	vmul.f32 v54, v37;
	v24 =	vmul.f32 v57, v38  }
0xce: {  	[tilespmem:s26+$0x10] =	vst v19;
	v60 =	vmul.f32 s3, v1;
	v19 =	vmul.f32 s3, v0;
	v23 =	vsub.f32 v7, v58  }
0xcf: {  	[tilespmem:s26+$0xFFFFFF10] =	vst v48;
	v61 =	vmul.f32 v55, v35;
	v20 =	vadd.f32 v27, v20;
	v21 =	vsub.f32 v6, v21  }
0xd0: {  	[tilespmem:s26+$0x50] =	vst v16;
	v62 =	vmul.f32 v56, v33;
	v63 =	vsub.f32 v5, v60;
	v23 =	vadd.f32 v23, v24  }
0xd1: {  	v19 =	vsub.f32 v4, v19;
	[tilespmem:s26+$0x90] =	vst v20;
	v20 =	vmul.f32 s2, v2;
	v27 =	vadd.f32 v21, v59  }
0xd2: {  	v16 =	vmul.f32 v22, v26;
	v21 =	vmul.f32 s2, v1;
	v22 =	vadd.f32 v63, v61;
	[tilespmem:s26+$0xD0] =	vst v23  }
0xd3: {  	s29 =	simm.s32 $0x0;
	s28 =	sshll.u32 s24, $0x1;
	s30 =	simm.s32 $0x6700;
	v18 =	vmul.f32 v51, v18;
	v19 =	vadd.f32 v19, v62;
	v20 =	vsub.f32 v6, v20;
	[tilespmem:s26+$0xE0] =	vst v27  }
.LBB2_3:
0xd4: {  	v24 =	vld [tilespmem:s30+$0xFFFFFF00];
	v23 =	vmul.f32 s2, v0;
	v8 =	vmul.f32 v9, v8;
	v9 =	vsub.f32 v5, v21;
	[tilespmem:s26+$0xF0] =	vst v22  }
0xd5: {  	v21 =	vmul.f32 s1, v2;
	v22 =	vmul.f32 s1, v1;
	v28 =	vld [tilespmem:s30+$0xFFFFFF30];
	v16 =	vadd.f32 v20, v16;
	[tilespmem:s26+$0xC0] =	vst v19  }
0xd6: {  	v19 =	vmul.f32 s1, v0;
	v32 =	vld [tilespmem:s30+$0xFFFFFF20];
	v20 =	vsub.f32 v4, v23;
	v18 =	vadd.f32 v9, v18  }
0xd7: {  	v23 =	vmul.f32 s0, v1;
	v21 =	vsub.f32 v6, v21;
	v22 =	vsub.f32 v5, v22;
	v9 =	vld [tilespmem:s30+$0xFFFFFF10];
	[tilespmem:s26+$0xA0] =	vst v16  }
0xd8: {  	v16 =	vmul.f32 s0, v0;
	v19 =	vsub.f32 v4, v19;
	v8 =	vadd.f32 v20, v8;
	[tilespmem:s26+$0xB0] =	vst v18  }
0xd9: {  	v14 =	vadd.f32 v21, v14;
	v15 =	vadd.f32 v22, v15  }
0xda: {  	v13 =	vadd.f32 v13, v17;
	v18 =	vmul.f32 v24, v24;
	v11 =	vadd.f32 v19, v11;
	[tilespmem:s26+$0x80] =	vst v8  }
0xdb: {  	v17 =	vsub.f32 v5, v23;
	v16 =	vsub.f32 v4, v16;
	v8 =	vmul.f32 v28, v28;
	[tilespmem:s26+$0x60] =	vst v14  }
0xdc: {  	v19 =	vadd.f32 v28, v32;
	v20 =	vmul.f32 v32, v32;
	v14 =	vadd.f32 v9, v24;
	[tilespmem:s26+$0x70] =	vst v15  }
0xdd: {  	v10 =	vadd.f32 v17, v10;
	v12 =	vadd.f32 v16, v12;
	v15 =	vmul.f32 v9, v9;
	v34 =	vld [tilespmem:s30+$0xFFFFFF40];
	[tilespmem:s26+$0x40] =	vst v11  }
0xde: {  	v11 =	vadd.f32 v19, v14;
	v35 =	vld [tilespmem:s30+$0xFFFFFF70];
	[tilespmem:s26+$0x20] =	vst v13  }
0xdf: {  	v8 =	vadd.f32 v8, v20;
	v13 =	vadd.f32 v15, v18;
	v36 =	vld [tilespmem:s30+$0xFFFFFF60];
	[tilespmem:s26+$0x30] =	vst v10  }
0xe0: {  	v10 =	vld [tilespmem:s30+$0xFFFFFF50];
	(xrf2) =	vadd.scan.msk.f32 $0xffff, v11;
	[tilespmem:s26+$0x0] =	vst v12;
	s26 =	smov.u32 s30  }
0xe1: {  	v8 =	vadd.f32 v8, v13;
	_ =	sdelay $0x1  }
0xe2: {  	(xrf2) =	vadd.scan.msk.f32 $0xffff, v8  }
0xe3: {  	v8 =	vmul.f32 v34, v34  }
0xe4: {  	v13 =	vmul.f32 v35, v35;
	v12 =	vadd.f32 v35, v36;
	v11 =	vadd.f32 v10, v34  }
0xe5: {  	v15 =	vmul.f32 v36, v36;
	v14 =	vmul.f32 v10, v10  }
0xe6: {  	v16 =	vadd.f32 v12, v11  }
0xe7: {  	v8 =	vadd.f32 v14, v8;
	v12 =	vadd.f32 v13, v15  }
0xe8: {  	(xrf2) =	vadd.scan.msk.f32 $0xffff, v16  }
0xe9: {  	v12 =	vadd.f32 v12, v8;
	v11, _, _ =	vpop (xrf2);
	_ =	sdelay $0x1  }
0xea: {  	(xrf2) =	vadd.scan.msk.f32 $0xffff, v12  }
0xeb: {  	(v2sf) =	vpush v11, $0xF;
	v8, _, _ =	vpop (xrf2)  }
0xec: {  	(v2sf) =	vpush v8, $0xF;
	_ =	sdelay $0x1  }
0xed: {  	v26 =	vld [tilespmem:s30+$0xFFFFFF80]  }
0xee: {  	v29 =	vld [tilespmem:s30+$0xFFFFFFB0]  }
0xef: {  	v31 =	vld [tilespmem:s30+$0xFFFFFFA0]  }
0xf0: {  	v12 =	vld [tilespmem:s30+$0xFFFFFF90];
	v8, _, _ =	vpop (xrf2);
	_ =	sdelay $0x2  }
0xf1: {  	(v2sf) =	vpush v8, $0xF;
	v8, _, _ =	vpop (xrf2)  }
0xf2: {  	v11 =	vmul.f32 v26, v26;
	(v2sf) =	vpush v8, $0xF  }
0xf3: {  	v14 =	vmul.f32 v29, v29;
	v13 =	vadd.f32 v29, v31;
	v8 =	vadd.f32 v12, v26  }
0xf4: {  	v16 =	vmul.f32 v31, v31;
	v15 =	vmul.f32 v12, v12;
	v23 =	vld [tilespmem:s30+$0xFFFFFFF0]  }
0xf5: {  	v8 =	vadd.f32 v13, v8;
	v25 =	vld [tilespmem:s30+$0xFFFFFFC0]  }
0xf6: {  	v14 =	vadd.f32 v14, v16;
	v13 =	vadd.f32 v15, v11;
	v27 =	vld [tilespmem:s30+$0xFFFFFFE0]  }
0xf7: {  	v11 =	vld [tilespmem:s30+$0xFFFFFFD0];
	s0 =	spop (v2sf);
	(xrf2) =	vadd.scan.msk.f32 $0xffff, v8  }
0xf8: {  	v8 =	vadd.f32 v14, v13;
	s1 =	smul.f32 $1.562500000e-02, s0;
	s0 =	spop (v2sf)  }
0xf9: {  	s0 =	smul.f32 $1.562500000e-02, s0  }
0xfa: {  	s2 =	smul.f32 s1, s1;
	(xrf2) =	vadd.scan.msk.f32 $0xffff, v8  }
0xfb: {  	v8 =	vmul.f32 v23, v23  }
0xfc: {  	v15 =	vmul.f32 v25, v25;
	v14 =	vadd.f32 v23, v27;
	s0 =	ssub.f32 s0, s2;
	v13 =	vadd.f32 v11, v25  }
0xfd: {  	v17 =	vmul.f32 v27, v27;
	v16 =	vmul.f32 v11, v11  }
0xfe: {  	s2 =	sadd.f32 $9.999999740e-06, s0;
	v18 =	vadd.f32 v14, v13  }
0xff: {  	v8 =	vadd.f32 v8, v17;
	v14 =	vadd.f32 v16, v15  }
0x100: {  	s0 =	smul.f32 $-5.000000000e-01, s2;
	s3 =	spop (v2sf);
	(xrf2) =	vadd.scan.msk.f32 $0xffff, v18  }
0x101: {  	v14 =	vadd.f32 v8, v14;
	s12 =	smul.f32 $1.562500000e-02, s3;
	s3 =	spop (v2sf);
	v13, _, _ =	vpop (xrf2)  }
0x102: {  	s2 =	sshrl.u32 s2, $0x1;
	s3 =	smul.f32 $1.562500000e-02, s3  }
0x103: {  	s8 =	ssub.s32 $0x5F3759DF, s2;
	s2 =	smul.f32 s12, s12;
	(xrf2) =	vadd.scan.msk.f32 $0xffff, v14  }
0x104: {  	s9 =	smul.f32 s8, s0;
	(v2sf) =	vpush v13, $0xF;
	v8, _, _ =	vpop (xrf2)  }
0x105: {  	s2 =	ssub.f32 s3, s2;
	(v2sf) =	vpush v8, $0xF  }
0x106: {  	s3 =	smul.f32 s8, s9  }
0x107: {  	s2 =	sadd.f32 $9.999999740e-06, s2;
	v14 =	vld [tilespmem:s30+$0x0]  }
0x108: {  	s3 =	sadd.f32 $1.500000000e+00, s3;
	v15 =	vld [tilespmem:s30+$0x30]  }
0x109: {  	s9 =	sshrl.u32 s2, $0x1;
	s2 =	smul.f32 $-5.000000000e-01, s2;
	v17 =	vld [tilespmem:s30+$0x20]  }
0x10a: {  	s3 =	smul.f32 s8, s3;
	s8 =	ssub.s32 $0x5F3759DF, s9;
	v13 =	vld [tilespmem:s30+$0x10];
	v8, _, _ =	vpop (xrf2)  }
0x10b: {  	s9 =	smul.f32 s8, s2  }
0x10c: {  	s10 =	smul.f32 s3, s0  }
0x10d: {  	s9 =	smul.f32 s8, s9;
	(v2sf) =	vpush v8, $0xF;
	v8, _, _ =	vpop (xrf2)  }
0x10e: {  	v16 =	vmul.f32 v14, v14;
	s10 =	smul.f32 s10, s3;
	(v2sf) =	vpush v8, $0xF  }
0x10f: {  	v21 =	vmul.f32 v15, v15;
	v19 =	vadd.f32 v15, v17;
	s9 =	sadd.f32 $1.500000000e+00, s9;
	v8 =	vadd.f32 v13, v14;
	v18 =	vld [tilespmem:s30+$0x40]  }
0x110: {  	v33 =	vmul.f32 v17, v17;
	s10 =	sadd.f32 $1.500000000e+00, s10;
	v30 =	vmul.f32 v13, v13;
	v20 =	vld [tilespmem:s30+$0x70]  }
0x111: {  	s9 =	smul.f32 s8, s9;
	v8 =	vadd.f32 v19, v8;
	v22 =	vld [tilespmem:s30+$0x60]  }
0x112: {  	v21 =	vadd.f32 v21, v33;
	s8 =	smul.f32 s10, s3;
	v19 =	vadd.f32 v30, v16;
	v16 =	vld [tilespmem:s30+$0x50]  }
0x113: {  	s10 =	smul.f32 s9, s2;
	s3 =	spop (v2sf);
	(xrf2) =	vadd.scan.msk.f32 $0xffff, v8  }
0x114: {  	v8 =	vadd.f32 v21, v19;
	s3 =	smul.f32 $1.562500000e-02, s3;
	s11 =	spop (v2sf)  }
0x115: {  	s11 =	smul.f32 $1.562500000e-02, s11  }
0x116: {  	v19 =	vmul.f32 v18, v18;
	s13 =	smul.f32 s3, s3;
	(xrf2) =	vadd.scan.msk.f32 $0xffff, v8  }
0x117: {  	s10 =	smul.f32 s10, s9;
	v30 =	vmul.f32 v20, v20;
	v21 =	vadd.f32 v20, v22;
	v8 =	vadd.f32 v16, v18  }
0x118: {  	s0 =	smul.f32 s8, s0;
	v37 =	vmul.f32 v22, v22;
	v33 =	vmul.f32 v16, v16;
	s11 =	ssub.f32 s11, s13  }
0x119: {  	s10 =	sadd.f32 $1.500000000e+00, s10;
	v8 =	vadd.f32 v21, v8  }
0x11a: {  	s13 =	smul.f32 s0, s8;
	v33 =	vadd.f32 v33, v19;
	v21 =	vadd.f32 v30, v37;
	s11 =	sadd.f32 $9.999999740e-06, s11  }
0x11b: {  	s10 =	smul.f32 s10, s9;
	(xrf2) =	vadd.scan.msk.f32 $0xffff, v8  }
0x11c: {  	v8 =	vadd.f32 v21, v33;
	s9 =	smul.f32 $-5.000000000e-01, s11;
	s0 =	spop (v2sf)  }
0x11d: {  	s0 =	smul.f32 $1.562500000e-02, s0;
	s14 =	spop (v2sf);
	v19, _, _ =	vpop (xrf2)  }
0x11e: {  	s11 =	sshrl.u32 s11, $0x1;
	s14 =	smul.f32 $1.562500000e-02, s14;
	(xrf2) =	vadd.scan.msk.f32 $0xffff, v8  }
0x11f: {  	s11 =	ssub.s32 $0x5F3759DF, s11;
	s15 =	smul.f32 s0, s0  }
0x120: {  	s13 =	sadd.f32 $1.500000000e+00, s13;
	s16 =	smul.f32 s11, s9;
	(v2sf) =	vpush v19, $0xF;
	v8, _, _ =	vpop (xrf2)  }
0x121: {  	s2 =	smul.f32 s10, s2;
	s14 =	ssub.f32 s14, s15;
	(v2sf) =	vpush v8, $0xF  }
0x122: {  	s15 =	smul.f32 s11, s16;
	v8 =	vld [tilespmem:s30+$0x80]  }
0x123: {  	s31 =	smul.f32 s13, s8;
	s8 =	sadd.f32 $9.999999740e-06, s14;
	v19 =	vld [tilespmem:s30+$0xB0]  }
0x124: {  	s2 =	smul.f32 s2, s10;
	s13 =	sadd.f32 $1.500000000e+00, s15;
	v21 =	vld [tilespmem:s30+$0xA0]  }
0x125: {  	v33 =	vmul.f32 s31, v2;
	v37 =	vmul.f32 s31, v1;
	s14 =	sshrl.u32 s8, $0x1;
	s8 =	smul.f32 $-5.000000000e-01, s8;
	v30 =	vld [tilespmem:s30+$0x90];
	v38, _, _ =	vpop (xrf2)  }
0x126: {  	v39 =	vmul.f32 s31, v0;
	s13 =	smul.f32 s11, s13;
	s14 =	ssub.s32 $0x5F3759DF, s14  }
0x127: {  	v40 =	vmul.f32 v33, v32;
	v37 =	vmul.f32 v37, v28;
	s11 =	smul.f32 s14, s8  }
0x128: {  	v39 =	vmul.f32 v39, v24;
	s15 =	smul.f32 s13, s9;
	v24 =	vld [tilespmem:s30+$0xC0];
	(v2sf) =	vpush v38, $0xF;
	v32, _, _ =	vpop (xrf2)  }
0x129: {  	v38 =	vmul.f32 v8, v8;
	s11 =	smul.f32 s14, s11;
	v28 =	vld [tilespmem:s30+$0xF0];
	(v2sf) =	vpush v32, $0xF  }
0x12a: {  	s2 =	sadd.f32 $1.500000000e+00, s2;
	v43 =	vmul.f32 v19, v19;
	s15 =	smul.f32 s15, s13;
	v42 =	vadd.f32 v19, v21;
	v41 =	vadd.f32 v30, v8;
	v32 =	vld [tilespmem:s30+$0xE0]  }
0x12b: {  	s1 =	smul.f32 s31, s1;
	v45 =	vmul.f32 v21, v21;
	v44 =	vmul.f32 v30, v30;
	s16 =	sadd.f32 $1.500000000e+00, s11;
	v33 =	vld [tilespmem:s30+$0xD0]  }
0x12c: {  	s11 =	smul.f32 s2, s10;
	s2 =	sadd.f32 $1.500000000e+00, s15;
	v41 =	vadd.f32 v42, v41  }
0x12d: {  	s29 =	sadd.s32 $0x8, s29;
	v43 =	vadd.f32 v43, v45;
	v42 =	vmul.f32 s1, v2;
	v38 =	vadd.f32 v44, v38;
	s14 =	smul.f32 s14, s16  }
0x12e: {  	p0 =	slt.u32 s29, $0xC0;
	v44 =	vmul.f32 s11, v2;
	v45 =	vmul.f32 s11, v1;
	s10 =	smul.f32 s2, s13;
	(xrf2) =	vadd.scan.msk.f32 $0xffff, v41  }
0x12f: {  	v41 =	vmul.f32 s11, v0;
	v38 =	vadd.f32 v43, v38;
	v43 =	vmul.f32 v24, v24;
	s13 =	smul.f32 s14, s8;
	s2 =	spop (v2sf)  }
0x130: {  	v48 =	vmul.f32 v28, v28;
	v47 =	vadd.f32 v28, v32;
	s2 =	smul.f32 $1.562500000e-02, s2;
	v46 =	vadd.f32 v33, v24;
	s15 =	spop (v2sf)  }
0x131: {  	v42 =	vsub.f32 v6, v42;
	v50 =	vmul.f32 v32, v32;
	v49 =	vmul.f32 v33, v33;
	s15 =	smul.f32 $1.562500000e-02, s15;
	(xrf2) =	vadd.scan.msk.f32 $0xffff, v38  }
0x132: {  	v36 =	vmul.f32 v44, v36;
	v35 =	vmul.f32 v45, v35;
	s16 =	smul.f32 s2, s2;
	v38 =	vadd.f32 v47, v46  }
0x133: {  	v34 =	vmul.f32 v41, v34;
	s13 =	smul.f32 s13, s14;
	v41 =	vadd.f32 v49, v43;
	v43 =	vadd.f32 v48, v50  }
0x134: {  	v44 =	vmul.f32 s1, v0;
	s9 =	smul.f32 s10, s9;
	v40 =	vadd.f32 v42, v40;
	v42 =	vmul.f32 s1, v1;
	s15 =	ssub.f32 s15, s16;
	(xrf2) =	vadd.scan.msk.f32 $0xffff, v38  }
0x135: {  	s16 =	smul.f32 s11, s12;
	s12 =	sadd.f32 $1.500000000e+00, s13;
	v38 =	vadd.f32 v43, v41  }
0x136: {  	s9 =	smul.f32 s9, s10;
	v41 =	vsub.f32 v4, v44;
	v44 =	vsub.f32 v5, v42;
	[tilespmem:s30+$0xFFFFFF20] =	vst v40;
	s13 =	sadd.f32 $9.999999740e-06, s15  }
0x137: {  	v42 =	vmul.f32 s16, v2;
	v43 =	vmul.f32 s16, v1;
	s22 =	smul.f32 s12, s14;
	s12 =	spop (v2sf);
	(xrf2) =	vadd.scan.msk.f32 $0xffff, v38  }
0x138: {  	v45 =	vadd.f32 v41, v39;
	v37 =	vadd.f32 v44, v37;
	v39 =	vmul.f32 s16, v0;
	s18 =	smul.f32 $-5.000000000e-01, s13;
	s14 =	spop (v2sf);
	v40, _, _ =	vpop (xrf2)  }
0x139: {  	v41 =	vsub.f32 v6, v42;
	v42 =	vsub.f32 v5, v43;
	s12 =	smul.f32 $1.562500000e-02, s12  }
0x13a: {  	s13 =	sshrl.u32 s13, $0x1;
	s14 =	smul.f32 $1.562500000e-02, s14;
	[tilespmem:s30+$0xFFFFFF30] =	vst v37;
	v37 =	vsub.f32 v4, v39  }
0x13b: {  	s13 =	ssub.s32 $0x5F3759DF, s13;
	v36 =	vadd.f32 v41, v36;
	v39 =	vadd.f32 v42, v35;
	s15 =	smul.f32 s12, s12;
	[tilespmem:s30+$0xFFFFFF00] =	vst v45;
	v38, _, _ =	vpop (xrf2)  }
0x13c: {  	s9 =	sadd.f32 $1.500000000e+00, s9;
	s21 =	smul.f32 s13, s18;
	v34 =	vadd.f32 v37, v34  }
0x13d: {  	s8 =	smul.f32 s22, s8;
	s14 =	ssub.f32 s14, s15;
	[tilespmem:s30+$0xFFFFFF60] =	vst v36  }
0x13e: {  	s15 =	smul.f32 s13, s21;
	[tilespmem:s30+$0xFFFFFF70] =	vst v39;
	(v2sf) =	vpush v40, $0xF;
	v35, _, _ =	vpop (xrf2)  }
0x13f: {  	s9 =	smul.f32 s9, s10;
	s10 =	sadd.f32 $9.999999740e-06, s14;
	[tilespmem:s30+$0xFFFFFF40] =	vst v34;
	(v2sf) =	vpush v38, $0xF  }
0x140: {  	s8 =	smul.f32 s8, s22;
	s14 =	sadd.f32 $1.500000000e+00, s15  }
0x141: {  	v36 =	vmul.f32 s9, v1;
	v34 =	vmul.f32 s9, v2;
	s15 =	sshrl.u32 s10, $0x1;
	s10 =	smul.f32 $-5.000000000e-01, s10;
	(v2sf) =	vpush v35, $0xF;
	v35, _, _ =	vpop (xrf2)  }
0x142: {  	v37 =	vmul.f32 s9, v0;
	s13 =	smul.f32 s13, s14;
	s14 =	ssub.s32 $0x5F3759DF, s15;
	(v2sf) =	vpush v35, $0xF  }
0x143: {  	v29 =	vmul.f32 v36, v29;
	v31 =	vmul.f32 v34, v31;
	s15 =	smul.f32 s14, s10  }
0x144: {  	v26 =	vmul.f32 v37, v26;
	s21 =	smul.f32 s13, s18  }
0x145: {  	s15 =	smul.f32 s14, s15  }
0x146: {  	s8 =	sadd.f32 $1.500000000e+00, s8;
	s23 =	smul.f32 s21, s13  }
0x147: {  	s21 =	smul.f32 s9, s3;
	s3 =	sadd.f32 $1.500000000e+00, s15  }
0x148: {  	s22 =	smul.f32 s8, s22;
	s8 =	sadd.f32 $1.500000000e+00, s23  }
0x149: {  	v34 =	vmul.f32 s21, v2;
	v35 =	vmul.f32 s21, v1;
	s15 =	smul.f32 s14, s3  }
0x14a: {  	v36 =	vmul.f32 s22, v0;
	v37 =	vmul.f32 s22, v2;
	s23 =	smul.f32 s8, s13  }
0x14b: {  	v38 =	vmul.f32 s21, v0;
	v34 =	vsub.f32 v6, v34;
	v35 =	vsub.f32 v5, v35;
	s3 =	smul.f32 s15, s10  }
0x14c: {  	v25 =	vmul.f32 v36, v25;
	v27 =	vmul.f32 v37, v27;
	s13 =	smul.f32 s23, s18  }
0x14d: {  	v31 =	vadd.f32 v34, v31;
	v29 =	vadd.f32 v35, v29;
	v34 =	vmul.f32 s22, v1;
	s14 =	smul.f32 s3, s15;
	s3 =	spop (v2sf)  }
0x14e: {  	v35 =	vsub.f32 v4, v38;
	s8 =	smul.f32 $1.562500000e-02, s3;
	s3 =	spop (v2sf)  }
0x14f: {  	v23 =	vmul.f32 v34, v23;
	[tilespmem:s30+$0xFFFFFFA0] =	vst v31;
	s18 =	smul.f32 $1.562500000e-02, s3  }
0x150: {  	v26 =	vadd.f32 v35, v26;
	[tilespmem:s30+$0xFFFFFFB0] =	vst v29;
	s4 =	smul.f32 s8, s8;
	s3 =	spop (v2sf)  }
0x151: {  	s3 =	smul.f32 $1.562500000e-02, s3;
	s17 =	spop (v2sf)  }
0x152: {  	[tilespmem:s30+$0xFFFFFF80] =	vst v26;
	s4 =	ssub.f32 s18, s4;
	s17 =	smul.f32 $1.562500000e-02, s17  }
0x153: {  	s6 =	sadd.f32 $1.500000000e+00, s14;
	s14 =	smul.f32 s3, s3  }
0x154: {  	s18 =	smul.f32 s22, s0;
	s0 =	sadd.f32 $9.999999740e-06, s4  }
0x155: {  	s4 =	smul.f32 s13, s23;
	s13 =	ssub.f32 s17, s14  }
0x156: {  	v26 =	vmul.f32 s18, v0;
	v29 =	vmul.f32 s18, v2;
	s17 =	sshrl.u32 s0, $0x1;
	s14 =	smul.f32 $-5.000000000e-01, s0  }
0x157: {  	s15 =	smul.f32 s6, s15;
	v31 =	vmul.f32 s18, v1;
	s6 =	ssub.s32 $0x5F3759DF, s17;
	s0 =	sadd.f32 $9.999999740e-06, s13  }
0x158: {  	v26 =	vsub.f32 v4, v26;
	v29 =	vsub.f32 v6, v29;
	s13 =	smul.f32 s6, s14  }
0x159: {  	v31 =	vsub.f32 v5, v31;
	s17 =	sshrl.u32 s0, $0x1;
	s0 =	smul.f32 $-5.000000000e-01, s0  }
0x15a: {  	v25 =	vadd.f32 v26, v25;
	v26 =	vadd.f32 v29, v27;
	s13 =	smul.f32 s6, s13;
	s17 =	ssub.s32 $0x5F3759DF, s17  }
0x15b: {  	v23 =	vadd.f32 v31, v23;
	s5 =	smul.f32 s17, s0  }
0x15c: {  	s10 =	smul.f32 s15, s10;
	[tilespmem:s30+$0xFFFFFFE0] =	vst v26;
	s13 =	sadd.f32 $1.500000000e+00, s13  }
0x15d: {  	[tilespmem:s30+$0xFFFFFFC0] =	vst v25;
	s5 =	smul.f32 s17, s5  }
0x15e: {  	[tilespmem:s30+$0xFFFFFFF0] =	vst v23;
	s6 =	smul.f32 s6, s13  }
0x15f: {  	s10 =	smul.f32 s10, s15;
	s5 =	sadd.f32 $1.500000000e+00, s5  }
0x160: {  	v23 =	vmul.f32 s31, v3;
	s13 =	smul.f32 s6, s14  }
0x161: {  	v25 =	vmul.f32 s11, v3;
	s5 =	smul.f32 s17, s5  }
0x162: {  	s4 =	sadd.f32 $1.500000000e+00, s4;
	v9 =	vmul.f32 v23, v9;
	v23 =	vmul.f32 s9, v3;
	s9 =	smul.f32 s13, s6  }
0x163: {  	v26 =	vmul.f32 s1, v3;
	v25 =	vmul.f32 v25, v10;
	s1 =	smul.f32 s5, s0  }
0x164: {  	v27 =	vmul.f32 s16, v3;
	s4 =	smul.f32 s4, s23;
	v23 =	vmul.f32 v23, v12;
	s9 =	sadd.f32 $1.500000000e+00, s9  }
0x165: {  	s10 =	sadd.f32 $1.500000000e+00, s10;
	v29 =	vmul.f32 s21, v3;
	v31 =	vmul.f32 s22, v3;
	s1 =	smul.f32 s1, s5  }
0x166: {  	v10 =	vmul.f32 s4, v2;
	v12 =	vmul.f32 s4, v1;
	s6 =	smul.f32 s9, s6  }
0x167: {  	v34 =	vmul.f32 s18, v3;
	v35 =	vmul.f32 s4, v0;
	s9 =	smul.f32 s10, s15;
	s1 =	sadd.f32 $1.500000000e+00, s1  }
0x168: {  	v26 =	vsub.f32 v7, v26;
	v17 =	vmul.f32 v10, v17;
	v10 =	vmul.f32 v12, v15;
	s10 =	smul.f32 s6, s14  }
0x169: {  	v15 =	vsub.f32 v7, v27;
	v27 =	vmul.f32 s9, v2;
	v36 =	vmul.f32 s9, v1;
	s5 =	smul.f32 s1, s5  }
0x16a: {  	v26 =	vadd.f32 v26, v9;
	v12 =	vmul.f32 v35, v14;
	v9 =	vmul.f32 s9, v0;
	s1 =	smul.f32 s10, s6  }
0x16b: {  	v25 =	vadd.f32 v15, v25;
	v14 =	vmul.f32 v27, v22;
	v15 =	vmul.f32 v36, v20;
	s10 =	smul.f32 s5, s0  }
0x16c: {  	v20 =	vsub.f32 v7, v29;
	v22 =	vmul.f32 v31, v11;
	v11 =	vmul.f32 v9, v18;
	s0 =	smul.f32 s4, s2;
	s1 =	sadd.f32 $1.500000000e+00, s1  }
0x16d: {  	v9 =	vsub.f32 v7, v34;
	v18 =	vmul.f32 s4, v3;
	v27 =	vmul.f32 s9, v3;
	s2 =	smul.f32 s10, s5  }
0x16e: {  	v20 =	vadd.f32 v20, v23;
	v23 =	vmul.f32 s0, v3;
	v29 =	vmul.f32 s0, v2;
	s4 =	smul.f32 s1, s6  }
0x16f: {  	v22 =	vadd.f32 v9, v22;
	v18 =	vmul.f32 v18, v13;
	v16 =	vmul.f32 v27, v16;
	s1 =	smul.f32 s9, s12;
	s6 =	sadd.f32 $1.500000000e+00, s2  }
0x170: {  	v23 =	vsub.f32 v7, v23;
	s2 =	smul.f32 s4, s8;
	v27 =	vmul.f32 s4, v2;
	v31 =	vmul.f32 s4, v1  }
0x171: {  	v13 =	vsub.f32 v6, v29;
	v29 =	vmul.f32 s1, v3;
	v9 =	vmul.f32 s4, v0;
	s5 =	smul.f32 s6, s5  }
0x172: {  	v18 =	vadd.f32 v23, v18;
	v23 =	vmul.f32 s4, v3;
	v34 =	vmul.f32 s2, v3  }
0x173: {  	v29 =	vsub.f32 v7, v29;
	s3 =	smul.f32 s5, s3;
	v35 =	vmul.f32 s5, v2;
	v36 =	vmul.f32 s5, v1  }
0x174: {  	v23 =	vmul.f32 v23, v30;
	v30 =	vmul.f32 s5, v0;
	[tilespmem:s30+$0xFFFFFF10] =	vst v26;
	v26 =	vsub.f32 v7, v34  }
0x175: {  	v16 =	vadd.f32 v29, v16;
	[tilespmem:s30+$0xFFFFFF50] =	vst v25;
	v25 =	vmul.f32 s5, v3;
	v29 =	vmul.f32 s3, v3  }
0x176: {  	[tilespmem:s30+$0xFFFFFF90] =	vst v20;
	v20 =	vadd.f32 v26, v23;
	v23 =	vmul.f32 s3, v2;
	v26 =	vmul.f32 v35, v32  }
0x177: {  	[tilespmem:s30+$0xFFFFFFD0] =	vst v22;
	v22 =	vsub.f32 v7, v29;
	v25 =	vmul.f32 v25, v33;
	v29 =	vmul.f32 s3, v1  }
.Ltmp0:
0x178: {  	v28 =	vmul.f32 v36, v28;
	[tilespmem:s30+$0x10] =	vst v18;
	v18 =	vmul.f32 s3, v0;
	v23 =	vsub.f32 v6, v23;
	(pc) =	sbr.rel @p0 .LBB2_3-.Ltmp0, $4  }
0x179: {  	v24 =	vmul.f32 v30, v24;
	[tilespmem:s30+$0x50] =	vst v16;
	v22 =	vadd.f32 v22, v25;
	v25 =	vsub.f32 v5, v29  }
0x17a: {  	[tilespmem:s30+$0x90] =	vst v20;
	v20 =	vmul.f32 s2, v2;
	v29 =	vsub.f32 v4, v18;
	v23 =	vadd.f32 v23, v26  }
0x17b: {  	v16 =	vmul.f32 v27, v21;
	v21 =	vmul.f32 s2, v1;
	[tilespmem:s30+$0xD0] =	vst v22;
	v22 =	vadd.f32 v25, v28  }
0x17c: {  	v18 =	vmul.f32 v31, v19;
	s30 =	sadd.s32 $0x200, s30;
	v20 =	vsub.f32 v6, v20;
	v19 =	vadd.f32 v29, v24;
	[tilespmem:s26+$0xE0] =	vst v23  }
0x17d: {  	v3 =	vmul.f32 s2, v0;
	v7 =	vmul.f32 v9, v8  }
0x17e: {  	v8 =	vsub.f32 v5, v21;
	v2 =	vmul.f32 s1, v2;
	v9 =	vmul.f32 s1, v1  }
0x17f: {  	[tilespmem:s26+$0xF0] =	vst v22;
	v1 =	vmul.f32 s0, v1;
	v16 =	vadd.f32 v20, v16;
	v3 =	vsub.f32 v4, v3  }
0x180: {  	[tilespmem:s26+$0xC0] =	vst v19;
	v19 =	vmul.f32 s1, v0;
	v8 =	vadd.f32 v8, v18;
	v2 =	vsub.f32 v6, v2  }
0x181: {  	v0 =	vmul.f32 s0, v0;
	v6 =	vsub.f32 v5, v9;
	[tilespmem:s26+$0xA0] =	vst v16;
	v3 =	vadd.f32 v3, v7  }
0x182: {  	v1 =	vsub.f32 v5, v1;
	[tilespmem:s26+$0xB0] =	vst v8;
	v2 =	vadd.f32 v2, v14  }
0x183: {  	v0 =	vsub.f32 v4, v0;
	v6 =	vadd.f32 v6, v15;
	[tilespmem:s26+$0x80] =	vst v3  }
0x184: {  	v7 =	vsub.f32 v4, v19;
	v1 =	vadd.f32 v1, v10;
	[tilespmem:s26+$0x60] =	vst v2  }
0x185: {  	s1 =	rddreg [dreg:$0x5];
	v0 =	vadd.f32 v0, v12;
	[tilespmem:s26+$0x70] =	vst v6  }
0x186: {  	s0 =	sadd.s32 s1, s28;
	v3 =	vadd.f32 v7, v11;
	[tilespmem:s26+$0x30] =	vst v1  }
0x187: {  	s0 =	smul.u32 $0x640, s0;
	v2 =	vadd.f32 v13, v17;
	[tilespmem:s26+$0x0] =	vst v0  }
0x188: {  	s31 =	smov.u32 s19;
	s2 =	simm.s32 $0x6400;
	[tilespmem:s26+$0x40] =	vst v3  }
0x189: {  	p0 =	seq.s32 s24, $0x3F;
	s0 =	sadd.s32 s19, s0;
	s19 =	simm.s32 $0x0;
	[tilespmem:s26+$0x20] =	vst v2  }
0x18a: {  	[hbm4b:s0+s19] =	stream.linear.scatter [tilespmem:s2], [sflag:$0x3], $0x3200, $0x38;
	[tilespmem:$0xC880] =	vst v63  }
0x18b: {  	s0 =	simm.s32 @!p0 $0x3  }
0x18c: {  	s1 =	smul.u32 @!p0 $0x640, s24;
	_ =	swait.ge @!p0 [sflag:s0], $0x3200  }
0x18d: {  	[sflag:s0] =	ssyncset.done @!p0 $0x0  }
0x18e: {  	[sflag:s0] =	ssyncadd.s32 @!p0 $0xFFFFCE00;
	s0 =	sshra.s32 @!p0 s1, $0x2  }
0x18f: {  	s3 =	simm.s32 @!p0 $0x6400;
	s2 =	simm.s32 @!p0 $0x80;
	s1 =	sadd.s32 @!p0 $0x190, s0  }
0x190: {  	[tilespmem:s3], [sflag:$0x1] =	stream.indirect.gather @!p0 [hbm4b:s7+s2], $0x40, s1, s2, $0xb8;
	[tilespmem:$0xC880] =	vst v63  }
0x191: {  	s0 =	sadd.s32 @!p0 $0x210, s0;
	s1 =	simm.s32 @!p0 $0x48;
	s2 =	simm.s32 @!p0 $0x8400  }
0x192: {  	[tilespmem:s2], [sflag:$0x1] =	stream.indirect.gather @!p0 [hbm4b:s7+s1], $0x40, s0, s1, $0xb8;
	[tilespmem:$0xC880] =	vst v63  }
0x193: {  	_ =	swait.ge [sflag:s20], $0x2000  }
0x194: {  	[sflag:s20] =	ssyncset.done $0x0  }
0x195: {  	[sflag:s20] =	ssyncadd.s32 $0xFFFFE000  }
0x196: {  	_ =	swait.ge [sflag:s20], $0x1200  }
0x197: {  	[sflag:s20] =	ssyncset.done $0x0  }
0x198: {  	s26 =	simm.s32 $0x9700;
	[sflag:s20] =	ssyncadd.s32 $0xFFFFEE00  }
0x199: {  	v21 =	vld [tilespmem:s26+$0xFFFFFF00]  }
0x19a: {  	v25 =	vld [tilespmem:s26+$0xFFFFFF30]  }
0x19b: {  	v27 =	vld [tilespmem:s26+$0xFFFFFF20]  }
0x19c: {  	v9 =	vld [tilespmem:s26+$0xFFFFFF10];
	_ =	sdelay $0x1  }
0x19d: {  	v20 =	vld [tilespmem:s26+$0xFFFFFF40]  }
0x19e: {  	v23 =	vld [tilespmem:s26+$0xFFFFFF70]  }
0x19f: {  	v28 =	vld [tilespmem:s26+$0xFFFFFF60];
	v0 =	vmul.f32 v21, v21;
	v1 =	vmul.f32 v25, v25  }
0x1a0: {  	v10 =	vld [tilespmem:s26+$0xFFFFFF50];
	v2 =	vmul.f32 v27, v27;
	v3 =	vmul.f32 v9, v9  }
0x1a1: {  	v4 =	vadd.f32 v9, v21;
	v5 =	vadd.f32 v25, v27  }
0x1a2: {  	v0 =	vadd.f32 v3, v0;
	v1 =	vadd.f32 v1, v2  }
0x1a3: {  	v2 =	vadd.f32 v5, v4  }
0x1a4: {  	v3 =	vmul.f32 v23, v23;
	v4 =	vmul.f32 v28, v28;
	v0 =	vadd.f32 v1, v0  }
0x1a5: {  	v1 =	vmul.f32 v20, v20;
	(xrf2) =	vadd.scan.msk.f32 $0xffff, v2;
	v2 =	vmul.f32 v10, v10  }
0x1a6: {  	v5 =	vadd.f32 v23, v28;
	(xrf2) =	vadd.scan.msk.f32 $0xffff, v0;
	v0 =	vadd.f32 v10, v20  }
0x1a7: {  	v1 =	vadd.f32 v2, v1;
	v2 =	vadd.f32 v3, v4  }
0x1a8: {  	v0 =	vadd.f32 v5, v0  }
0x1a9: {  	v1 =	vadd.f32 v2, v1  }
0x1aa: {  	(xrf2) =	vadd.scan.msk.f32 $0xffff, v0  }
0x1ab: {  	(xrf2) =	vadd.scan.msk.f32 $0xffff, v1;
	_ =	sdelay $0x2  }
0x1ac: {  	v7 =	vld [tilespmem:s26+$0xFFFFFF80]  }
0x1ad: {  	v14 =	vld [tilespmem:s26+$0xFFFFFFB0];
	v0, _, _ =	vpop (xrf2)  }
0x1ae: {  	v17 =	vld [tilespmem:s26+$0xFFFFFFA0];
	(v2sf) =	vpush v0, $0xF;
	v0, _, _ =	vpop (xrf2)  }
0x1af: {  	v12 =	vld [tilespmem:s26+$0xFFFFFF90];
	(v2sf) =	vpush v0, $0xF;
	_ =	sdelay $0x2  }
0x1b0: {  	v0, _, _ =	vpop (xrf2)  }
0x1b1: {  	v15 =	vld [tilespmem:s26+$0xFFFFFFF0];
	v3 =	vmul.f32 v17, v17;
	v2 =	vmul.f32 v14, v14;
	(v2sf) =	vpush v0, $0xF;
	v0, _, _ =	vpop (xrf2)  }
0x1b2: {  	v22 =	vld [tilespmem:s26+$0xFFFFFFC0];
	v1 =	vmul.f32 v7, v7;
	(v2sf) =	vpush v0, $0xF;
	v0 =	vmul.f32 v12, v12  }
0x1b3: {  	v11 =	vld [tilespmem:s26+$0xFFFFFFD0];
	v4 =	vadd.f32 v12, v7;
	v5 =	vadd.f32 v14, v17  }
0x1b4: {  	v24 =	vld [tilespmem:s26+$0xFFFFFFE0];
	v0 =	vadd.f32 v0, v1;
	v1 =	vadd.f32 v2, v3  }
0x1b5: {  	v2 =	vadd.f32 v5, v4  }
0x1b6: {  	v0 =	vadd.f32 v1, v0  }
0x1b7: {  	(xrf2) =	vadd.scan.msk.f32 $0xffff, v2  }
0x1b8: {  	v4 =	vadd.f32 v11, v22;
	(xrf2) =	vadd.scan.msk.f32 $0xffff, v0  }
0x1b9: {  	v5 =	vadd.f32 v15, v24;
	v1 =	vmul.f32 v22, v22;
	v2 =	vmul.f32 v11, v11  }
0x1ba: {  	v3 =	vmul.f32 v24, v24;
	v0 =	vmul.f32 v15, v15  }
0x1bb: {  	v1 =	vadd.f32 v2, v1;
	v2 =	vadd.f32 v5, v4;
	s3 =	spop (v2sf)  }
0x1bc: {  	v0 =	vadd.f32 v0, v3;
	s0 =	smul.f32 $1.562500000e-02, s3;
	s4 =	spop (v2sf)  }
0x1bd: {  	(xrf2) =	vadd.scan.msk.f32 $0xffff, v2;
	s1 =	smul.f32 $1.562500000e-02, s4  }
0x1be: {  	v0 =	vadd.f32 v0, v1;
	s5 =	smul.f32 s0, s0;
	_ =	sdelay $0x1  }
0x1bf: {  	s2 =	ssub.f32 s1, s5;
	s6 =	spop (v2sf)  }
0x1c0: {  	v1, _, _ =	vpop (xrf2);
	s1 =	smul.f32 $1.562500000e-02, s6;
	s8 =	spop (v2sf)  }
0x1c1: {  	(xrf2) =	vadd.scan.msk.f32 $0xffff, v0;
	s2 =	sadd.f32 $9.999999740e-06, s2;
	(v2sf) =	vpush v1, $0xF;
	s3 =	smul.f32 $1.562500000e-02, s8;
	v0, _, _ =	vpop (xrf2)  }
0x1c2: {  	s4 =	smul.f32 s1, s1;
	(v2sf) =	vpush v0, $0xF  }
0x1c3: {  	s5 =	smul.f32 $-5.000000000e-01, s2;
	s2 =	sshrl.u32 s2, $0x1  }
0x1c4: {  	s2 =	ssub.s32 $0x5F3759DF, s2;
	s3 =	ssub.f32 s3, s4  }
0x1c5: {  	v18 =	vld [tilespmem:s26+$0x0];
	s9 =	smul.f32 s2, s5  }
0x1c6: {  	v29 =	vld [tilespmem:s26+$0x30];
	v0, _, _ =	vpop (xrf2);
	s3 =	sadd.f32 $9.999999740e-06, s3  }
0x1c7: {  	v13 =	vld [tilespmem:s26+$0x10];
	(v2sf) =	vpush v0, $0xF;
	s4 =	smul.f32 s2, s9  }
0x1c8: {  	v31 =	vld [tilespmem:s26+$0x20];
	s6 =	sshrl.u32 s3, $0x1;
	s8 =	smul.f32 $-5.000000000e-01, s3  }
0x1c9: {  	s10 =	sadd.f32 $1.500000000e+00, s4;
	s11 =	ssub.s32 $0x5F3759DF, s6  }
0x1ca: {  	s6 =	smul.f32 s11, s8  }
0x1cb: {  	v0, _, _ =	vpop (xrf2);
	s2 =	smul.f32 s2, s10  }
0x1cc: {  	v4 =	vadd.f32 v13, v18;
	(v2sf) =	vpush v0, $0xF;
	s12 =	smul.f32 s11, s6  }
0x1cd: {  	v30 =	vld [tilespmem:s26+$0x40];
	v5 =	vadd.f32 v29, v31;
	v2 =	vmul.f32 v13, v13;
	v0 =	vmul.f32 v18, v18;
	s13 =	smul.f32 s2, s5  }
0x1ce: {  	v32 =	vld [tilespmem:s26+$0x70];
	v3 =	vmul.f32 v31, v31;
	v1 =	vmul.f32 v29, v29;
	s3 =	sadd.f32 $1.500000000e+00, s12  }
0x1cf: {  	v34 =	vld [tilespmem:s26+$0x60];
	v0 =	vadd.f32 v2, v0;
	v2 =	vadd.f32 v5, v4;
	s6 =	smul.f32 s13, s2  }
0x1d0: {  	v16 =	vld [tilespmem:s26+$0x50];
	v1 =	vadd.f32 v1, v3;
	s14 =	spop (v2sf);
	s4 =	smul.f32 s11, s3  }
0x1d1: {  	(xrf2) =	vadd.scan.msk.f32 $0xffff, v2;
	s3 =	smul.f32 $1.562500000e-02, s14;
	s9 =	spop (v2sf)  }
0x1d2: {  	v0 =	vadd.f32 v1, v0;
	s6 =	sadd.f32 $1.500000000e+00, s6;
	s9 =	smul.f32 $1.562500000e-02, s9  }
0x1d3: {  	s10 =	smul.f32 s3, s3  }
0x1d4: {  	(xrf2) =	vadd.scan.msk.f32 $0xffff, v0;
	s6 =	smul.f32 s6, s2  }
0x1d5: {  	v3 =	vmul.f32 v34, v34;
	v4 =	vadd.f32 v16, v30;
	v1 =	vmul.f32 v32, v32;
	s15 =	smul.f32 s4, s8  }
0x1d6: {  	v5 =	vadd.f32 v32, v34;
	v2 =	vmul.f32 v16, v16;
	v0 =	vmul.f32 v30, v30;
	s16 =	spop (v2sf);
	s5 =	smul.f32 s6, s5  }
0x1d7: {  	v1 =	vadd.f32 v1, v3;
	s9 =	ssub.f32 s9, s10;
	s11 =	smul.f32 s15, s4  }
0x1d8: {  	v0 =	vadd.f32 v2, v0;
	v2 =	vadd.f32 v5, v4;
	s2 =	smul.f32 $1.562500000e-02, s16  }
0x1d9: {  	s9 =	sadd.f32 $9.999999740e-06, s9;
	s5 =	smul.f32 s5, s6  }
0x1da: {  	v0 =	vadd.f32 v1, v0;
	(xrf2) =	vadd.scan.msk.f32 $0xffff, v2;
	s17 =	smul.f32 s2, s2  }
0x1db: {  	s10 =	smul.f32 $-5.000000000e-01, s9;
	s9 =	sshrl.u32 s9, $0x1;
	v1, _, _ =	vpop (xrf2);
	s12 =	spop (v2sf)  }
0x1dc: {  	s11 =	sadd.f32 $1.500000000e+00, s11;
	s14 =	ssub.s32 $0x5F3759DF, s9;
	(v2sf) =	vpush v1, $0xF;
	s13 =	smul.f32 $1.562500000e-02, s12  }
0x1dd: {  	(xrf2) =	vadd.scan.msk.f32 $0xffff, v0;
	s5 =	sadd.f32 $1.500000000e+00, s5;
	s15 =	smul.f32 s14, s10  }
0x1de: {  	v0, _, _ =	vpop (xrf2);
	s12 =	smul.f32 s11, s4;
	s18 =	ssub.f32 s13, s17  }
0x1df: {  	(v2sf) =	vpush v0, $0xF;
	s21 =	smul.f32 s14, s15  }
0x1e0: {  	s9 =	smul.f32 s5, s6;
	s4 =	sadd.f32 $9.999999740e-06, s18  }
0x1e1: {  	v8 =	vld [tilespmem:s26+$0x80];
	s8 =	smul.f32 s12, s8;
	s22 =	sadd.f32 $1.500000000e+00, s21  }
0x1e2: {  	v26 =	vld [tilespmem:s26+$0xA0];
	s23 =	sshrl.u32 s4, $0x1;
	s11 =	smul.f32 $-5.000000000e-01, s4  }
0x1e3: {  	v36 =	vld [tilespmem:s26+$0x90];
	s30 =	smul.f32 s14, s22;
	s14 =	ssub.s32 $0x5F3759DF, s23  }
0x1e4: {  	v19 =	vld [tilespmem:s26+$0xB0];
	v0, _, _ =	vpop (xrf2);
	s6 =	smul.f32 s14, s11  }
0x1e5: {  	(v2sf) =	vpush v0, $0xF;
	s15 =	smul.f32 s30, s10  }
0x1e6: {  	v33 =	vld [tilespmem:s26+$0xC0];
	s6 =	smul.f32 s14, s6  }
0x1e7: {  	v35 =	vld [tilespmem:s26+$0xF0];
	v3 =	vmul.f32 v26, v26;
	v0, _, _ =	vpop (xrf2);
	s13 =	smul.f32 s15, s30  }
0x1e8: {  	v37 =	vld [tilespmem:s26+$0xE0];
	v1 =	vmul.f32 v8, v8;
	s16 =	smul.f32 s8, s12;
	(v2sf) =	vpush v0, $0xF;
	v0 =	vmul.f32 v36, v36;
	s6 =	sadd.f32 $1.500000000e+00, s6  }
0x1e9: {  	v38 =	vld [tilespmem:s26+$0xD0];
	v4 =	vadd.f32 v36, v8;
	v5 =	vadd.f32 v19, v26;
	v2 =	vmul.f32 v19, v19;
	s8 =	smul.f32 s9, s0;
	s17 =	sadd.f32 $1.500000000e+00, s13  }
0x1ea: {  	v0 =	vadd.f32 v0, v1;
	s5 =	smul.f32 s14, s6  }
0x1eb: {  	v1 =	vadd.f32 v2, v3;
	v2 =	vadd.f32 v5, v4;
	s14 =	smul.f32 s17, s30;
	s21 =	spop (v2sf)  }
0x1ec: {  	s0 =	smul.f32 $1.562500000e-02, s21  }
0x1ed: {  	v6 =	vmul.f32 v37, v37;
	v0 =	vadd.f32 v1, v0;
	(xrf2) =	vadd.scan.msk.f32 $0xffff, v2;
	s18 =	smul.f32 s5, s11  }
0x1ee: {  	v3 =	vadd.f32 v35, v37;
	v4 =	vmul.f32 v35, v35;
	v2 =	vadd.f32 v38, v33;
	s22 =	spop (v2sf);
	s10 =	smul.f32 s14, s10  }
0x1ef: {  	v5 =	vmul.f32 v38, v38;
	v1 =	vmul.f32 v33, v33;
	(xrf2) =	vadd.scan.msk.f32 $0xffff, v0;
	s6 =	smul.f32 $1.562500000e-02, s22  }
0x1f0: {  	s23 =	sadd.f32 $1.500000000e+00, s16;
	v0 =	vadd.f32 v3, v2;
	s30 =	smul.f32 s0, s0  }
0x1f1: {  	v1 =	vadd.f32 v5, v1;
	v2 =	vadd.f32 v4, v6;
	s4 =	smul.f32 s18, s5  }
0x1f2: {  	(xrf2) =	vadd.scan.msk.f32 $0xffff, v0;
	s18 =	smul.f32 s23, s12;
	s6 =	ssub.f32 s6, s30  }
0x1f3: {  	v0 =	vadd.f32 v2, v1;
	s30 =	smul.f32 s10, s14;
	s4 =	sadd.f32 $1.500000000e+00, s4  }
0x1f4: {  	s16 =	smul.f32 s18, s1;
	s13 =	spop (v2sf)  }
0x1f5: {  	(xrf2) =	vadd.scan.msk.f32 $0xffff, v0;
	s6 =	sadd.f32 $9.999999740e-06, s6;
	s1 =	smul.f32 $1.562500000e-02, s13  }
0x1f6: {  	s4 =	smul.f32 s4, s5  }
0x1f7: {  	s22 =	smul.f32 $-5.000000000e-01, s6;
	v0, _, _ =	vpop (xrf2)  }
0x1f8: {  	s6 =	sshrl.u32 s6, $0x1;
	s17 =	smul.f32 s1, s1;
	s15 =	spop (v2sf);
	(v2sf) =	vpush v0, $0xF  }
0x1f9: {  	s6 =	ssub.s32 $0x5F3759DF, s6;
	s5 =	smul.f32 $1.562500000e-02, s15;
	v1, _, _ =	vpop (xrf2)  }
0x1fa: {  	s13 =	sadd.f32 $1.500000000e+00, s30;
	s21 =	smul.f32 s6, s22;
	(v2sf) =	vpush v1, $0xF  }
0x1fb: {  	s11 =	smul.f32 s4, s11;
	s5 =	ssub.f32 s5, s17  }
0x1fc: {  	s23 =	smul.f32 s6, s21;
	v0, _, _ =	vpop (xrf2)  }
0x1fd: {  	s13 =	smul.f32 s13, s14;
	(v2sf) =	vpush v0, $0xF;
	s5 =	sadd.f32 $9.999999740e-06, s5  }
0x1fe: {  	s11 =	smul.f32 s11, s4;
	s12 =	sadd.f32 $1.500000000e+00, s23  }
0x1ff: {  	v0, _, _ =	vpop (xrf2);
	s17 =	sshrl.u32 s5, $0x1;
	s10 =	smul.f32 $-5.000000000e-01, s5  }
0x200: {  	(v2sf) =	vpush v0, $0xF;
	s5 =	smul.f32 s6, s12;
	s21 =	ssub.s32 $0x5F3759DF, s17  }
0x201: {  	s23 =	smul.f32 s21, s10  }
0x202: {  	s11 =	sadd.f32 $1.500000000e+00, s11;
	s30 =	smul.f32 s5, s22  }
0x203: {  	s12 =	smul.f32 s21, s23  }
0x204: {  	s23 =	smul.f32 s11, s4  }
0x205: {  	s14 =	smul.f32 s30, s5;
	s12 =	sadd.f32 $1.500000000e+00, s12  }
0x206: {  	s2 =	smul.f32 s23, s2  }
0x207: {  	s4 =	smul.f32 s21, s12;
	s17 =	spop (v2sf)  }
0x208: {  	v3 =	vld [tilespmem:$0xC810];
	s12 =	smul.f32 $1.562500000e-02, s17  }
0x209: {  	v2 =	vld [tilespmem:$0xC820];
	s21 =	spop (v2sf);
	s15 =	smul.f32 s4, s10  }
0x20a: {  	s14 =	sadd.f32 $1.500000000e+00, s14;
	s6 =	smul.f32 $1.562500000e-02, s21  }
0x20b: {  	s30 =	smul.f32 s12, s12  }
0x20c: {  	s5 =	smul.f32 s14, s5;
	s17 =	spop (v2sf)  }
0x20d: {  	v5 =	vld [tilespmem:$0xC860];
	v45 =	vmul.f32 s9, v3;
	v46 =	vmul.f32 s18, v3;
	s15 =	smul.f32 s15, s4;
	s6 =	ssub.f32 s6, s30  }
0x20e: {  	v39 =	vmul.f32 s9, v2;
	v42 =	vmul.f32 s18, v2;
	v1 =	vld [tilespmem:$0xC830];
	s11 =	smul.f32 $1.562500000e-02, s17  }
0x20f: {  	v51 =	vmul.f32 s8, v2;
	v60 =	vmul.f32 s16, v2;
	s21 =	spop (v2sf);
	s6 =	sadd.f32 $9.999999740e-06, s6  }
0x210: {  	v9 =	vmul.f32 v45, v9;
	v27 =	vmul.f32 v39, v27;
	v0 =	vld [tilespmem:$0xC800];
	s17 =	smul.f32 $1.562500000e-02, s21  }
0x211: {  	v28 =	vmul.f32 v42, v28;
	v42 =	vmul.f32 s8, v3;
	s28 =	sshrl.u32 s6, $0x1;
	s21 =	smul.f32 $-5.000000000e-01, s6  }
0x212: {  	v57 =	vsub.f32 v5, v51;
	v51 =	vmul.f32 s16, v3;
	v47 =	vmul.f32 s13, v2;
	s6 =	smul.f32 s11, s11;
	s28 =	ssub.s32 $0x5F3759DF, s28  }
0x213: {  	v6 =	vld [tilespmem:$0xC870];
	v50 =	vmul.f32 s13, v3;
	v40 =	vmul.f32 s9, v1;
	s30 =	smul.f32 s28, s21  }
0x214: {  	v43 =	vmul.f32 s18, v1;
	v48 =	vmul.f32 s13, v1;
	s6 =	ssub.f32 s17, s6;
	s17 =	smul.f32 s13, s3  }
0x215: {  	v41 =	vmul.f32 s9, v0;
	v49 =	vmul.f32 s13, v0;
	s13 =	sadd.f32 $1.500000000e+00, s15;
	s9 =	smul.f32 s28, s30  }
0x216: {  	v59 =	vmul.f32 s8, v1;
	v44 =	vmul.f32 s18, v0;
	s18 =	sadd.f32 $9.999999740e-06, s6;
	s30 =	smul.f32 s5, s22  }
0x217: {  	v4 =	vld [tilespmem:$0xC840];
	v17 =	vmul.f32 v47, v17;
	v61 =	vmul.f32 s16, v1;
	s15 =	sadd.f32 $1.500000000e+00, s9;
	s9 =	smul.f32 s13, s4  }
0x218: {  	v25 =	vmul.f32 v40, v25;
	v23 =	vmul.f32 v43, v23;
	v39 =	vsub.f32 v6, v59;
	s3 =	smul.f32 $-5.000000000e-01, s18  }
0x219: {  	v43 =	vsub.f32 v6, v61;
	v14 =	vmul.f32 v48, v14;
	v61 =	vmul.f32 v46, v10;
	s13 =	sshrl.u32 s18, $0x1;
	s6 =	smul.f32 s30, s5  }
0x21a: {  	v27 =	vadd.f32 v57, v27;
	v58 =	vmul.f32 s8, v0;
	v62 =	vmul.f32 s16, v0;
	s8 =	ssub.s32 $0x5F3759DF, s13;
	s4 =	smul.f32 s28, s15  }
0x21b: {  	v25 =	vadd.f32 v39, v25;
	v23 =	vadd.f32 v43, v23;
	v21 =	vmul.f32 v41, v21;
	s14 =	smul.f32 s8, s3  }
0x21c: {  	v20 =	vmul.f32 v44, v20;
	v40 =	vsub.f32 v4, v58;
	v53 =	vmul.f32 s23, v0;
	s10 =	smul.f32 s9, s10  }
0x21d: {  	v41 =	vsub.f32 v5, v60;
	v54 =	vmul.f32 s23, v2;
	v56 =	vmul.f32 s23, v1;
	s13 =	smul.f32 s8, s14  }
0x21e: {  	v44 =	vsub.f32 v4, v62;
	v58 =	vmul.f32 s23, v3;
	v7 =	vmul.f32 v49, v7;
	s6 =	sadd.f32 $1.500000000e+00, s6;
	s15 =	smul.f32 s4, s21  }
0x21f: {  	v62 =	vmul.f32 v50, v12;
	v21 =	vadd.f32 v40, v21;
	v52 =	vmul.f32 s17, v1;
	s10 =	smul.f32 s10, s9  }
0x220: {  	v28 =	vadd.f32 v41, v28;
	v20 =	vadd.f32 v44, v20;
	v63 =	vmul.f32 s17, v2;
	s5 =	smul.f32 s6, s5;
	s13 =	sadd.f32 $1.500000000e+00, s13  }
0x221: {  	v22 =	vmul.f32 v53, v22;
	v24 =	vmul.f32 v54, v24;
	v53 =	vsub.f32 v6, v52;
	s14 =	smul.f32 s15, s4  }
0x222: {  	v15 =	vmul.f32 v56, v15;
	v55 =	vmul.f32 s17, v0;
	v49 =	vsub.f32 v5, v63;
	s8 =	smul.f32 s8, s13  }
0x223: {  	v56 =	vmul.f32 s2, v2;
	v40 =	vadd.f32 v53, v14;
	v14 =	vmul.f32 s2, v0;
	s0 =	smul.f32 s5, s0;
	s16 =	sadd.f32 $1.500000000e+00, s14  }
0x224: {  	v60 =	vmul.f32 s2, v3;
	v39 =	vadd.f32 v49, v17;
	v17 =	vsub.f32 v4, v55;
	s18 =	smul.f32 s8, s3  }
0x225: {  	v41 =	vsub.f32 v5, v56;
	v57 =	vmul.f32 s17, v3;
	v14 =	vsub.f32 v4, v14;
	s4 =	smul.f32 s16, s4  }
0x226: {  	v59 =	vadd.f32 v17, v7;
	v17 =	vmul.f32 s2, v1;
	v7 =	vld [tilespmem:$0xC850];
	[tilespmem:s26+$0xFFFFFF70] =	vst v23;
	v23 =	vmul.f32 v58, v11;
	s17 =	sadd.f32 $1.500000000e+00, s10;
	s2 =	smul.f32 s18, s8  }
0x227: {  	v10 =	vmul.f32 s5, v2;
	v22 =	vadd.f32 v14, v22;
	v14 =	vmul.f32 s5, v1;
	s22 =	smul.f32 s4, s21  }
0x228: {  	v17 =	vsub.f32 v6, v17;
	v63 =	vmul.f32 s5, v0;
	v49 =	vmul.f32 s5, v3;
	s6 =	smul.f32 s17, s9;
	s2 =	sadd.f32 $1.500000000e+00, s2  }
0x229: {  	v24 =	vadd.f32 v41, v24;
	v12 =	vmul.f32 v10, v31;
	v10 =	vmul.f32 v14, v29;
	s9 =	smul.f32 s22, s4  }
0x22a: {  	[tilespmem:s26+$0xFFFFFF40] =	vst v20;
	v47 =	vadd.f32 v17, v15;
	v14 =	vmul.f32 v63, v18;
	v20 =	vmul.f32 s0, v3;
	s8 =	smul.f32 s2, s8  }
0x22b: {  	[tilespmem:s26+$0xFFFFFF20] =	vst v27;
	v56 =	vmul.f32 s0, v2;
	v29 =	vmul.f32 v49, v13;
	v17 =	vsub.f32 v7, v42;
	s23 =	sadd.f32 $1.500000000e+00, s9  }
0x22c: {  	[tilespmem:s26+$0xFFFFFF00] =	vst v21;
	v21 =	vsub.f32 v7, v51;
	v51 =	vsub.f32 v7, v60;
	v15 =	vmul.f32 s6, v2;
	s3 =	smul.f32 s8, s3  }
0x22d: {  	[tilespmem:s26+$0xFFFFFF30] =	vst v25;
	v48 =	vmul.f32 s6, v1;
	v18 =	vmul.f32 s6, v0;
	v20 =	vsub.f32 v7, v20;
	s2 =	smul.f32 s23, s4  }
0x22e: {  	[tilespmem:s26+$0xFFFFFF60] =	vst v28;
	v13 =	vsub.f32 v5, v56;
	v50 =	vadd.f32 v17, v9;
	v17 =	vmul.f32 v15, v34;
	s3 =	smul.f32 s3, s8  }
0x22f: {  	[tilespmem:s26+$0xFFFFFFA0] =	vst v39;
	v9 =	vsub.f32 v7, v57;
	v11 =	vmul.f32 v18, v30;
	v18 =	vmul.f32 s6, v3  }
0x230: {  	[tilespmem:s26+$0xFFFFFFB0] =	vst v40;
	s1 =	smul.f32 s6, s1;
	v21 =	vadd.f32 v21, v61;
	v52 =	vmul.f32 s2, v2;
	v53 =	vmul.f32 s2, v1;
	s3 =	sadd.f32 $1.500000000e+00, s3  }
0x231: {  	[tilespmem:s26+$0xFFFFFFE0] =	vst v24;
	v54 =	vadd.f32 v9, v62;
	v9 =	vmul.f32 s2, v0;
	v55 =	vmul.f32 s2, v3;
	s2 =	smul.f32 s2, s12  }
0x232: {  	[tilespmem:s26+$0xFFFFFF80] =	vst v59;
	v23 =	vadd.f32 v51, v23;
	v16 =	vmul.f32 v18, v16;
	v18 =	vmul.f32 s1, v3;
	s3 =	smul.f32 s3, s8  }
0x233: {  	[tilespmem:s26+$0xFFFFFFC0] =	vst v22;
	v15 =	vmul.f32 v48, v32;
	v20 =	vadd.f32 v20, v29;
	v22 =	vmul.f32 s2, v3  }
0x234: {  	[tilespmem:s26+$0xFFFFFFF0] =	vst v47;
	v18 =	vsub.f32 v7, v18;
	v59 =	vmul.f32 v55, v36;
	v62 =	vmul.f32 s2, v2;
	s30 =	smul.f32 s3, s11  }
0x235: {  	[tilespmem:s26+$0xFFFFFF10] =	vst v50;
	v22 =	vsub.f32 v7, v22;
	v57 =	vmul.f32 s3, v2;
	v58 =	vmul.f32 s3, v1  }
0x236: {  	[tilespmem:s26+$0xFFFFFF50] =	vst v21;
	v16 =	vadd.f32 v18, v16;
	v18 =	vmul.f32 s3, v3;
	v21 =	vmul.f32 s30, v3  }
0x237: {  	[tilespmem:s26+$0xFFFFFFD0] =	vst v23;
	v60 =	vmul.f32 s3, v0;
	v22 =	vadd.f32 v22, v59;
	v61 =	vmul.f32 s30, v2  }
0x238: {  	[tilespmem:s26+$0x10] =	vst v20;
	v18 =	vmul.f32 v18, v38;
	v23 =	vmul.f32 s30, v1;
	v21 =	vsub.f32 v7, v21  }
0x239: {  	[tilespmem:s26+$0xFFFFFF90] =	vst v54;
	v24 =	vmul.f32 v57, v37;
	v20 =	vmul.f32 s30, v0;
	v27 =	vsub.f32 v5, v61  }
0x23a: {  	[tilespmem:s26+$0x50] =	vst v16;
	v25 =	vmul.f32 v58, v35;
	v23 =	vsub.f32 v6, v23;
	v18 =	vadd.f32 v21, v18  }
0x23b: {  	v28 =	vmul.f32 v60, v33;
	[tilespmem:s26+$0x90] =	vst v22;
	v63 =	vsub.f32 v4, v20;
	v24 =	vadd.f32 v27, v24  }
0x23c: {  	v16 =	vmul.f32 v52, v26;
	v21 =	vmul.f32 s2, v1;
	v22 =	vadd.f32 v23, v25;
	[tilespmem:s26+$0xD0] =	vst v18  }
0x23d: {  	s29 =	simm.s32 $0x9900;
	s28 =	simm.s32 $0x0;
	v20 =	vsub.f32 v5, v62;
	v18 =	vmul.f32 v53, v19;
	v19 =	vadd.f32 v63, v28;
	[tilespmem:s26+$0xE0] =	vst v24  }
.LBB2_5:
0x23e: {  	v24 =	vld [tilespmem:s29+$0xFFFFFF00];
	v23 =	vmul.f32 s2, v0;
	v8 =	vmul.f32 v9, v8;
	v9 =	vsub.f32 v6, v21;
	[tilespmem:s26+$0xF0] =	vst v22  }
0x23f: {  	v21 =	vmul.f32 s1, v2;
	v22 =	vmul.f32 s1, v1;
	v28 =	vld [tilespmem:s29+$0xFFFFFF30];
	v16 =	vadd.f32 v20, v16;
	[tilespmem:s26+$0xC0] =	vst v19  }
0x240: {  	v19 =	vmul.f32 s1, v0;
	v32 =	vld [tilespmem:s29+$0xFFFFFF20];
	v20 =	vsub.f32 v4, v23;
	v18 =	vadd.f32 v9, v18  }
0x241: {  	v23 =	vmul.f32 s0, v1;
	v21 =	vsub.f32 v5, v21;
	v22 =	vsub.f32 v6, v22;
	v9 =	vld [tilespmem:s29+$0xFFFFFF10];
	[tilespmem:s26+$0xA0] =	vst v16  }
0x242: {  	v16 =	vmul.f32 s0, v0;
	v19 =	vsub.f32 v4, v19;
	v8 =	vadd.f32 v20, v8;
	[tilespmem:s26+$0xB0] =	vst v18  }
0x243: {  	v17 =	vadd.f32 v21, v17;
	v15 =	vadd.f32 v22, v15  }
0x244: {  	v12 =	vadd.f32 v13, v12;
	v18 =	vmul.f32 v24, v24;
	v11 =	vadd.f32 v19, v11;
	[tilespmem:s26+$0x80] =	vst v8  }
0x245: {  	v13 =	vsub.f32 v4, v16;
	v16 =	vsub.f32 v6, v23;
	v8 =	vmul.f32 v28, v28;
	[tilespmem:s26+$0x60] =	vst v17  }
0x246: {  	v19 =	vadd.f32 v28, v32;
	v20 =	vmul.f32 v32, v32;
	v17 =	vadd.f32 v9, v24;
	[tilespmem:s26+$0x70] =	vst v15  }
0x247: {  	v13 =	vadd.f32 v13, v14;
	v10 =	vadd.f32 v16, v10;
	v15 =	vmul.f32 v9, v9;
	v34 =	vld [tilespmem:s29+$0xFFFFFF40];
	[tilespmem:s26+$0x40] =	vst v11  }
0x248: {  	v11 =	vadd.f32 v19, v17;
	v35 =	vld [tilespmem:s29+$0xFFFFFF70];
	[tilespmem:s26+$0x20] =	vst v12  }
0x249: {  	v8 =	vadd.f32 v8, v20;
	v12 =	vadd.f32 v15, v18;
	v36 =	vld [tilespmem:s29+$0xFFFFFF60];
	[tilespmem:s26+$0x30] =	vst v10  }
0x24a: {  	v10 =	vld [tilespmem:s29+$0xFFFFFF50];
	(xrf2) =	vadd.scan.msk.f32 $0xffff, v11;
	[tilespmem:s26+$0x0] =	vst v13;
	s26 =	smov.u32 s29  }
0x24b: {  	v8 =	vadd.f32 v8, v12;
	_ =	sdelay $0x1  }
0x24c: {  	(xrf2) =	vadd.scan.msk.f32 $0xffff, v8  }
0x24d: {  	v8 =	vmul.f32 v34, v34  }
0x24e: {  	v13 =	vmul.f32 v35, v35;
	v12 =	vadd.f32 v35, v36;
	v11 =	vadd.f32 v10, v34  }
0x24f: {  	v15 =	vmul.f32 v36, v36;
	v14 =	vmul.f32 v10, v10  }
0x250: {  	v16 =	vadd.f32 v12, v11  }
0x251: {  	v8 =	vadd.f32 v14, v8;
	v12 =	vadd.f32 v13, v15  }
0x252: {  	(xrf2) =	vadd.scan.msk.f32 $0xffff, v16  }
0x253: {  	v12 =	vadd.f32 v12, v8;
	v11, _, _ =	vpop (xrf2);
	_ =	sdelay $0x1  }
0x254: {  	(xrf2) =	vadd.scan.msk.f32 $0xffff, v12  }
0x255: {  	(v2sf) =	vpush v11, $0xF;
	v8, _, _ =	vpop (xrf2)  }
0x256: {  	(v2sf) =	vpush v8, $0xF;
	_ =	sdelay $0x1  }
0x257: {  	v26 =	vld [tilespmem:s29+$0xFFFFFF80]  }
0x258: {  	v29 =	vld [tilespmem:s29+$0xFFFFFFB0]  }
0x259: {  	v31 =	vld [tilespmem:s29+$0xFFFFFFA0]  }
0x25a: {  	v12 =	vld [tilespmem:s29+$0xFFFFFF90];
	v8, _, _ =	vpop (xrf2);
	_ =	sdelay $0x2  }
0x25b: {  	(v2sf) =	vpush v8, $0xF;
	v8, _, _ =	vpop (xrf2)  }
0x25c: {  	v11 =	vmul.f32 v26, v26;
	(v2sf) =	vpush v8, $0xF  }
0x25d: {  	v14 =	vmul.f32 v29, v29;
	v13 =	vadd.f32 v29, v31;
	v8 =	vadd.f32 v12, v26  }
0x25e: {  	v16 =	vmul.f32 v31, v31;
	v15 =	vmul.f32 v12, v12;
	v23 =	vld [tilespmem:s29+$0xFFFFFFF0]  }
0x25f: {  	v8 =	vadd.f32 v13, v8;
	v25 =	vld [tilespmem:s29+$0xFFFFFFC0]  }
0x260: {  	v14 =	vadd.f32 v14, v16;
	v13 =	vadd.f32 v15, v11;
	v27 =	vld [tilespmem:s29+$0xFFFFFFE0]  }
0x261: {  	v11 =	vld [tilespmem:s29+$0xFFFFFFD0];
	s0 =	spop (v2sf);
	(xrf2) =	vadd.scan.msk.f32 $0xffff, v8  }
0x262: {  	v8 =	vadd.f32 v14, v13;
	s1 =	smul.f32 $1.562500000e-02, s0;
	s0 =	spop (v2sf)  }
0x263: {  	s0 =	smul.f32 $1.562500000e-02, s0  }
0x264: {  	s2 =	smul.f32 s1, s1;
	(xrf2) =	vadd.scan.msk.f32 $0xffff, v8  }
0x265: {  	v8 =	vmul.f32 v23, v23  }
0x266: {  	v15 =	vmul.f32 v25, v25;
	v14 =	vadd.f32 v23, v27;
	s0 =	ssub.f32 s0, s2;
	v13 =	vadd.f32 v11, v25  }
0x267: {  	v17 =	vmul.f32 v27, v27;
	v16 =	vmul.f32 v11, v11  }
0x268: {  	s2 =	sadd.f32 $9.999999740e-06, s0;
	v18 =	vadd.f32 v14, v13  }
0x269: {  	v8 =	vadd.f32 v8, v17;
	v14 =	vadd.f32 v16, v15  }
0x26a: {  	s0 =	smul.f32 $-5.000000000e-01, s2;
	s3 =	spop (v2sf);
	(xrf2) =	vadd.scan.msk.f32 $0xffff, v18  }
0x26b: {  	v14 =	vadd.f32 v8, v14;
	s12 =	smul.f32 $1.562500000e-02, s3;
	s3 =	spop (v2sf);
	v13, _, _ =	vpop (xrf2)  }
0x26c: {  	s2 =	sshrl.u32 s2, $0x1;
	s3 =	smul.f32 $1.562500000e-02, s3  }
0x26d: {  	s4 =	ssub.s32 $0x5F3759DF, s2;
	s2 =	smul.f32 s12, s12;
	(xrf2) =	vadd.scan.msk.f32 $0xffff, v14  }
0x26e: {  	s5 =	smul.f32 s4, s0;
	(v2sf) =	vpush v13, $0xF;
	v8, _, _ =	vpop (xrf2)  }
0x26f: {  	s2 =	ssub.f32 s3, s2;
	(v2sf) =	vpush v8, $0xF  }
0x270: {  	s3 =	smul.f32 s4, s5  }
0x271: {  	s2 =	sadd.f32 $9.999999740e-06, s2;
	v14 =	vld [tilespmem:s29+$0x0]  }
0x272: {  	s3 =	sadd.f32 $1.500000000e+00, s3;
	v15 =	vld [tilespmem:s29+$0x30]  }
0x273: {  	s5 =	sshrl.u32 s2, $0x1;
	s2 =	smul.f32 $-5.000000000e-01, s2;
	v17 =	vld [tilespmem:s29+$0x20]  }
0x274: {  	s3 =	smul.f32 s4, s3;
	s4 =	ssub.s32 $0x5F3759DF, s5;
	v13 =	vld [tilespmem:s29+$0x10];
	v8, _, _ =	vpop (xrf2)  }
0x275: {  	s5 =	smul.f32 s4, s2  }
0x276: {  	s6 =	smul.f32 s3, s0  }
0x277: {  	s5 =	smul.f32 s4, s5;
	(v2sf) =	vpush v8, $0xF;
	v8, _, _ =	vpop (xrf2)  }
0x278: {  	v16 =	vmul.f32 v14, v14;
	s6 =	smul.f32 s6, s3;
	(v2sf) =	vpush v8, $0xF  }
0x279: {  	v21 =	vmul.f32 v15, v15;
	v19 =	vadd.f32 v15, v17;
	s5 =	sadd.f32 $1.500000000e+00, s5;
	v8 =	vadd.f32 v13, v14;
	v18 =	vld [tilespmem:s29+$0x40]  }
0x27a: {  	v33 =	vmul.f32 v17, v17;
	s6 =	sadd.f32 $1.500000000e+00, s6;
	v30 =	vmul.f32 v13, v13;
	v20 =	vld [tilespmem:s29+$0x70]  }
0x27b: {  	s4 =	smul.f32 s4, s5;
	v8 =	vadd.f32 v19, v8;
	v22 =	vld [tilespmem:s29+$0x60]  }
0x27c: {  	v21 =	vadd.f32 v21, v33;
	s8 =	smul.f32 s6, s3;
	v19 =	vadd.f32 v30, v16;
	v16 =	vld [tilespmem:s29+$0x50]  }
0x27d: {  	s5 =	smul.f32 s4, s2;
	s3 =	spop (v2sf);
	(xrf2) =	vadd.scan.msk.f32 $0xffff, v8  }
0x27e: {  	v8 =	vadd.f32 v21, v19;
	s3 =	smul.f32 $1.562500000e-02, s3;
	s6 =	spop (v2sf)  }
0x27f: {  	s6 =	smul.f32 $1.562500000e-02, s6  }
0x280: {  	v19 =	vmul.f32 v18, v18;
	s9 =	smul.f32 s3, s3;
	(xrf2) =	vadd.scan.msk.f32 $0xffff, v8  }
0x281: {  	s5 =	smul.f32 s5, s4;
	v30 =	vmul.f32 v20, v20;
	v21 =	vadd.f32 v20, v22;
	v8 =	vadd.f32 v16, v18  }
0x282: {  	s0 =	smul.f32 s8, s0;
	v37 =	vmul.f32 v22, v22;
	v33 =	vmul.f32 v16, v16;
	s6 =	ssub.f32 s6, s9  }
0x283: {  	s5 =	sadd.f32 $1.500000000e+00, s5;
	v8 =	vadd.f32 v21, v8  }
0x284: {  	s11 =	smul.f32 s0, s8;
	v33 =	vadd.f32 v33, v19;
	v21 =	vadd.f32 v30, v37;
	s6 =	sadd.f32 $9.999999740e-06, s6  }
0x285: {  	s10 =	smul.f32 s5, s4;
	(xrf2) =	vadd.scan.msk.f32 $0xffff, v8  }
0x286: {  	v8 =	vadd.f32 v21, v33;
	s9 =	smul.f32 $-5.000000000e-01, s6;
	s0 =	spop (v2sf)  }
0x287: {  	s0 =	smul.f32 $1.562500000e-02, s0;
	s4 =	spop (v2sf);
	v19, _, _ =	vpop (xrf2)  }
0x288: {  	s5 =	sshrl.u32 s6, $0x1;
	s4 =	smul.f32 $1.562500000e-02, s4;
	(xrf2) =	vadd.scan.msk.f32 $0xffff, v8  }
0x289: {  	s5 =	ssub.s32 $0x5F3759DF, s5;
	s6 =	smul.f32 s0, s0  }
0x28a: {  	s11 =	sadd.f32 $1.500000000e+00, s11;
	s13 =	smul.f32 s5, s9;
	(v2sf) =	vpush v19, $0xF;
	v8, _, _ =	vpop (xrf2)  }
0x28b: {  	s2 =	smul.f32 s10, s2;
	s4 =	ssub.f32 s4, s6;
	(v2sf) =	vpush v8, $0xF  }
0x28c: {  	s6 =	smul.f32 s5, s13;
	v8 =	vld [tilespmem:s29+$0x80]  }
0x28d: {  	s30 =	smul.f32 s11, s8;
	s4 =	sadd.f32 $9.999999740e-06, s4;
	v19 =	vld [tilespmem:s29+$0xB0]  }
0x28e: {  	s2 =	smul.f32 s2, s10;
	s6 =	sadd.f32 $1.500000000e+00, s6;
	v21 =	vld [tilespmem:s29+$0xA0]  }
0x28f: {  	v33 =	vmul.f32 s30, v2;
	v37 =	vmul.f32 s30, v1;
	s11 =	sshrl.u32 s4, $0x1;
	s8 =	smul.f32 $-5.000000000e-01, s4;
	v30 =	vld [tilespmem:s29+$0x90];
	v38, _, _ =	vpop (xrf2)  }
0x290: {  	v39 =	vmul.f32 s30, v0;
	s4 =	smul.f32 s5, s6;
	s5 =	ssub.s32 $0x5F3759DF, s11  }
0x291: {  	v40 =	vmul.f32 v33, v32;
	v37 =	vmul.f32 v37, v28;
	s6 =	smul.f32 s5, s8  }
0x292: {  	v39 =	vmul.f32 v39, v24;
	s11 =	smul.f32 s4, s9;
	v24 =	vld [tilespmem:s29+$0xC0];
	(v2sf) =	vpush v38, $0xF;
	v32, _, _ =	vpop (xrf2)  }
0x293: {  	v38 =	vmul.f32 v8, v8;
	s6 =	smul.f32 s5, s6;
	v28 =	vld [tilespmem:s29+$0xF0];
	(v2sf) =	vpush v32, $0xF  }
0x294: {  	s2 =	sadd.f32 $1.500000000e+00, s2;
	v43 =	vmul.f32 v19, v19;
	s13 =	smul.f32 s11, s4;
	v42 =	vadd.f32 v19, v21;
	v41 =	vadd.f32 v30, v8;
	v32 =	vld [tilespmem:s29+$0xE0]  }
0x295: {  	s1 =	smul.f32 s30, s1;
	v45 =	vmul.f32 v21, v21;
	v44 =	vmul.f32 v30, v30;
	s6 =	sadd.f32 $1.500000000e+00, s6;
	v33 =	vld [tilespmem:s29+$0xD0]  }
0x296: {  	s11 =	smul.f32 s2, s10;
	s2 =	sadd.f32 $1.500000000e+00, s13;
	v41 =	vadd.f32 v42, v41  }
0x297: {  	s28 =	sadd.s32 $0x8, s28;
	v43 =	vadd.f32 v43, v45;
	v42 =	vmul.f32 s1, v2;
	v38 =	vadd.f32 v44, v38;
	s5 =	smul.f32 s5, s6  }
0x298: {  	p0 =	slt.u32 s28, $0xC0;
	v45 =	vmul.f32 s11, v1;
	v44 =	vmul.f32 s11, v2;
	s10 =	smul.f32 s2, s4;
	(xrf2) =	vadd.scan.msk.f32 $0xffff, v41  }
0x299: {  	v41 =	vmul.f32 s11, v0;
	v38 =	vadd.f32 v43, v38;
	v43 =	vmul.f32 v24, v24;
	s4 =	smul.f32 s5, s8;
	s2 =	spop (v2sf)  }
0x29a: {  	v48 =	vmul.f32 v28, v28;
	v47 =	vadd.f32 v28, v32;
	s2 =	smul.f32 $1.562500000e-02, s2;
	v46 =	vadd.f32 v33, v24;
	s6 =	spop (v2sf)  }
0x29b: {  	v42 =	vsub.f32 v5, v42;
	v50 =	vmul.f32 v32, v32;
	v49 =	vmul.f32 v33, v33;
	s6 =	smul.f32 $1.562500000e-02, s6;
	(xrf2) =	vadd.scan.msk.f32 $0xffff, v38  }
0x29c: {  	v35 =	vmul.f32 v45, v35;
	v36 =	vmul.f32 v44, v36;
	s13 =	smul.f32 s2, s2;
	v38 =	vadd.f32 v47, v46  }
0x29d: {  	v34 =	vmul.f32 v41, v34;
	s4 =	smul.f32 s4, s5;
	v41 =	vadd.f32 v49, v43;
	v43 =	vadd.f32 v48, v50  }
0x29e: {  	v44 =	vmul.f32 s1, v0;
	s9 =	smul.f32 s10, s9;
	v40 =	vadd.f32 v42, v40;
	v42 =	vmul.f32 s1, v1;
	s6 =	ssub.f32 s6, s13;
	(xrf2) =	vadd.scan.msk.f32 $0xffff, v38  }
0x29f: {  	s16 =	smul.f32 s11, s12;
	s4 =	sadd.f32 $1.500000000e+00, s4;
	v38 =	vadd.f32 v43, v41  }
0x2a0: {  	s9 =	smul.f32 s9, s10;
	v41 =	vsub.f32 v4, v44;
	v44 =	vsub.f32 v6, v42;
	[tilespmem:s29+$0xFFFFFF20] =	vst v40;
	s6 =	sadd.f32 $9.999999740e-06, s6  }
0x2a1: {  	v42 =	vmul.f32 s16, v2;
	v43 =	vmul.f32 s16, v1;
	s22 =	smul.f32 s4, s5;
	s4 =	spop (v2sf);
	(xrf2) =	vadd.scan.msk.f32 $0xffff, v38  }
0x2a2: {  	v45 =	vadd.f32 v41, v39;
	v37 =	vadd.f32 v44, v37;
	v39 =	vmul.f32 s16, v0;
	s18 =	smul.f32 $-5.000000000e-01, s6;
	s5 =	spop (v2sf);
	v40, _, _ =	vpop (xrf2)  }
0x2a3: {  	v41 =	vsub.f32 v5, v42;
	v42 =	vsub.f32 v6, v43;
	s12 =	smul.f32 $1.562500000e-02, s4  }
0x2a4: {  	s4 =	sshrl.u32 s6, $0x1;
	s5 =	smul.f32 $1.562500000e-02, s5;
	[tilespmem:s29+$0xFFFFFF30] =	vst v37;
	v37 =	vsub.f32 v4, v39  }
0x2a5: {  	v36 =	vadd.f32 v41, v36;
	s4 =	ssub.s32 $0x5F3759DF, s4;
	v39 =	vadd.f32 v42, v35;
	s6 =	smul.f32 s12, s12;
	[tilespmem:s29+$0xFFFFFF00] =	vst v45;
	v38, _, _ =	vpop (xrf2)  }
0x2a6: {  	s9 =	sadd.f32 $1.500000000e+00, s9;
	s13 =	smul.f32 s4, s18;
	v34 =	vadd.f32 v37, v34  }
0x2a7: {  	s8 =	smul.f32 s22, s8;
	s5 =	ssub.f32 s5, s6;
	[tilespmem:s29+$0xFFFFFF60] =	vst v36  }
0x2a8: {  	s6 =	smul.f32 s4, s13;
	[tilespmem:s29+$0xFFFFFF70] =	vst v39;
	(v2sf) =	vpush v40, $0xF;
	v35, _, _ =	vpop (xrf2)  }
0x2a9: {  	s9 =	smul.f32 s9, s10;
	s5 =	sadd.f32 $9.999999740e-06, s5;
	[tilespmem:s29+$0xFFFFFF40] =	vst v34;
	(v2sf) =	vpush v38, $0xF  }
0x2aa: {  	s8 =	smul.f32 s8, s22;
	s6 =	sadd.f32 $1.500000000e+00, s6  }
0x2ab: {  	v36 =	vmul.f32 s9, v1;
	v34 =	vmul.f32 s9, v2;
	s13 =	sshrl.u32 s5, $0x1;
	s10 =	smul.f32 $-5.000000000e-01, s5;
	(v2sf) =	vpush v35, $0xF;
	v35, _, _ =	vpop (xrf2)  }
0x2ac: {  	v37 =	vmul.f32 s9, v0;
	s4 =	smul.f32 s4, s6;
	s5 =	ssub.s32 $0x5F3759DF, s13;
	(v2sf) =	vpush v35, $0xF  }
0x2ad: {  	v29 =	vmul.f32 v36, v29;
	v31 =	vmul.f32 v34, v31;
	s6 =	smul.f32 s5, s10  }
0x2ae: {  	v26 =	vmul.f32 v37, v26;
	s13 =	smul.f32 s4, s18  }
0x2af: {  	s6 =	smul.f32 s5, s6  }
0x2b0: {  	s8 =	sadd.f32 $1.500000000e+00, s8;
	s13 =	smul.f32 s13, s4  }
0x2b1: {  	s21 =	smul.f32 s9, s3;
	s3 =	sadd.f32 $1.500000000e+00, s6  }
0x2b2: {  	s22 =	smul.f32 s8, s22;
	s6 =	sadd.f32 $1.500000000e+00, s13  }
0x2b3: {  	v34 =	vmul.f32 s21, v2;
	v35 =	vmul.f32 s21, v1;
	s5 =	smul.f32 s5, s3  }
0x2b4: {  	v36 =	vmul.f32 s22, v0;
	v37 =	vmul.f32 s22, v2;
	s23 =	smul.f32 s6, s4  }
0x2b5: {  	v38 =	vmul.f32 s21, v0;
	v34 =	vsub.f32 v5, v34;
	v35 =	vsub.f32 v6, v35;
	s3 =	smul.f32 s5, s10  }
0x2b6: {  	v25 =	vmul.f32 v36, v25;
	v27 =	vmul.f32 v37, v27;
	s4 =	smul.f32 s23, s18  }
0x2b7: {  	v31 =	vadd.f32 v34, v31;
	v34 =	vmul.f32 s22, v1;
	v29 =	vadd.f32 v35, v29;
	s6 =	smul.f32 s3, s5;
	s3 =	spop (v2sf)  }
0x2b8: {  	v35 =	vsub.f32 v4, v38;
	s8 =	smul.f32 $1.562500000e-02, s3;
	s3 =	spop (v2sf)  }
0x2b9: {  	v23 =	vmul.f32 v34, v23;
	[tilespmem:s29+$0xFFFFFFA0] =	vst v31;
	s13 =	smul.f32 $1.562500000e-02, s3  }
0x2ba: {  	v26 =	vadd.f32 v35, v26;
	[tilespmem:s29+$0xFFFFFFB0] =	vst v29;
	s14 =	smul.f32 s8, s8;
	s3 =	spop (v2sf)  }
0x2bb: {  	s3 =	smul.f32 $1.562500000e-02, s3;
	s15 =	spop (v2sf)  }
0x2bc: {  	[tilespmem:s29+$0xFFFFFF80] =	vst v26;
	s13 =	ssub.f32 s13, s14;
	s14 =	smul.f32 $1.562500000e-02, s15  }
0x2bd: {  	s6 =	sadd.f32 $1.500000000e+00, s6;
	s15 =	smul.f32 s3, s3  }
0x2be: {  	s18 =	smul.f32 s22, s0;
	s0 =	sadd.f32 $9.999999740e-06, s13  }
0x2bf: {  	s4 =	smul.f32 s4, s23;
	s13 =	ssub.f32 s14, s15  }
0x2c0: {  	v29 =	vmul.f32 s18, v2;
	v26 =	vmul.f32 s18, v0;
	s17 =	sshrl.u32 s0, $0x1;
	s14 =	smul.f32 $-5.000000000e-01, s0  }
0x2c1: {  	v31 =	vmul.f32 s18, v1;
	s15 =	smul.f32 s6, s5;
	s5 =	ssub.s32 $0x5F3759DF, s17;
	s0 =	sadd.f32 $9.999999740e-06, s13  }
0x2c2: {  	v29 =	vsub.f32 v5, v29;
	v26 =	vsub.f32 v4, v26;
	s6 =	smul.f32 s5, s14  }
0x2c3: {  	v31 =	vsub.f32 v6, v31;
	s13 =	sshrl.u32 s0, $0x1;
	s0 =	smul.f32 $-5.000000000e-01, s0  }
0x2c4: {  	v25 =	vadd.f32 v26, v25;
	v26 =	vadd.f32 v29, v27;
	s6 =	smul.f32 s5, s6;
	s13 =	ssub.s32 $0x5F3759DF, s13  }
0x2c5: {  	v23 =	vadd.f32 v31, v23;
	s17 =	smul.f32 s13, s0  }
0x2c6: {  	s10 =	smul.f32 s15, s10;
	[tilespmem:s29+$0xFFFFFFE0] =	vst v26;
	s6 =	sadd.f32 $1.500000000e+00, s6  }
0x2c7: {  	[tilespmem:s29+$0xFFFFFFC0] =	vst v25;
	s17 =	smul.f32 s13, s17  }
0x2c8: {  	[tilespmem:s29+$0xFFFFFFF0] =	vst v23;
	s5 =	smul.f32 s5, s6  }
0x2c9: {  	s6 =	smul.f32 s10, s15;
	s10 =	sadd.f32 $1.500000000e+00, s17  }
0x2ca: {  	v23 =	vmul.f32 s30, v3;
	s17 =	smul.f32 s5, s14  }
0x2cb: {  	v25 =	vmul.f32 s11, v3;
	s10 =	smul.f32 s13, s10  }
0x2cc: {  	s4 =	sadd.f32 $1.500000000e+00, s4;
	v9 =	vmul.f32 v23, v9;
	v23 =	vmul.f32 s9, v3;
	s9 =	smul.f32 s17, s5  }
0x2cd: {  	v26 =	vmul.f32 s1, v3;
	v25 =	vmul.f32 v25, v10;
	s1 =	smul.f32 s10, s0  }
0x2ce: {  	s4 =	smul.f32 s4, s23;
	v27 =	vmul.f32 s16, v3;
	v23 =	vmul.f32 v23, v12;
	s9 =	sadd.f32 $1.500000000e+00, s9  }
0x2cf: {  	v31 =	vmul.f32 s22, v3;
	v29 =	vmul.f32 s21, v3;
	s6 =	sadd.f32 $1.500000000e+00, s6;
	s1 =	smul.f32 s1, s10  }
0x2d0: {  	v34 =	vmul.f32 s4, v1;
	v10 =	vmul.f32 s4, v2;
	s5 =	smul.f32 s9, s5  }
0x2d1: {  	v35 =	vmul.f32 s18, v3;
	v36 =	vmul.f32 s4, v0;
	s6 =	smul.f32 s6, s15;
	s1 =	sadd.f32 $1.500000000e+00, s1  }
0x2d2: {  	v26 =	vsub.f32 v7, v26;
	v12 =	vmul.f32 v10, v17;
	v10 =	vmul.f32 v34, v15;
	s9 =	smul.f32 s5, s14  }
0x2d3: {  	v15 =	vsub.f32 v7, v27;
	v17 =	vmul.f32 s6, v2;
	v27 =	vmul.f32 s6, v1;
	s10 =	smul.f32 s1, s10  }
0x2d4: {  	v14 =	vmul.f32 v36, v14;
	v26 =	vadd.f32 v26, v9;
	v9 =	vmul.f32 s6, v0;
	s1 =	smul.f32 s9, s5  }
0x2d5: {  	v25 =	vadd.f32 v15, v25;
	v17 =	vmul.f32 v17, v22;
	v15 =	vmul.f32 v27, v20;
	s9 =	smul.f32 s10, s0  }
0x2d6: {  	v20 =	vsub.f32 v7, v29;
	v22 =	vmul.f32 v31, v11;
	v11 =	vmul.f32 v9, v18;
	s0 =	smul.f32 s4, s2;
	s1 =	sadd.f32 $1.500000000e+00, s1  }
0x2d7: {  	v9 =	vsub.f32 v7, v35;
	v18 =	vmul.f32 s4, v3;
	v27 =	vmul.f32 s6, v3;
	s2 =	smul.f32 s9, s10  }
0x2d8: {  	v20 =	vadd.f32 v20, v23;
	v23 =	vmul.f32 s0, v3;
	v29 =	vmul.f32 s0, v2;
	s4 =	smul.f32 s1, s5  }
0x2d9: {  	v22 =	vadd.f32 v9, v22;
	v18 =	vmul.f32 v18, v13;
	v16 =	vmul.f32 v27, v16;
	s1 =	smul.f32 s6, s12;
	s5 =	sadd.f32 $1.500000000e+00, s2  }
0x2da: {  	v23 =	vsub.f32 v7, v23;
	s2 =	smul.f32 s4, s8;
	v27 =	vmul.f32 s4, v2;
	v31 =	vmul.f32 s4, v1  }
0x2db: {  	v13 =	vsub.f32 v5, v29;
	v29 =	vmul.f32 s1, v3;
	v9 =	vmul.f32 s4, v0;
	s5 =	smul.f32 s5, s10  }
0x2dc: {  	v18 =	vadd.f32 v23, v18;
	v23 =	vmul.f32 s4, v3;
	v34 =	vmul.f32 s2, v3  }
0x2dd: {  	v29 =	vsub.f32 v7, v29;
	s3 =	smul.f32 s5, s3;
	v35 =	vmul.f32 s5, v2;
	v36 =	vmul.f32 s5, v1  }
0x2de: {  	v23 =	vmul.f32 v23, v30;
	v30 =	vmul.f32 s5, v0;
	[tilespmem:s29+$0xFFFFFF10] =	vst v26;
	v26 =	vsub.f32 v7, v34  }
0x2df: {  	v16 =	vadd.f32 v29, v16;
	[tilespmem:s29+$0xFFFFFF50] =	vst v25;
	v25 =	vmul.f32 s5, v3;
	v29 =	vmul.f32 s3, v3  }
0x2e0: {  	[tilespmem:s29+$0xFFFFFF90] =	vst v20;
	v20 =	vadd.f32 v26, v23;
	v23 =	vmul.f32 s3, v2;
	v26 =	vmul.f32 v35, v32  }
0x2e1: {  	[tilespmem:s29+$0xFFFFFFD0] =	vst v22;
	v22 =	vsub.f32 v7, v29;
	v25 =	vmul.f32 v25, v33;
	v29 =	vmul.f32 s3, v1  }
.Ltmp1:
0x2e2: {  	v28 =	vmul.f32 v36, v28;
	[tilespmem:s29+$0x10] =	vst v18;
	v18 =	vmul.f32 s3, v0;
	v23 =	vsub.f32 v5, v23;
	(pc) =	sbr.rel @p0 .LBB2_5-.Ltmp1, $4  }
0x2e3: {  	v24 =	vmul.f32 v30, v24;
	[tilespmem:s29+$0x50] =	vst v16;
	v22 =	vadd.f32 v22, v25;
	v25 =	vsub.f32 v6, v29  }
0x2e4: {  	[tilespmem:s29+$0x90] =	vst v20;
	v20 =	vmul.f32 s2, v2;
	v29 =	vsub.f32 v4, v18;
	v23 =	vadd.f32 v23, v26  }
0x2e5: {  	v16 =	vmul.f32 v27, v21;
	v21 =	vmul.f32 s2, v1;
	[tilespmem:s29+$0xD0] =	vst v22;
	v22 =	vadd.f32 v25, v28  }
0x2e6: {  	v18 =	vmul.f32 v31, v19;
	s29 =	sadd.s32 $0x200, s29;
	v20 =	vsub.f32 v5, v20;
	v19 =	vadd.f32 v29, v24;
	[tilespmem:s26+$0xE0] =	vst v23  }
0x2e7: {  	v3 =	vmul.f32 s2, v0;
	v7 =	vmul.f32 v9, v8  }
0x2e8: {  	v55 =	vsub.f32 v6, v21;
	v2 =	vmul.f32 s1, v2;
	[tilespmem:s26+$0xF0] =	vst v22;
	v63 =	vadd.f32 v13, v12  }
0x2e9: {  	v56 =	vmul.f32 s1, v1;
	v16 =	vadd.f32 v20, v16;
	[tilespmem:s26+$0xC0] =	vst v19;
	v3 =	vsub.f32 v4, v3  }
0x2ea: {  	v57 =	vmul.f32 s1, v0;
	v8 =	vadd.f32 v55, v18;
	v2 =	vsub.f32 v5, v2;
	[tilespmem:s26+$0x20] =	vst v63  }
0x2eb: {  	v59 =	vmul.f32 s0, v1;
	v58 =	vsub.f32 v6, v56;
	[tilespmem:s26+$0xA0] =	vst v16;
	v3 =	vadd.f32 v3, v7  }
0x2ec: {  	v61 =	vmul.f32 s0, v0;
	v60 =	vsub.f32 v4, v57;
	[tilespmem:s26+$0xB0] =	vst v8;
	v2 =	vadd.f32 v2, v17  }
0x2ed: {  	s24 =	sadd.s32 $0x1, s24;
	v1 =	vsub.f32 v6, v59;
	v5 =	vadd.f32 v58, v15;
	[tilespmem:s26+$0x80] =	vst v3  }
0x2ee: {  	s30 =	rddreg [dreg:$0x5];
	p0 =	sne.s32 s24, $0x40;
	v0 =	vsub.f32 v4, v61;
	v62 =	vadd.f32 v60, v11;
	[tilespmem:s26+$0x60] =	vst v2  }
.Ltmp2:
0x2ef: {  	s0 =	sadd.s32 s30, s25;
	v1 =	vadd.f32 v1, v10;
	[tilespmem:s26+$0x70] =	vst v5;
	(pc) =	sbr.rel @p0 .LBB2_2-.Ltmp2, $4  }
0x2f0: {  	s0 =	smul.u32 $0x640, s0;
	v0 =	vadd.f32 v0, v14;
	[tilespmem:s26+$0x40] =	vst v62  }
0x2f1: {  	[tilespmem:s26+$0x30] =	vst v1  }
0x2f2: {  	s3 =	simm.s32 $0x9600;
	s0 =	sadd.s32 s31, s0;
	[tilespmem:s26+$0x0] =	vst v0  }
0x2f3: {  	[hbm4b:s0+s19] =	stream.linear.scatter [tilespmem:s3], [sflag:$0x4], $0x3200, $0x38;
	[tilespmem:$0xC880] =	vst v63  }
0x2f4: {  	s0 =	simm.s32 $0x3  }
0x2f5: {  	_ =	swait.ge [sflag:s0], $0x3200  }
0x2f6: {  	[sflag:s0] =	ssyncset.done $0x0  }
0x2f7: {  	s1 =	simm.s32 $0x4;
	[sflag:s0] =	ssyncadd.s32 $0xFFFFCE00  }
0x2f8: {  	_ =	swait.ge [sflag:s1], $0x3200  }
0x2f9: {  	s2 =	rddreg [dreg:$0x8]  }
0x2fa: {  	s30 =	rddreg [dreg:$0x7];
	s2 =	sadd.s32 $0x1, s2  }
0x2fb: {  	p0 =	sne.s32 s2, s30  }
.Ltmp3:
0x2fc: {  	_ = 	snop;
	(pc) =	sbr.rel @p0 .LBB2_1-.Ltmp3, $3  }
0x2fd: {  	_ =	sdelay $0x1  }
0x2fe: {  	[sflag:s1] =	ssyncset.done $0x0  }
0x2ff: {  	[sflag:s1] =	ssyncadd.s32 $0xFFFFCE00  }
0x300: {  	_ =	sfence.sel $0x180000  }
0x301: {  	[bflag:$0x0] =	sbarrier.arrive $0xFFFF  }
0x302: {  	_ =	strace $0x90000047  }
0x303: {  	s0 =	stileid.u32;
	[bflag:$0x2] =	sbarrier.arrive $0xFFFF  }
0x304: {  	p0 =	sne.s32 s0, $0x0;
	s0 =	rddreg [dreg:$0x4]  }
0x305: {  	s0 =	sadd.s32 @!p0 $0x100000, s0  }
0x306: {  	[sflag:s0] =	ssyncadd.tile.s32 @!p0 $0x1;
	_ =	shalt  }
.Lfunc_end2:
_tile_overlayer_lowered:
.L_overlay_start_2:
0x307: {  	(tag) =	ssettag $0x2  }
0x308: {  	s0 =	rddreg [dreg:$0x0];
	s2 =	stileid.u32  }
0x309: {  	s1 =	rddreg [dreg:$0x1];
	p0 =	sne.s32 s2, $0x0  }
0x30a: {  	s3 =	rddreg [dreg:$0x2];
	[bflag:$0x3] =	sbarrier.arrive $0xFFFF;
	s2 =	simm.s32 @!p0 $0x1C05  }
0x30b: {  	[timem:s3], [sflag:s2] =	dma.local @!p0 [hbm:s0], s1  }
0x30c: {  	s0 =	simm.s32 @!p0 $0x5  }
0x30d: {  	_ =	swait.ge @!p0 [sflag:s0], s1  }
0x30e: {  	s1 =	ssub.s32 @!p0 $0x0, s1;
	[sflag:s0] =	ssyncset.done @!p0 $0x0  }
0x30f: {  	[sflag:s0] =	ssyncadd.s32 @!p0 s1  }
0x310: {  	[bflag:$0x3] =	sbarrier.arrive $0xFFFF  }
0x311: {  	_ =	shalt  }

// kernel: sparse-core-data-format-call.cloned.1.call-start
scs
called_computation_lowered:
.L_overlay_start_0:
0x0: {  	s2 =	sld [smem:$0x3FD9]  }
0x1: {  	s3 =	sld [smem:$0x3FFE];
	_ =	sdelay $0x1  }
0x2: {  	s1 =	srdreg.scid  }
0x3: {  	s0 =	sand.u32 $0x1, s1  }
0x4: {  	s18 =	sshll.u32 s0, $0xA;
	s2 =	sadd.s32 s3, s2  }
0x5: {  	s2 =	sadd.s32 s2, s18  }
0x6: {  	[smem:$0x3FC4] =	sst s2  }
0x7: {  	_ = 	snop  }
0x8: {  	s2 =	sld [smem:$0x3FD0];
	(tm) =	ssettm $0x1  }
0x9: {  	s19 =	sld [smem:$0x3FFB];
	_ =	sdelay $0x3  }
0xa: {  	_ =	strace s19  }
0xb: {  	s3 =	sld [smem:$0x3FFC];
	_ =	sdelay $0x3  }
0xc: {  	_ =	strace s3  }
0xd: {  	s3 =	sld [smem:$0x3FFD];
	_ =	sdelay $0x3  }
0xe: {  	_ =	strace s3  }
0xf: {  	_ =	strace $0x8FFFFFFF  }
0x10: {  	s20 =	sld [smem:$0x3FDB];
	_ =	sdelay $0x1  }
0x11: {  	s4 =	simm.s32 $_scs_section_size  }
0x12: {  	s5 =	simm.s32 $_size__tile_overlayer_lowered;
	s6 =	simm.s32 $_tile_overlayer_lowered  }
0x13: {  	s23 =	simm.s32 $0x1BFF;
	s22 =	sshll.u32 s6, $0x1;
	s3 =	sadd.s32 s4, s20  }
0x14: {  	s7 =	simm.s32 $0x0;
	s21 =	sshll.u32 s5, $0x1;
	s5 =	sadd.s32 s22, s3  }
0x15: {  	[timem:s7], [sflag:s23] =	dma.local [hbm:s5], s21  }
0x16: {  	_ =	swait.ge [sflag:s23], s21  }
0x17: {  	s4 =	ssub.s32 $0x0, s21;
	[sflag:s23] =	ssyncset.done $0x0  }
0x18: {  	[sflag:s23] =	ssyncadd.s32 s4;
	_ =	sdelay $0x1  }
0x19: {  	s24 =	simm.s32 $0x1B8B  }
0x1a: {  	_ =	swait.ge [sflag:s24], $0x1  }
0x1b: {  	[sflag:s24] =	ssyncset.done $0x0  }
0x1c: {  	s26 =	simm.s32 $0x1B8E;
	s25 =	sld [smem:$0x3FFE];
	[sflag:s24] =	ssyncadd.s32 $0xFFFFFFFF  }
0x1d: {  	s27 =	simm.s32 $execute0_lowered;
	[smem:$0x3FD2] =	sst s26  }
0x1e: {  	s5 =	sshll.u32 s27, $0x1;
	_ =	strace $0x80000049;
	[dreg:$0x1] =	wrdreg $0xFFFFFFFF  }
0x1f: {  	s28 =	simm.s32 $_size_execute0_lowered;
	s3 =	sadd.s32 s3, s5;
	[dreg:$0x0] =	wrdreg $0x0  }
0x20: {  	s5 =	sshll.u32 s28, $0x1;
	[dreg:$0x2] =	wrdreg s3  }
0x21: {  	[dreg:$0x3] =	wrdreg s5  }
0x22: {  	[dreg:$0x4] =	wrdreg $0xC0  }
0x23: {  	_ =	task [dreg:s7], $0x5FFFF  }
0x24: {  	[dreg:$0x1] =	wrdreg $0xFFFFFFFF  }
0x25: {  	[dreg:$0x0] =	wrdreg $0x60  }
0x26: {  	[dreg:$0x2] =	wrdreg s25  }
0x27: {  	[dreg:$0x3] =	wrdreg s2  }
0x28: {  	[dreg:$0x4] =	wrdreg $0x9  }
0x29: {  	_ =	task.clear_ibuf [dreg:s7], $0x5FFFF;
	_ =	strace $0x90000049  }
0x2a: {  	s29 =	simm.s32 $0x9;
	_ =	strace $0x8000004B  }
0x2b: {  	_ =	swait.ge [sflag:s29], $0x1  }
0x2c: {  	[sflag:s29] =	ssyncadd.s32 $0xFFFFFFFF  }
0x2d: {  	_ =	strace $0x9000004B  }
0x2e: {  	_ =	sfence  }
0x2f: {  	s30 =	sld [smem:$0x0];
	_ =	sdelay $0x2  }
0x30: {  	s31 =	sshll.u32 s1, $0xD;
	s1 =	sshrl.u32 s1, $0x2  }
0x31: {  	s3 =	sand.u32 $0x4000, s31;
	s1 =	sadd.s32 s1, s30  }
0x32: {  	s0 =	sor.u32 s3, s0;
	s1 =	sshll.u32 s1, $0x11  }
0x33: {  	s0 =	sor.u32 s1, s0  }
0x34: {  	s0 =	sadd.s32 $0x8F2B, s0  }
0x35: {  	[sflag:s0] =	ssyncadd.remote.s32 $0x1  }
0x36: {  	_ =	sfence.sel $0xFFFF  }
0x37: {  	[dreg:$0x0] =	wrdreg $0xFFFFFFFF;
	(pc) =	sbr.abs _section_cstart, $3  }
0x38: {  	[dreg:$0x1] =	wrdreg $0xFFFFFFFF  }
0x39: {  	_ =	task.clear_ibuf [dreg:s7], $0x2FFFF;
	_ =	strace $0x9FFFFFFF  }
0x3a: {  	(tm) =	ssettm $0x7FFFFFFF  }
0x3b: {  	_ =	shalt  }
tec
execute0_lowered:
.L_overlay_start_1:
0x0: {  	(tag) =	ssettag $0x1  }
0x1: {  	s0 =	srdreg.scid  }
0x2: {  	s1 =	sshll.u32 s0, $0x4  }
0x3: {  	s0 =	stileid.u32;
	s1 =	sand.u32 $0x10, s1  }
0x4: {  	s1 =	sor.u32 s0, s1  }
0x5: {  	s6 =	rddreg [dreg:$0x0];
	s4 =	simm.s32 $0x1;
	s2 =	sshll.u32 s1, $0x7  }
0x6: {  	s7 =	simm.s32 $0x2;
	s12 =	simm.s32 $0x0;
	s1 =	ssub.s32 $0x1000, s2  }
0x7: {  	s8 =	simm.s32 $0x8000;
	s13 =	simm.s32 $0x0;
	s3 =	sand.u32 $0xF80, s1  }
0x8: {  	s9 =	simm.s32 $0x0;
	s5 =	sshrl.u32 s1, $0xC;
	p0 =	sne.s32 s3, $0x0  }
.Ltmp0:
0x9: {  	s1 =	rddreg [dreg:$0x2];
	s4 =	simm.s32 @!p0 $0x0;
	(pc) =	sbr.rel .LBB1_1-.Ltmp0, $4  }
0xa: {  	s11 =	simm.s32 $0x0;
	s3 =	rddreg [dreg:$0x1];
	s5 =	sadd.s32 s4, s5  }
0xb: {  	_ =	strace $0x8000004A;
	s4 =	simm.s32 $0x1;
	s5 =	smul.u32 $0xC8, s5  }
0xc: {  	s6 =	sadd.s32 $0xA00, s6;
	s10 =	smov.u32 s2;
	[sflag:s4] =	ssyncpa.u1 $0x0  }
0xd: {  	p0 =	por $0x0, $0x0;
	[sflag:s7] =	ssyncpa.u1 $0x0;
	s7 =	sor.u32 $0x1, s5  }
.LBB1_4:
0xe: {  	s16 =	sshll.u32 s13, $0x3;
	s17 =	sand.u32 $0x78, s13  }
0xf: {  	s30 =	sand.u32 $0x7E00, s13;
	s12 =	sshll.u32 s12, $0xF;
	s16 =	sand.u32 $0xC00, s16  }
0x10: {  	[tilespmem:s15+$0x810 ss:$0x81] =	vst.msk $0xffff, v2;
	s31 =	sand.u32 $0x7, s13;
	s16 =	sor.u32 s17, s16;
	s17 =	sadd.s32 s3, s30  }
0x11: {  	[tilespmem:s15+$0x1020 ss:$0x81] =	vst.msk $0xffff, v0;
	s13 =	sshll.u32 s31, $0x12;
	s12 =	sadd.s32 s12, s17;
	s16 =	sshrl.u32 s16, $0x3  }
0x12: {  	[tilespmem:s15+$0x0 ss:$0x81] =	vst.msk $0xffff, v1;
	s13 =	sor.u32 $0x400, s13;
	s12 =	sadd.s32 s16, s12  }
0x13: {  	[hbm4b:s12+s13] =	stream.strided.scatter [tilespmem:s14], [sflag:$0x2], $0x2000, s8, s13, $0x20;
	[tilespmem:$0x8080] =	vst v63  }
.LBB1_5:
0x14: {  	s14 =	sadd.s32 $0x1, s9  }
0x15: {  	s12 =	sadd.s32 $0x1000, s10;
	s16 =	smov.u32 s10;
	p2 =	sgt.s32 s14, $0xC7  }
0x16: {  	s16 =	smov.u32 @p2 s12  }
0x17: {  	s14 =	simm.s32 @p2 $0x0;
	p2 =	sgt.s32 s16, $0xFFF  }
0x18: {  	s16 =	smov.u32 @p2 s2;
	p2 =	sne.s32 s11, s7  }
.Ltmp1:
0x19: {  	p1 =	slt.u32 s11, $0x2;
	(pc) =	sbr.rel @!p2 .LBB1_6-.Ltmp1, $4  }
0x1a: {  	s15 =	simm.s32 @!p1 $0x2  }
0x1b: {  	s13 =	smov.u32 s10;
	p0 =	por !p0, !p0;
	_ =	swait.ge @!p1 [sflag:s15], $0x2000  }
0x1c: {  	s12 =	smov.u32 s9;
	[sflag:s15] =	ssyncset.done @!p1 $0x0;
	s9 =	smov.u32 s14  }
0x1d: {  	s11 =	sadd.s32 $0x1, s11;
	[sflag:s15] =	ssyncadd.s32 @!p1 $0xFFFFE000;
	s10 =	smov.u32 s16  }
.LBB1_1:
0x1e: {  	p1 =	sge.u32 s11, s5  }
0x1f: {  	s14 =	sand.u32 @!p1 $0x1FFFFFF, s9  }
0x20: {  	s15 =	smulhi.u32 @!p1 $0x147AE15, s14;
	_ =	sdelay $0x1  }
0x21: {  	s15 =	smul.u32 @!p1 $0xC8, s15  }
0x22: {  	s16 =	sxor.u32 @!p1 $0xFFFFFFFF, s11;
	s17 =	smul.u32 @!p1 $0xC80, s10  }
0x23: {  	s31 =	sadd.s32 $0xFFFFFFFF, s11;
	s16 =	sshll.u32 @!p1 s16, $0xD;
	s14 =	ssub.s32 @!p1 s14, s15  }
0x24: {  	s15 =	sand.u32 @!p1 $0x2000, s16;
	s16 =	sadd.s32 @!p1 s6, s17;
	s14 =	sshll.u32 @!p1 s14, $0x4  }
0x25: {  	s17 =	simm.s32 @!p1 $0x6400;
	s14 =	sadd.s32 @!p1 s14, s16;
	s16 =	simm.s32 @!p1 $0x40  }
0x26: {  	[tilespmem:s15], [sflag:$0x1] =	stream.strided.gather @!p1 [hbm4b:s14+s16], $0x2000, s17, s16, $0x38;
	[tilespmem:$0x8080] =	vst v63  }
0x27: {  	p1 =	sge.u32 s31, s5  }
.Ltmp2:
0x28: {  	_ = 	snop;
	(pc) =	sbr.rel @p1 .LBB1_5-.Ltmp2, $1  }
0x29: {  	_ =	sdelay $0x3  }
0x2a: {  	s14 =	simm.s32 $0x1  }
0x2b: {  	_ =	swait.ge [sflag:s4], $0x2000;
	s14 =	simm.s32 @!p0 $0x0  }
0x2c: {  	[sflag:s4] =	ssyncset.done $0x0;
	s15 =	sshll.u32 s14, $0xD  }
0x2d: {  	[sflag:s4] =	ssyncadd.s32 $0xFFFFE000;
	s18 =	sor.u32 $0x20, s15  }
0x2e: {  	s14 =	smul.u32 $0x8100, s14;
	v3 =	vld [tilespmem:s18+$0x10]  }
0x2f: {  	s30 =	sand.u32 $0x1, s11;
	v2 =	vld [tilespmem:s18+$0xFFFFFFF0]  }
0x30: {  	s15 =	smul.u32 $0x8100, s30;
	s14 =	sshrl.u32 s14, $0x2;
	v0 =	vld [tilespmem:s18+$0x0]  }
0x31: {  	v1 =	vld [tilespmem:s18+$0xFFFFFFE0];
	s16 =	sor.u32 $0x4000, s14  }
0x32: {  	s31 =	sshrl.u32 s15, $0x2;
	s15 =	sadd.s32 $0x0, s16  }
0x33: {  	s17 =	simm.s32 $0x4;
	s18 =	sadd.s32 $0x40, s18;
	s14 =	sor.u32 $0x4000, s31;
	[tilespmem:s15+$0x1830 ss:$0x81] =	vst.msk $0xffff, v3  }
.LBB1_3:
0x34: {  	v3 =	vld [tilespmem:s18+$0x10];
	p1 =	sne.s32 s17, $0x1FC;
	[tilespmem:s15+$0x810 ss:$0x81] =	vst.msk $0xffff, v2;
	s19 =	smov.u32 s17;
	s17 =	sadd.s32 $0x4, s17  }
.Ltmp3:
0x35: {  	v2 =	vld [tilespmem:s18+$0xFFFFFFF0];
	[tilespmem:s15+$0x1020 ss:$0x81] =	vst.msk $0xffff, v0;
	(pc) =	sbr.rel @p1 .LBB1_3-.Ltmp3, $4  }
0x36: {  	v0 =	vld [tilespmem:s18+$0x0];
	[tilespmem:s15+$0x0 ss:$0x81] =	vst.msk $0xffff, v1  }
0x37: {  	s15 =	sshra.s32 s19, $0x2;
	v1 =	vld [tilespmem:s18+$0xFFFFFFE0]  }
0x38: {  	s15 =	sadd.s32 s15, s16  }
0x39: {  	s18 =	sadd.s32 $0x40, s18;
	[tilespmem:s15+$0x1830 ss:$0x81] =	vst.msk $0xffff, v3  }
.Ltmp4:
0x3a: {  	_ = 	snop;
	(pc) =	sbr.rel .LBB1_4-.Ltmp4, $1  }
0x3b: {  	_ =	sdelay $0x3  }
.LBB1_6:
0x3c: {  	_ =	sfence.sel $0x180000  }
0x3d: {  	s2 =	simm.s32 $0x1;
	[bflag:$0x0] =	sbarrier.arrive $0xFFFF  }
0x3e: {  	s31 =	simm.s32 $0x2;
	[sflag:s2] =	ssyncpa.u1 $0x1  }
0x3f: {  	[sflag:s31] =	ssyncpa.u1 $0x1  }
0x40: {  	p0 =	sne.s32 s0, $0x0;
	_ =	strace $0x9000004A  }
0x41: {  	s0 =	sadd.s32 @!p0 $0x100000, s1;
	[bflag:$0x2] =	sbarrier.arrive $0xFFFF  }
0x42: {  	[sflag:s0] =	ssyncadd.tile.s32 @!p0 $0x1;
	_ =	shalt  }
.Lfunc_end1:
_tile_overlayer_lowered:
.L_overlay_start_2:
0x43: {  	(tag) =	ssettag $0x2  }
0x44: {  	s0 =	rddreg [dreg:$0x0];
	s2 =	stileid.u32  }
0x45: {  	s1 =	rddreg [dreg:$0x1];
	p0 =	sne.s32 s2, $0x0  }
0x46: {  	s3 =	rddreg [dreg:$0x2];
	[bflag:$0x3] =	sbarrier.arrive $0xFFFF;
	s2 =	simm.s32 @!p0 $0x1C01  }
0x47: {  	[timem:s3], [sflag:s2] =	dma.local @!p0 [hbm:s0], s1  }
0x48: {  	s0 =	simm.s32 @!p0 $0x1  }
0x49: {  	_ =	swait.ge @!p0 [sflag:s0], s1  }
0x4a: {  	s1 =	ssub.s32 @!p0 $0x0, s1;
	[sflag:s0] =	ssyncset.done @!p0 $0x0  }
0x4b: {  	[sflag:s0] =	ssyncadd.s32 @!p0 s1  }
0x4c: {  	[bflag:$0x3] =	sbarrier.arrive $0xFFFF  }
0x4d: {  	_ =	shalt  }

</sc_bundles>
